<compile_context>
chip_gen: v7x
topology: tpu7x:2x2x1
jax: 0.10.2.dev20260603
libtpu: 0.0.44.dev20260713+nightly
codegen_flags: <defaults>
</compile_context>

<pallas_src>
import jax
import jax.numpy as jnp
import numpy as np
from jax.experimental import pallas as pl

_H = 512
_W = 512
_BORDER = 8
_K = 512
_GK = 15
_SIGMA = 0.5
_NEG = -1e30


def _border_mask():
    r = jax.lax.broadcasted_iota(jnp.int32, (_H, _W), 0)
    c = jax.lax.broadcasted_iota(jnp.int32, (_H, _W), 1)
    return ((r >= _BORDER) & (r < _H - _BORDER)
            & (c >= _BORDER) & (c < _W - _BORDER)).astype(jnp.float32)


def _shift_rows(x, d, fill):
    pad = jnp.full((abs(d), _W), fill, x.dtype)
    if d > 0:
        return jnp.concatenate([pad, x[:-d, :]], axis=0)
    return jnp.concatenate([x[-d:, :], pad], axis=0)


def _shift_cols(x, d, fill):
    pad = jnp.full((_H, abs(d)), fill, x.dtype)
    if d > 0:
        return jnp.concatenate([pad, x[:, :-d]], axis=1)
    return jnp.concatenate([x[:, -d:], pad], axis=1)


def _nms_one(x, bm):
    x = x * bm
    x = jnp.where(x < 0.0, 0.0, x)
    mv = x
    for d in (-2, -1, 1, 2):
        mv = jnp.maximum(mv, _shift_rows(x, d, _NEG))
    mh = mv
    for d in (-2, -1, 1, 2):
        mh = jnp.maximum(mh, _shift_cols(mv, d, _NEG))
    keep = (x >= mh) & (x > 0.0)
    return x * keep.astype(x.dtype)


def _nms_kernel(s1_ref, w2_ref, o1_ref, o2_ref):
    bm = _border_mask()
    o1_ref[0] = _nms_one(s1_ref[0], bm)
    o2_ref[0] = _nms_one(w2_ref[0], bm)


def _loss_kernel(s1_ref, g_ref, t_ref, v_ref, ls_ref, vs_ref):
    mu = _GK // 2
    wts = np.exp(-((np.arange(_GK) - mu) ** 2) / (2.0 * _SIGMA ** 2)).astype(np.float32)
    x = g_ref[0] * t_ref[0]
    acc = wts[mu] * x
    for d in range(1, mu + 1):
        acc = acc + wts[mu - d] * _shift_rows(x, d, 0.0)
        acc = acc + wts[mu + d] * _shift_rows(x, -d, 0.0)
    g = wts[mu] * acc
    for d in range(1, mu + 1):
        g = g + wts[mu - d] * _shift_cols(acc, d, 0.0)
        g = g + wts[mu + d] * _shift_cols(acc, -d, 0.0)
    s1f = s1_ref[0] * _border_mask()
    v = v_ref[0]
    diff = s1f - g
    i = pl.program_id(0)
    ls_ref[pl.ds(i, 1), :] = jnp.sum(diff * diff * v).reshape(1, 1)
    vs_ref[pl.ds(i, 1), :] = jnp.sum(v).reshape(1, 1)


def _warp(img, homo):
    B, C, H, W = img.shape
    ys, xs = jnp.meshgrid(jnp.arange(H, dtype=jnp.float32),
                          jnp.arange(W, dtype=jnp.float32), indexing='ij')
    grid = jnp.stack([xs.reshape(-1), ys.reshape(-1),
                      jnp.ones(H * W, jnp.float32)], axis=0)

    def one(im_b, h_b):
        w = h_b @ grid
        x = w[0] / (w[2] + 1e-8)
        y = w[1] / (w[2] + 1e-8)
        x0 = jnp.floor(x); y0 = jnp.floor(y)
        x1 = x0 + 1.0; y1 = y0 + 1.0
        wa = (x1 - x) * (y1 - y)
        wb = (x1 - x) * (y - y0)
        wc = (x - x0) * (y1 - y)
        wd = (x - x0) * (y - y0)

        def gather(xi, yi):
            xi_c = jnp.clip(xi, 0.0, W - 1.0).astype(jnp.int32)
            yi_c = jnp.clip(yi, 0.0, H - 1.0).astype(jnp.int32)
            valid = ((xi >= 0.0) & (xi <= W - 1.0)
                     & (yi >= 0.0) & (yi <= H - 1.0)).astype(im_b.dtype)
            return im_b[:, yi_c, xi_c] * valid[None, :]

        out = (wa[None] * gather(x0, y0) + wb[None] * gather(x0, y1)
               + wc[None] * gather(x1, y0) + wd[None] * gather(x1, y1))
        return out.reshape(C, H, W)

    return jax.vmap(one)(img, homo)


def kernel(score1, score2, homo12):
    B, C, H, W = score1.shape
    w_score2 = _warp(score2, homo12)
    w_vis = (_warp(jnp.ones_like(score2), homo12) > 0).astype(jnp.float32)

    s1 = score1.reshape(B, H, W)
    w2 = w_score2.reshape(B, H, W)

    o1, o2 = pl.pallas_call(
        _nms_kernel,
        grid=(B,),
        in_specs=[pl.BlockSpec((1, H, W), lambda i: (i, 0, 0)),
                  pl.BlockSpec((1, H, W), lambda i: (i, 0, 0))],
        out_specs=[pl.BlockSpec((1, H, W), lambda i: (i, 0, 0)),
                   pl.BlockSpec((1, H, W), lambda i: (i, 0, 0))],
        out_shape=[jax.ShapeDtypeStruct((B, H, W), jnp.float32),
                   jax.ShapeDtypeStruct((B, H, W), jnp.float32)],
    )(s1, w2)

    _, idx1 = jax.lax.top_k(o1.reshape(B, H * W), _K)
    kp = jnp.stack([idx1 // W, idx1 % W], axis=-1).reshape(B, C, _K, 2)

    _, idx2 = jax.lax.top_k(o2.reshape(B, H * W), _K)
    rows = jnp.repeat(jnp.arange(B), _K)
    tmask = jnp.zeros((B, H * W), jnp.float32).at[rows, idx2.reshape(-1)].set(1.0)
    tmask = tmask.reshape(B, H, W)

    ls, vs = pl.pallas_call(
        _loss_kernel,
        grid=(B,),
        in_specs=[pl.BlockSpec((1, H, W), lambda i: (i, 0, 0)),
                  pl.BlockSpec((1, H, W), lambda i: (i, 0, 0)),
                  pl.BlockSpec((1, H, W), lambda i: (i, 0, 0)),
                  pl.BlockSpec((1, H, W), lambda i: (i, 0, 0))],
        out_specs=[pl.BlockSpec((4, 1), lambda i: (0, 0)),
                   pl.BlockSpec((4, 1), lambda i: (0, 0))],
        out_shape=[jax.ShapeDtypeStruct((B, 1), jnp.float32),
                   jax.ShapeDtypeStruct((B, 1), jnp.float32)],
    )(s1, o2, tmask, w_vis.reshape(B, H, W))

    loss = ls.sum() / vs.sum() * 100.0
    return (loss, kp)

# --- scband reference (transcript-rebuilt; emitter-appended) ---
"""Pipeline reference for scband-msediff-rfloss-40767829573844 (READ-ONLY COPY).

The authoritative reference and input builder live on the scoring server;
editing this copy changes nothing except your own understanding.
"""

import jax, jax.numpy as jnp
import numpy as np

NMS_THRESH = 0.0
NMS_KSIZE = 5
TOP_K = 512
GAUSS_KSIZE = 15
GAUSS_SIGMA = 0.5
LOSS_LAMBDA = 100.0
BORDER = 8


def setup_inputs(seed: int = 0):
    key = jax.random.key(seed)
    k1, k2, k3 = jax.random.split(key, 3)
    B, C, H, W = 4, 1, 512, 512
    score1 = jax.random.uniform(k1, (B, C, H, W), dtype=jnp.float32)
    score2 = jax.random.uniform(k2, (B, C, H, W), dtype=jnp.float32)
    # near-identity homographies so warps stay mostly in-bounds (norm > 0)
    homo12 = jnp.eye(3, dtype=jnp.float32)[None, :, :] + 0.01 * jax.random.normal(k3, (B, 3, 3), dtype=jnp.float32)
    return {"score1": score1, "score2": score2, "homo12": homo12}


def _bilinear_sample(img, x, y):
    # img: C x H x W ; x, y: (HW,) pixel coords into img; zeros outside
    C, H, W = img.shape
    x0 = jnp.floor(x); y0 = jnp.floor(y)
    x1 = x0 + 1.0; y1 = y0 + 1.0
    wa = (x1 - x) * (y1 - y)
    wb = (x1 - x) * (y - y0)
    wc = (x - x0) * (y1 - y)
    wd = (x - x0) * (y - y0)
    def gather(xi, yi):
        xi_c = jnp.clip(xi, 0.0, W - 1.0).astype(jnp.int32)
        yi_c = jnp.clip(yi, 0.0, H - 1.0).astype(jnp.int32)
        valid = ((xi >= 0.0) & (xi <= W - 1.0) & (yi >= 0.0) & (yi <= H - 1.0)).astype(img.dtype)
        vals = img[:, yi_c, xi_c]
        return vals * valid[None, :]
    Ia = gather(x0, y0); Ib = gather(x0, y1); Ic = gather(x1, y0); Id = gather(x1, y1)
    return wa[None, :] * Ia + wb[None, :] * Ib + wc[None, :] * Ic + wd[None, :] * Id


def warp_image(ref, img, homo):
    # warp img into ref frame: out(p) = img(homo @ p), bilinear, zero padding
    B, C, H, W = ref.shape
    ys, xs = jnp.meshgrid(jnp.arange(H, dtype=jnp.float32), jnp.arange(W, dtype=jnp.float32), indexing='ij')
    grid = jnp.stack([xs.reshape(-1), ys.reshape(-1), jnp.ones(H * W, dtype=jnp.float32)], axis=0)
    def one(im_b, h_b):
        w = h_b @ grid
        wx = w[0] / (w[2] + 1e-8)
        wy = w[1] / (w[2] + 1e-8)
        return _bilinear_sample(im_b, wx, wy).reshape(C, H, W)
    return jax.vmap(one)(img, homo)


def filter_border(x, radius=BORDER):
    B, C, H, W = x.shape
    mask = jnp.zeros((H, W), x.dtype).at[radius:H - radius, radius:W - radius].set(1.0)
    return x * mask[None, None, :, :]


def nms(x, thresh, ksize):
    x = jnp.where(x < thresh, 0.0, x)
    maxv = jax.lax.reduce_window(x, -jnp.inf, jax.lax.max, (1, 1, ksize, ksize), (1, 1, 1, 1), 'SAME')
    mask = (x >= maxv) & (x > 0.0)
    return mask.astype(x.dtype)


def topk_mask_and_kp(x, k):
    B, C, H, W = x.shape
    flat = x.reshape(B * C, H * W)
    vals, idx = jax.lax.top_k(flat, k)
    rows = jnp.repeat(jnp.arange(B * C), k)
    mask = jnp.zeros_like(flat).at[rows, idx.reshape(-1)].set(1.0)
    mask = mask.reshape(B, C, H, W)
    kp_y = idx // W
    kp_x = idx % W
    kp = jnp.stack([kp_y, kp_x], axis=-1).reshape(B, C, k, 2)
    return mask, kp


def select_score_and_keypoints(score, thresh, nms_ksize, k):
    m = nms(score, thresh, nms_ksize)
    s = score * m
    tmask, kp = topk_mask_and_kp(s, k)
    return s * tmask, kp


def gaussian_filter(x, ksize, sigma):
    mu = ksize // 2
    ax = jnp.arange(ksize, dtype=jnp.float32)
    gx, gy = jnp.meshgrid(ax, ax, indexing='ij')
    kern = jnp.exp(-((gx - mu) ** 2 + (gy - mu) ** 2) / (2.0 * sigma ** 2))
    B, C, H, W = x.shape
    kern = kern[None, None, :, :]
    out = jax.lax.conv_general_dilated(x.reshape(B * C, 1, H, W), kern, (1, 1), 'SAME')
    return out.reshape(B, C, H, W)


def reference(score1, score2, homo12):
    w_score2 = warp_image(score1, score2, homo12)
    s1 = filter_border(score1)
    w_score2 = filter_border(w_score2)
    w_vis_mask = (warp_image(s1, jnp.ones_like(score2), homo12) > 0).astype(jnp.float32)
    _, kp1 = select_score_and_keypoints(s1, NMS_THRESH, NMS_KSIZE, TOP_K)
    gt_score1, _ = select_score_and_keypoints(w_score2, NMS_THRESH, NMS_KSIZE, TOP_K)
    gt_score1 = gaussian_filter(gt_score1, GAUSS_KSIZE, GAUSS_SIGMA)
    norm = w_vis_mask.sum()
    loss = ((s1 - gt_score1) ** 2) * w_vis_mask / norm
    loss = loss.sum() * LOSS_LAMBDA
    return (loss, kp1)

if __name__ == "__main__":
    import jax
    _d = setup_inputs()
    print(jax.jit(kernel)(*tuple(_d.values())))

</pallas_src>

<mosaic_0001>
module attributes {stable_mosaic.version = 14 : i64} {
  func.func @_nms_kernel(%arg0: i32, %arg1: memref<1x512x512xf32, #tpu.memory_space<vmem>>, %arg2: memref<1x512x512xf32, #tpu.memory_space<vmem>>, %arg3: memref<1x512x512xf32, #tpu.memory_space<vmem>>, %arg4: memref<1x512x512xf32, #tpu.memory_space<vmem>>) attributes {dimension_semantics = [#tpu.dimension_semantics<arbitrary>], iteration_bounds = array<i64: 4>, scalar_prefetch = 0 : i64, scratch_operands = 0 : i64, tpu.core_type = #tpu.core_type<tc>, window_params = [{transform_indices = @transform_0, window_bounds = array<i64: 1, 512, 512>}, {transform_indices = @transform_1, window_bounds = array<i64: 1, 512, 512>}, {transform_indices = @transform_2, window_bounds = array<i64: 1, 512, 512>}, {transform_indices = @transform_3, window_bounds = array<i64: 1, 512, 512>}]} {
    %iota3A = tpu.iota {dimensions = array<i32: 0>} : vector<512x512xi32>
    %iota3A_0 = tpu.iota {dimensions = array<i32: 1>} : vector<512x512xi32>
    %ge3A = arith.constant 8 : i32
    %ge3A_1 = vector.broadcast %ge3A : i32 to vector<512x512xi32>
    %ge3A_2 = arith.cmpi sge, %iota3A, %ge3A_1 : vector<512x512xi32>
    %lt3A = arith.constant 504 : i32
    %lt3A_3 = vector.broadcast %lt3A : i32 to vector<512x512xi32>
    %lt3A_4 = arith.cmpi slt, %iota3A, %lt3A_3 : vector<512x512xi32>
    %and3A = arith.andi %ge3A_2, %lt3A_4 : vector<512x512xi1>
    %ge3A_5 = arith.constant 8 : i32
    %ge3A_6 = vector.broadcast %ge3A_5 : i32 to vector<512x512xi32>
    %ge3A_7 = arith.cmpi sge, %iota3A_0, %ge3A_6 : vector<512x512xi32>
    %and3A_8 = arith.andi %and3A, %ge3A_7 : vector<512x512xi1>
    %lt3A_9 = arith.constant 504 : i32
    %lt3A_10 = vector.broadcast %lt3A_9 : i32 to vector<512x512xi32>
    %lt3A_11 = arith.cmpi slt, %iota3A_0, %lt3A_10 : vector<512x512xi32>
    %and3A_12 = arith.andi %and3A_8, %lt3A_11 : vector<512x512xi1>
    %convert_element_type3A = arith.extui %and3A_12 : vector<512x512xi1> to vector<512x512xi32>
    %convert_element_type3A_13 = arith.sitofp %convert_element_type3A : vector<512x512xi32> to vector<512x512xf32>
    %get3A = arith.constant 0 : index
    %get3A_14 = arith.constant 0 : index
    %get3A_15 = arith.constant 0 : index
    %get3A_16 = vector.load %arg1[%get3A, %get3A_14, %get3A_15] : memref<1x512x512xf32, #tpu.memory_space<vmem>>, vector<1x512x512xf32>
    %get3A_17 = vector.shape_cast %get3A_16 : vector<1x512x512xf32> to vector<512x512xf32>
    %mul3A = arith.mulf %get3A_17, %convert_element_type3A_13 : vector<512x512xf32>
    %lt3A_18 = arith.constant 0.000000e+00 : f32
    %lt3A_19 = vector.broadcast %lt3A_18 : f32 to vector<512x512xf32>
    %lt3A_20 = arith.cmpf olt, %mul3A, %lt3A_19 : vector<512x512xf32>
    %jit3A = arith.constant 0.000000e+00 : f32
    %broadcast_in_dim3A = vector.broadcast %jit3A : f32 to vector<512x512xf32>
    %select_n3A = arith.select %lt3A_20, %broadcast_in_dim3A, %mul3A : vector<512x512xi1>, vector<512x512xf32>
    %broadcast_in_dim3A_21 = arith.constant -1.000000e+30 : f32
    %broadcast_in_dim3A_22 = vector.broadcast %broadcast_in_dim3A_21 : f32 to vector<2x512xf32>
    %slice3A = vector.extract_strided_slice %select_n3A {offsets = [2, 0], sizes = [510, 512], strides = [1, 1]} : vector<512x512xf32> to vector<510x512xf32>
    %concatenate3A = tpu.concatenate %slice3A, %broadcast_in_dim3A_22 in 0 : vector<510x512xf32>, vector<2x512xf32> -> vector<512x512xf32>
    %max3A = arith.maximumf %select_n3A, %concatenate3A : vector<512x512xf32>
    %broadcast_in_dim3A_23 = arith.constant -1.000000e+30 : f32
    %broadcast_in_dim3A_24 = vector.broadcast %broadcast_in_dim3A_23 : f32 to vector<1x512xf32>
    %slice3A_25 = vector.extract_strided_slice %select_n3A {offsets = [1, 0], sizes = [511, 512], strides = [1, 1]} : vector<512x512xf32> to vector<511x512xf32>
    %concatenate3A_26 = tpu.concatenate %slice3A_25, %broadcast_in_dim3A_24 in 0 : vector<511x512xf32>, vector<1x512xf32> -> vector<512x512xf32>
    %max3A_27 = arith.maximumf %max3A, %concatenate3A_26 : vector<512x512xf32>
    %broadcast_in_dim3A_28 = arith.constant -1.000000e+30 : f32
    %broadcast_in_dim3A_29 = vector.broadcast %broadcast_in_dim3A_28 : f32 to vector<1x512xf32>
    %slice3A_30 = vector.extract_strided_slice %select_n3A {offsets = [0, 0], sizes = [511, 512], strides = [1, 1]} : vector<512x512xf32> to vector<511x512xf32>
    %concatenate3A_31 = tpu.concatenate %broadcast_in_dim3A_29, %slice3A_30 in 0 : vector<1x512xf32>, vector<511x512xf32> -> vector<512x512xf32>
    %max3A_32 = arith.maximumf %max3A_27, %concatenate3A_31 : vector<512x512xf32>
    %broadcast_in_dim3A_33 = arith.constant -1.000000e+30 : f32
    %broadcast_in_dim3A_34 = vector.broadcast %broadcast_in_dim3A_33 : f32 to vector<2x512xf32>
    %slice3A_35 = vector.extract_strided_slice %select_n3A {offsets = [0, 0], sizes = [510, 512], strides = [1, 1]} : vector<512x512xf32> to vector<510x512xf32>
    %concatenate3A_36 = tpu.concatenate %broadcast_in_dim3A_34, %slice3A_35 in 0 : vector<2x512xf32>, vector<510x512xf32> -> vector<512x512xf32>
    %max3A_37 = arith.maximumf %max3A_32, %concatenate3A_36 : vector<512x512xf32>
    %broadcast_in_dim3A_38 = arith.constant -1.000000e+30 : f32
    %broadcast_in_dim3A_39 = vector.broadcast %broadcast_in_dim3A_38 : f32 to vector<512x2xf32>
    %slice3A_40 = vector.extract_strided_slice %max3A_37 {offsets = [0, 2], sizes = [512, 510], strides = [1, 1]} : vector<512x512xf32> to vector<512x510xf32>
    %concatenate3A_41 = tpu.concatenate %slice3A_40, %broadcast_in_dim3A_39 in 1 : vector<512x510xf32>, vector<512x2xf32> -> vector<512x512xf32>
    %max3A_42 = arith.maximumf %max3A_37, %concatenate3A_41 : vector<512x512xf32>
    %broadcast_in_dim3A_43 = arith.constant -1.000000e+30 : f32
    %broadcast_in_dim3A_44 = vector.broadcast %broadcast_in_dim3A_43 : f32 to vector<512x1xf32>
    %slice3A_45 = vector.extract_strided_slice %max3A_37 {offsets = [0, 1], sizes = [512, 511], strides = [1, 1]} : vector<512x512xf32> to vector<512x511xf32>
    %concatenate3A_46 = tpu.concatenate %slice3A_45, %broadcast_in_dim3A_44 in 1 : vector<512x511xf32>, vector<512x1xf32> -> vector<512x512xf32>
    %max3A_47 = arith.maximumf %max3A_42, %concatenate3A_46 : vector<512x512xf32>
    %broadcast_in_dim3A_48 = arith.constant -1.000000e+30 : f32
    %broadcast_in_dim3A_49 = vector.broadcast %broadcast_in_dim3A_48 : f32 to vector<512x1xf32>
    %slice3A_50 = vector.extract_strided_slice %max3A_37 {offsets = [0, 0], sizes = [512, 511], strides = [1, 1]} : vector<512x512xf32> to vector<512x511xf32>
    %concatenate3A_51 = tpu.concatenate %broadcast_in_dim3A_49, %slice3A_50 in 1 : vector<512x1xf32>, vector<512x511xf32> -> vector<512x512xf32>
    %max3A_52 = arith.maximumf %max3A_47, %concatenate3A_51 : vector<512x512xf32>
    %broadcast_in_dim3A_53 = arith.constant -1.000000e+30 : f32
    %broadcast_in_dim3A_54 = vector.broadcast %broadcast_in_dim3A_53 : f32 to vector<512x2xf32>
    %slice3A_55 = vector.extract_strided_slice %max3A_37 {offsets = [0, 0], sizes = [512, 510], strides = [1, 1]} : vector<512x512xf32> to vector<512x510xf32>
    %concatenate3A_56 = tpu.concatenate %broadcast_in_dim3A_54, %slice3A_55 in 1 : vector<512x2xf32>, vector<512x510xf32> -> vector<512x512xf32>
    %max3A_57 = arith.maximumf %max3A_52, %concatenate3A_56 : vector<512x512xf32>
    %ge3A_58 = arith.cmpf oge, %select_n3A, %max3A_57 : vector<512x512xf32>
    %gt3A = arith.constant 0.000000e+00 : f32
    %gt3A_59 = vector.broadcast %gt3A : f32 to vector<512x512xf32>
    %gt3A_60 = arith.cmpf ogt, %select_n3A, %gt3A_59 : vector<512x512xf32>
    %and3A_61 = arith.andi %ge3A_58, %gt3A_60 : vector<512x512xi1>
    %convert_element_type3A_62 = arith.extui %and3A_61 : vector<512x512xi1> to vector<512x512xi32>
    %convert_element_type3A_63 = arith.sitofp %convert_element_type3A_62 : vector<512x512xi32> to vector<512x512xf32>
    %mul3A_64 = arith.mulf %select_n3A, %convert_element_type3A_63 : vector<512x512xf32>
    %swap3A = arith.constant 0 : index
    %swap3A_65 = arith.constant 0 : index
    %swap3A_66 = arith.constant 0 : index
    %swap3A_67 = vector.load %arg3[%swap3A, %swap3A_65, %swap3A_66] : memref<1x512x512xf32, #tpu.memory_space<vmem>>, vector<1x512x512xf32>
    %swap3A_68 = vector.shape_cast %swap3A_67 : vector<1x512x512xf32> to vector<512x512xf32>
    %swap3A_69 = vector.shape_cast %mul3A_64 : vector<512x512xf32> to vector<1x512x512xf32>
    tpu.vector_store %arg3[%swap3A, %swap3A_65, %swap3A_66], %swap3A_69 {strides = array<i32>} : memref<1x512x512xf32, #tpu.memory_space<vmem>>, vector<1x512x512xf32>,
    %get3A_70 = arith.constant 0 : index
    %get3A_71 = arith.constant 0 : index
    %get3A_72 = arith.constant 0 : index
    %get3A_73 = vector.load %arg2[%get3A_70, %get3A_71, %get3A_72] : memref<1x512x512xf32, #tpu.memory_space<vmem>>, vector<1x512x512xf32>
    %get3A_74 = vector.shape_cast %get3A_73 : vector<1x512x512xf32> to vector<512x512xf32>
    %mul3A_75 = arith.mulf %get3A_74, %convert_element_type3A_13 : vector<512x512xf32>
    %lt3A_76 = arith.constant 0.000000e+00 : f32
    %lt3A_77 = vector.broadcast %lt3A_76 : f32 to vector<512x512xf32>
    %lt3A_78 = arith.cmpf olt, %mul3A_75, %lt3A_77 : vector<512x512xf32>
    %jit3A_79 = arith.constant 0.000000e+00 : f32
    %broadcast_in_dim3A_80 = vector.broadcast %jit3A_79 : f32 to vector<512x512xf32>
    %select_n3A_81 = arith.select %lt3A_78, %broadcast_in_dim3A_80, %mul3A_75 : vector<512x512xi1>, vector<512x512xf32>
    %broadcast_in_dim3A_82 = arith.constant -1.000000e+30 : f32
    %broadcast_in_dim3A_83 = vector.broadcast %broadcast_in_dim3A_82 : f32 to vector<2x512xf32>
    %slice3A_84 = vector.extract_strided_slice %select_n3A_81 {offsets = [2, 0], sizes = [510, 512], strides = [1, 1]} : vector<512x512xf32> to vector<510x512xf32>
    %concatenate3A_85 = tpu.concatenate %slice3A_84, %broadcast_in_dim3A_83 in 0 : vector<510x512xf32>, vector<2x512xf32> -> vector<512x512xf32>
    %max3A_86 = arith.maximumf %select_n3A_81, %concatenate3A_85 : vector<512x512xf32>
    %broadcast_in_dim3A_87 = arith.constant -1.000000e+30 : f32
    %broadcast_in_dim3A_88 = vector.broadcast %broadcast_in_dim3A_87 : f32 to vector<1x512xf32>
    %slice3A_89 = vector.extract_strided_slice %select_n3A_81 {offsets = [1, 0], sizes = [511, 512], strides = [1, 1]} : vector<512x512xf32> to vector<511x512xf32>
    %concatenate3A_90 = tpu.concatenate %slice3A_89, %broadcast_in_dim3A_88 in 0 : vector<511x512xf32>, vector<1x512xf32> -> vector<512x512xf32>
    %max3A_91 = arith.maximumf %max3A_86, %concatenate3A_90 : vector<512x512xf32>
    %broadcast_in_dim3A_92 = arith.constant -1.000000e+30 : f32
    %broadcast_in_dim3A_93 = vector.broadcast %broadcast_in_dim3A_92 : f32 to vector<1x512xf32>
    %slice3A_94 = vector.extract_strided_slice %select_n3A_81 {offsets = [0, 0], sizes = [511, 512], strides = [1, 1]} : vector<512x512xf32> to vector<511x512xf32>
    %concatenate3A_95 = tpu.concatenate %broadcast_in_dim3A_93, %slice3A_94 in 0 : vector<1x512xf32>, vector<511x512xf32> -> vector<512x512xf32>
    %max3A_96 = arith.maximumf %max3A_91, %concatenate3A_95 : vector<512x512xf32>
    %broadcast_in_dim3A_97 = arith.constant -1.000000e+30 : f32
    %broadcast_in_dim3A_98 = vector.broadcast %broadcast_in_dim3A_97 : f32 to vector<2x512xf32>
    %slice3A_99 = vector.extract_strided_slice %select_n3A_81 {offsets = [0, 0], sizes = [510, 512], strides = [1, 1]} : vector<512x512xf32> to vector<510x512xf32>
    %concatenate3A_100 = tpu.concatenate %broadcast_in_dim3A_98, %slice3A_99 in 0 : vector<2x512xf32>, vector<510x512xf32> -> vector<512x512xf32>
    %max3A_101 = arith.maximumf %max3A_96, %concatenate3A_100 : vector<512x512xf32>
    %broadcast_in_dim3A_102 = arith.constant -1.000000e+30 : f32
    %broadcast_in_dim3A_103 = vector.broadcast %broadcast_in_dim3A_102 : f32 to vector<512x2xf32>
    %slice3A_104 = vector.extract_strided_slice %max3A_101 {offsets = [0, 2], sizes = [512, 510], strides = [1, 1]} : vector<512x512xf32> to vector<512x510xf32>
    %concatenate3A_105 = tpu.concatenate %slice3A_104, %broadcast_in_dim3A_103 in 1 : vector<512x510xf32>, vector<512x2xf32> -> vector<512x512xf32>
    %max3A_106 = arith.maximumf %max3A_101, %concatenate3A_105 : vector<512x512xf32>
    %broadcast_in_dim3A_107 = arith.constant -1.000000e+30 : f32
    %broadcast_in_dim3A_108 = vector.broadcast %broadcast_in_dim3A_107 : f32 to vector<512x1xf32>
    %slice3A_109 = vector.extract_strided_slice %max3A_101 {offsets = [0, 1], sizes = [512, 511], strides = [1, 1]} : vector<512x512xf32> to vector<512x511xf32>
    %concatenate3A_110 = tpu.concatenate %slice3A_109, %broadcast_in_dim3A_108 in 1 : vector<512x511xf32>, vector<512x1xf32> -> vector<512x512xf32>
    %max3A_111 = arith.maximumf %max3A_106, %concatenate3A_110 : vector<512x512xf32>
    %broadcast_in_dim3A_112 = arith.constant -1.000000e+30 : f32
    %broadcast_in_dim3A_113 = vector.broadcast %broadcast_in_dim3A_112 : f32 to vector<512x1xf32>
    %slice3A_114 = vector.extract_strided_slice %max3A_101 {offsets = [0, 0], sizes = [512, 511], strides = [1, 1]} : vector<512x512xf32> to vector<512x511xf32>
    %concatenate3A_115 = tpu.concatenate %broadcast_in_dim3A_113, %slice3A_114 in 1 : vector<512x1xf32>, vector<512x511xf32> -> vector<512x512xf32>
    %max3A_116 = arith.maximumf %max3A_111, %concatenate3A_115 : vector<512x512xf32>
    %broadcast_in_dim3A_117 = arith.constant -1.000000e+30 : f32
    %broadcast_in_dim3A_118 = vector.broadcast %broadcast_in_dim3A_117 : f32 to vector<512x2xf32>
    %slice3A_119 = vector.extract_strided_slice %max3A_101 {offsets = [0, 0], sizes = [512, 510], strides = [1, 1]} : vector<512x512xf32> to vector<512x510xf32>
    %concatenate3A_120 = tpu.concatenate %broadcast_in_dim3A_118, %slice3A_119 in 1 : vector<512x2xf32>, vector<512x510xf32> -> vector<512x512xf32>
    %max3A_121 = arith.maximumf %max3A_116, %concatenate3A_120 : vector<512x512xf32>
    %ge3A_122 = arith.cmpf oge, %select_n3A_81, %max3A_121 : vector<512x512xf32>
    %gt3A_123 = arith.constant 0.000000e+00 : f32
    %gt3A_124 = vector.broadcast %gt3A_123 : f32 to vector<512x512xf32>
    %gt3A_125 = arith.cmpf ogt, %select_n3A_81, %gt3A_124 : vector<512x512xf32>
    %and3A_126 = arith.andi %ge3A_122, %gt3A_125 : vector<512x512xi1>
    %convert_element_type3A_127 = arith.extui %and3A_126 : vector<512x512xi1> to vector<512x512xi32>
    %convert_element_type3A_128 = arith.sitofp %convert_element_type3A_127 : vector<512x512xi32> to vector<512x512xf32>
    %mul3A_129 = arith.mulf %select_n3A_81, %convert_element_type3A_128 : vector<512x512xf32>
    %swap3A_130 = arith.constant 0 : index
    %swap3A_131 = arith.constant 0 : index
    %swap3A_132 = arith.constant 0 : index
    %swap3A_133 = vector.load %arg4[%swap3A_130, %swap3A_131, %swap3A_132] : memref<1x512x512xf32, #tpu.memory_space<vmem>>, vector<1x512x512xf32>
    %swap3A_134 = vector.shape_cast %swap3A_133 : vector<1x512x512xf32> to vector<512x512xf32>
    %swap3A_135 = vector.shape_cast %mul3A_129 : vector<512x512xf32> to vector<1x512x512xf32>
    tpu.vector_store %arg4[%swap3A_130, %swap3A_131, %swap3A_132], %swap3A_135 {strides = array<i32>} : memref<1x512x512xf32, #tpu.memory_space<vmem>>, vector<1x512x512xf32>,
    return
  }
  func.func @transform_0(%arg0: i32) -> (i32, i32, i32) {
    %c0_i32 = arith.constant 0 : i32
    %c0_i32_0 = arith.constant 0 : i32
    %c0_i32_1 = arith.constant 0 : i32
    return %arg0, %c0_i32, %c0_i32_0 : i32, i32, i32
  }
  func.func @transform_1(%arg0: i32) -> (i32, i32, i32) {
    %c0_i32 = arith.constant 0 : i32
    %c0_i32_0 = arith.constant 0 : i32
    %c0_i32_1 = arith.constant 0 : i32
    return %arg0, %c0_i32, %c0_i32_0 : i32, i32, i32
  }
  func.func @transform_2(%arg0: i32) -> (i32, i32, i32) {
    %c0_i32 = arith.constant 0 : i32
    %c0_i32_0 = arith.constant 0 : i32
    %c0_i32_1 = arith.constant 0 : i32
    return %arg0, %c0_i32, %c0_i32_0 : i32, i32, i32
  }
  func.func @transform_3(%arg0: i32) -> (i32, i32, i32) {
    %c0_i32 = arith.constant 0 : i32
    %c0_i32_0 = arith.constant 0 : i32
    %c0_i32_1 = arith.constant 0 : i32
    return %arg0, %c0_i32, %c0_i32_0 : i32, i32, i32
  }
}

module attributes {stable_mosaic.version = 14 : i64} {
  func.func @_loss_kernel(%arg0: i32, %arg1: memref<1x512x512xf32, #tpu.memory_space<vmem>>, %arg2: memref<1x512x512xf32, #tpu.memory_space<vmem>>, %arg3: memref<1x512x512xf32, #tpu.memory_space<vmem>>, %arg4: memref<1x512x512xf32, #tpu.memory_space<vmem>>, %arg5: memref<4x1xf32, #tpu.memory_space<vmem>>, %arg6: memref<4x1xf32, #tpu.memory_space<vmem>>) attributes {dimension_semantics = [#tpu.dimension_semantics<arbitrary>], iteration_bounds = array<i64: 4>, scalar_prefetch = 0 : i64, scratch_operands = 0 : i64, tpu.core_type = #tpu.core_type<tc>, window_params = [{transform_indices = @transform_0, window_bounds = array<i64: 1, 512, 512>}, {transform_indices = @transform_1, window_bounds = array<i64: 1, 512, 512>}, {transform_indices = @transform_2, window_bounds = array<i64: 1, 512, 512>}, {transform_indices = @transform_3, window_bounds = array<i64: 1, 512, 512>}, {pipeline_mode = #tpu.pipeline_mode<synchronous>, transform_indices = @transform_4, window_bounds = array<i64: 4, 1>}, {pipeline_mode = #tpu.pipeline_mode<synchronous>, transform_indices = @transform_5, window_bounds = array<i64: 4, 1>}]} {
    %get3A = arith.constant 0 : index
    %get3A_0 = arith.constant 0 : index
    %get3A_1 = arith.constant 0 : index
    %get3A_2 = vector.load %arg2[%get3A, %get3A_0, %get3A_1] : memref<1x512x512xf32, #tpu.memory_space<vmem>>, vector<1x512x512xf32>
    %get3A_3 = vector.shape_cast %get3A_2 : vector<1x512x512xf32> to vector<512x512xf32>
    %get3A_4 = arith.constant 0 : index
    %get3A_5 = arith.constant 0 : index
    %get3A_6 = arith.constant 0 : index
    %get3A_7 = vector.load %arg3[%get3A_4, %get3A_5, %get3A_6] : memref<1x512x512xf32, #tpu.memory_space<vmem>>, vector<1x512x512xf32>
    %get3A_8 = vector.shape_cast %get3A_7 : vector<1x512x512xf32> to vector<512x512xf32>
    %mul3A = arith.mulf %get3A_3, %get3A_8 : vector<512x512xf32>
    %mul3A_9 = arith.constant 1.000000e+00 : f32
    %mul3A_10 = vector.broadcast %mul3A_9 : f32 to vector<512x512xf32>
    %mul3A_11 = arith.mulf %mul3A_10, %mul3A : vector<512x512xf32>
    %broadcast_in_dim3A = arith.constant 0.000000e+00 : f32
    %broadcast_in_dim3A_12 = vector.broadcast %broadcast_in_dim3A : f32 to vector<1x512xf32>
    %slice3A = vector.extract_strided_slice %mul3A {offsets = [0, 0], sizes = [511, 512], strides = [1, 1]} : vector<512x512xf32> to vector<511x512xf32>
    %concatenate3A = tpu.concatenate %broadcast_in_dim3A_12, %slice3A in 0 : vector<1x512xf32>, vector<511x512xf32> -> vector<512x512xf32>
    %mul3A_13 = arith.constant 0.135335281 : f32
    %mul3A_14 = vector.broadcast %mul3A_13 : f32 to vector<512x512xf32>
    %mul3A_15 = arith.mulf %mul3A_14, %concatenate3A : vector<512x512xf32>
    %add3A = arith.addf %mul3A_11, %mul3A_15 : vector<512x512xf32>
    %broadcast_in_dim3A_16 = arith.constant 0.000000e+00 : f32
    %broadcast_in_dim3A_17 = vector.broadcast %broadcast_in_dim3A_16 : f32 to vector<1x512xf32>
    %slice3A_18 = vector.extract_strided_slice %mul3A {offsets = [1, 0], sizes = [511, 512], strides = [1, 1]} : vector<512x512xf32> to vector<511x512xf32>
    %concatenate3A_19 = tpu.concatenate %slice3A_18, %broadcast_in_dim3A_17 in 0 : vector<511x512xf32>, vector<1x512xf32> -> vector<512x512xf32>
    %mul3A_20 = arith.constant 0.135335281 : f32
    %mul3A_21 = vector.broadcast %mul3A_20 : f32 to vector<512x512xf32>
    %mul3A_22 = arith.mulf %mul3A_21, %concatenate3A_19 : vector<512x512xf32>
    %add3A_23 = arith.addf %add3A, %mul3A_22 : vector<512x512xf32>
    %broadcast_in_dim3A_24 = arith.constant 0.000000e+00 : f32
    %broadcast_in_dim3A_25 = vector.broadcast %broadcast_in_dim3A_24 : f32 to vector<2x512xf32>
    %slice3A_26 = vector.extract_strided_slice %mul3A {offsets = [0, 0], sizes = [510, 512], strides = [1, 1]} : vector<512x512xf32> to vector<510x512xf32>
    %concatenate3A_27 = tpu.concatenate %broadcast_in_dim3A_25, %slice3A_26 in 0 : vector<2x512xf32>, vector<510x512xf32> -> vector<512x512xf32>
    %mul3A_28 = arith.constant 3.35462624E-4 : f32
    %mul3A_29 = vector.broadcast %mul3A_28 : f32 to vector<512x512xf32>
    %mul3A_30 = arith.mulf %mul3A_29, %concatenate3A_27 : vector<512x512xf32>
    %add3A_31 = arith.addf %add3A_23, %mul3A_30 : vector<512x512xf32>
    %broadcast_in_dim3A_32 = arith.constant 0.000000e+00 : f32
    %broadcast_in_dim3A_33 = vector.broadcast %broadcast_in_dim3A_32 : f32 to vector<2x512xf32>
    %slice3A_34 = vector.extract_strided_slice %mul3A {offsets = [2, 0], sizes = [510, 512], strides = [1, 1]} : vector<512x512xf32> to vector<510x512xf32>
    %concatenate3A_35 = tpu.concatenate %slice3A_34, %broadcast_in_dim3A_33 in 0 : vector<510x512xf32>, vector<2x512xf32> -> vector<512x512xf32>
    %mul3A_36 = arith.constant 3.35462624E-4 : f32
    %mul3A_37 = vector.broadcast %mul3A_36 : f32 to vector<512x512xf32>
    %mul3A_38 = arith.mulf %mul3A_37, %concatenate3A_35 : vector<512x512xf32>
    %add3A_39 = arith.addf %add3A_31, %mul3A_38 : vector<512x512xf32>
    %broadcast_in_dim3A_40 = arith.constant 0.000000e+00 : f32
    %broadcast_in_dim3A_41 = vector.broadcast %broadcast_in_dim3A_40 : f32 to vector<3x512xf32>
    %slice3A_42 = vector.extract_strided_slice %mul3A {offsets = [0, 0], sizes = [509, 512], strides = [1, 1]} : vector<512x512xf32> to vector<509x512xf32>
    %concatenate3A_43 = tpu.concatenate %broadcast_in_dim3A_41, %slice3A_42 in 0 : vector<3x512xf32>, vector<509x512xf32> -> vector<512x512xf32>
    %mul3A_44 = arith.constant 1.52299791E-8 : f32
    %mul3A_45 = vector.broadcast %mul3A_44 : f32 to vector<512x512xf32>
    %mul3A_46 = arith.mulf %mul3A_45, %concatenate3A_43 : vector<512x512xf32>
    %add3A_47 = arith.addf %add3A_39, %mul3A_46 : vector<512x512xf32>
    %broadcast_in_dim3A_48 = arith.constant 0.000000e+00 : f32
    %broadcast_in_dim3A_49 = vector.broadcast %broadcast_in_dim3A_48 : f32 to vector<3x512xf32>
    %slice3A_50 = vector.extract_strided_slice %mul3A {offsets = [3, 0], sizes = [509, 512], strides = [1, 1]} : vector<512x512xf32> to vector<509x512xf32>
    %concatenate3A_51 = tpu.concatenate %slice3A_50, %broadcast_in_dim3A_49 in 0 : vector<509x512xf32>, vector<3x512xf32> -> vector<512x512xf32>
    %mul3A_52 = arith.constant 1.52299791E-8 : f32
    %mul3A_53 = vector.broadcast %mul3A_52 : f32 to vector<512x512xf32>
    %mul3A_54 = arith.mulf %mul3A_53, %concatenate3A_51 : vector<512x512xf32>
    %add3A_55 = arith.addf %add3A_47, %mul3A_54 : vector<512x512xf32>
    %broadcast_in_dim3A_56 = arith.constant 0.000000e+00 : f32
    %broadcast_in_dim3A_57 = vector.broadcast %broadcast_in_dim3A_56 : f32 to vector<4x512xf32>
    %slice3A_58 = vector.extract_strided_slice %mul3A {offsets = [0, 0], sizes = [508, 512], strides = [1, 1]} : vector<512x512xf32> to vector<508x512xf32>
    %concatenate3A_59 = tpu.concatenate %broadcast_in_dim3A_57, %slice3A_58 in 0 : vector<4x512xf32>, vector<508x512xf32> -> vector<512x512xf32>
    %mul3A_60 = arith.constant 1.26641658E-14 : f32
    %mul3A_61 = vector.broadcast %mul3A_60 : f32 to vector<512x512xf32>
    %mul3A_62 = arith.mulf %mul3A_61, %concatenate3A_59 : vector<512x512xf32>
    %add3A_63 = arith.addf %add3A_55, %mul3A_62 : vector<512x512xf32>
    %broadcast_in_dim3A_64 = arith.constant 0.000000e+00 : f32
    %broadcast_in_dim3A_65 = vector.broadcast %broadcast_in_dim3A_64 : f32 to vector<4x512xf32>
    %slice3A_66 = vector.extract_strided_slice %mul3A {offsets = [4, 0], sizes = [508, 512], strides = [1, 1]} : vector<512x512xf32> to vector<508x512xf32>
    %concatenate3A_67 = tpu.concatenate %slice3A_66, %broadcast_in_dim3A_65 in 0 : vector<508x512xf32>, vector<4x512xf32> -> vector<512x512xf32>
    %mul3A_68 = arith.constant 1.26641658E-14 : f32
    %mul3A_69 = vector.broadcast %mul3A_68 : f32 to vector<512x512xf32>
    %mul3A_70 = arith.mulf %mul3A_69, %concatenate3A_67 : vector<512x512xf32>
    %add3A_71 = arith.addf %add3A_63, %mul3A_70 : vector<512x512xf32>
    %broadcast_in_dim3A_72 = arith.constant 0.000000e+00 : f32
    %broadcast_in_dim3A_73 = vector.broadcast %broadcast_in_dim3A_72 : f32 to vector<5x512xf32>
    %slice3A_74 = vector.extract_strided_slice %mul3A {offsets = [0, 0], sizes = [507, 512], strides = [1, 1]} : vector<512x512xf32> to vector<507x512xf32>
    %concatenate3A_75 = tpu.concatenate %broadcast_in_dim3A_73, %slice3A_74 in 0 : vector<5x512xf32>, vector<507x512xf32> -> vector<512x512xf32>
    %mul3A_76 = arith.constant 1.92874989E-22 : f32
    %mul3A_77 = vector.broadcast %mul3A_76 : f32 to vector<512x512xf32>
    %mul3A_78 = arith.mulf %mul3A_77, %concatenate3A_75 : vector<512x512xf32>
    %add3A_79 = arith.addf %add3A_71, %mul3A_78 : vector<512x512xf32>
    %broadcast_in_dim3A_80 = arith.constant 0.000000e+00 : f32
    %broadcast_in_dim3A_81 = vector.broadcast %broadcast_in_dim3A_80 : f32 to vector<5x512xf32>
    %slice3A_82 = vector.extract_strided_slice %mul3A {offsets = [5, 0], sizes = [507, 512], strides = [1, 1]} : vector<512x512xf32> to vector<507x512xf32>
    %concatenate3A_83 = tpu.concatenate %slice3A_82, %broadcast_in_dim3A_81 in 0 : vector<507x512xf32>, vector<5x512xf32> -> vector<512x512xf32>
    %mul3A_84 = arith.constant 1.92874989E-22 : f32
    %mul3A_85 = vector.broadcast %mul3A_84 : f32 to vector<512x512xf32>
    %mul3A_86 = arith.mulf %mul3A_85, %concatenate3A_83 : vector<512x512xf32>
    %add3A_87 = arith.addf %add3A_79, %mul3A_86 : vector<512x512xf32>
    %broadcast_in_dim3A_88 = arith.constant 0.000000e+00 : f32
    %broadcast_in_dim3A_89 = vector.broadcast %broadcast_in_dim3A_88 : f32 to vector<6x512xf32>
    %slice3A_90 = vector.extract_strided_slice %mul3A {offsets = [0, 0], sizes = [506, 512], strides = [1, 1]} : vector<512x512xf32> to vector<506x512xf32>
    %concatenate3A_91 = tpu.concatenate %broadcast_in_dim3A_89, %slice3A_90 in 0 : vector<6x512xf32>, vector<506x512xf32> -> vector<512x512xf32>
    %mul3A_92 = arith.constant 5.38018592E-32 : f32
    %mul3A_93 = vector.broadcast %mul3A_92 : f32 to vector<512x512xf32>
    %mul3A_94 = arith.mulf %mul3A_93, %concatenate3A_91 : vector<512x512xf32>
    %add3A_95 = arith.addf %add3A_87, %mul3A_94 : vector<512x512xf32>
    %broadcast_in_dim3A_96 = arith.constant 0.000000e+00 : f32
    %broadcast_in_dim3A_97 = vector.broadcast %broadcast_in_dim3A_96 : f32 to vector<6x512xf32>
    %slice3A_98 = vector.extract_strided_slice %mul3A {offsets = [6, 0], sizes = [506, 512], strides = [1, 1]} : vector<512x512xf32> to vector<506x512xf32>
    %concatenate3A_99 = tpu.concatenate %slice3A_98, %broadcast_in_dim3A_97 in 0 : vector<506x512xf32>, vector<6x512xf32> -> vector<512x512xf32>
    %mul3A_100 = arith.constant 5.38018592E-32 : f32
    %mul3A_101 = vector.broadcast %mul3A_100 : f32 to vector<512x512xf32>
    %mul3A_102 = arith.mulf %mul3A_101, %concatenate3A_99 : vector<512x512xf32>
    %add3A_103 = arith.addf %add3A_95, %mul3A_102 : vector<512x512xf32>
    %broadcast_in_dim3A_104 = arith.constant 0.000000e+00 : f32
    %broadcast_in_dim3A_105 = vector.broadcast %broadcast_in_dim3A_104 : f32 to vector<7x512xf32>
    %slice3A_106 = vector.extract_strided_slice %mul3A {offsets = [0, 0], sizes = [505, 512], strides = [1, 1]} : vector<512x512xf32> to vector<505x512xf32>
    %concatenate3A_107 = tpu.concatenate %broadcast_in_dim3A_105, %slice3A_106 in 0 : vector<7x512xf32>, vector<505x512xf32> -> vector<512x512xf32>
    %mul3A_108 = arith.constant 2.746540e-43 : f32
    %mul3A_109 = vector.broadcast %mul3A_108 : f32 to vector<512x512xf32>
    %mul3A_110 = arith.mulf %mul3A_109, %concatenate3A_107 : vector<512x512xf32>
    %add3A_111 = arith.addf %add3A_103, %mul3A_110 : vector<512x512xf32>
    %broadcast_in_dim3A_112 = arith.constant 0.000000e+00 : f32
    %broadcast_in_dim3A_113 = vector.broadcast %broadcast_in_dim3A_112 : f32 to vector<7x512xf32>
    %slice3A_114 = vector.extract_strided_slice %mul3A {offsets = [7, 0], sizes = [505, 512], strides = [1, 1]} : vector<512x512xf32> to vector<505x512xf32>
    %concatenate3A_115 = tpu.concatenate %slice3A_114, %broadcast_in_dim3A_113 in 0 : vector<505x512xf32>, vector<7x512xf32> -> vector<512x512xf32>
    %mul3A_116 = arith.constant 2.746540e-43 : f32
    %mul3A_117 = vector.broadcast %mul3A_116 : f32 to vector<512x512xf32>
    %mul3A_118 = arith.mulf %mul3A_117, %concatenate3A_115 : vector<512x512xf32>
    %add3A_119 = arith.addf %add3A_111, %mul3A_118 : vector<512x512xf32>
    %mul3A_120 = arith.constant 1.000000e+00 : f32
    %mul3A_121 = vector.broadcast %mul3A_120 : f32 to vector<512x512xf32>
    %mul3A_122 = arith.mulf %mul3A_121, %add3A_119 : vector<512x512xf32>
    %broadcast_in_dim3A_123 = arith.constant 0.000000e+00 : f32
    %broadcast_in_dim3A_124 = vector.broadcast %broadcast_in_dim3A_123 : f32 to vector<512x1xf32>
    %slice3A_125 = vector.extract_strided_slice %add3A_119 {offsets = [0, 0], sizes = [512, 511], strides = [1, 1]} : vector<512x512xf32> to vector<512x511xf32>
    %concatenate3A_126 = tpu.concatenate %broadcast_in_dim3A_124, %slice3A_125 in 1 : vector<512x1xf32>, vector<512x511xf32> -> vector<512x512xf32>
    %mul3A_127 = arith.constant 0.135335281 : f32
    %mul3A_128 = vector.broadcast %mul3A_127 : f32 to vector<512x512xf32>
    %mul3A_129 = arith.mulf %mul3A_128, %concatenate3A_126 : vector<512x512xf32>
    %add3A_130 = arith.addf %mul3A_122, %mul3A_129 : vector<512x512xf32>
    %broadcast_in_dim3A_131 = arith.constant 0.000000e+00 : f32
    %broadcast_in_dim3A_132 = vector.broadcast %broadcast_in_dim3A_131 : f32 to vector<512x1xf32>
    %slice3A_133 = vector.extract_strided_slice %add3A_119 {offsets = [0, 1], sizes = [512, 511], strides = [1, 1]} : vector<512x512xf32> to vector<512x511xf32>
    %concatenate3A_134 = tpu.concatenate %slice3A_133, %broadcast_in_dim3A_132 in 1 : vector<512x511xf32>, vector<512x1xf32> -> vector<512x512xf32>
    %mul3A_135 = arith.constant 0.135335281 : f32
    %mul3A_136 = vector.broadcast %mul3A_135 : f32 to vector<512x512xf32>
    %mul3A_137 = arith.mulf %mul3A_136, %concatenate3A_134 : vector<512x512xf32>
    %add3A_138 = arith.addf %add3A_130, %mul3A_137 : vector<512x512xf32>
    %broadcast_in_dim3A_139 = arith.constant 0.000000e+00 : f32
    %broadcast_in_dim3A_140 = vector.broadcast %broadcast_in_dim3A_139 : f32 to vector<512x2xf32>
    %slice3A_141 = vector.extract_strided_slice %add3A_119 {offsets = [0, 0], sizes = [512, 510], strides = [1, 1]} : vector<512x512xf32> to vector<512x510xf32>
    %concatenate3A_142 = tpu.concatenate %broadcast_in_dim3A_140, %slice3A_141 in 1 : vector<512x2xf32>, vector<512x510xf32> -> vector<512x512xf32>
    %mul3A_143 = arith.constant 3.35462624E-4 : f32
    %mul3A_144 = vector.broadcast %mul3A_143 : f32 to vector<512x512xf32>
    %mul3A_145 = arith.mulf %mul3A_144, %concatenate3A_142 : vector<512x512xf32>
    %add3A_146 = arith.addf %add3A_138, %mul3A_145 : vector<512x512xf32>
    %broadcast_in_dim3A_147 = arith.constant 0.000000e+00 : f32
    %broadcast_in_dim3A_148 = vector.broadcast %broadcast_in_dim3A_147 : f32 to vector<512x2xf32>
    %slice3A_149 = vector.extract_strided_slice %add3A_119 {offsets = [0, 2], sizes = [512, 510], strides = [1, 1]} : vector<512x512xf32> to vector<512x510xf32>
    %concatenate3A_150 = tpu.concatenate %slice3A_149, %broadcast_in_dim3A_148 in 1 : vector<512x510xf32>, vector<512x2xf32> -> vector<512x512xf32>
    %mul3A_151 = arith.constant 3.35462624E-4 : f32
    %mul3A_152 = vector.broadcast %mul3A_151 : f32 to vector<512x512xf32>
    %mul3A_153 = arith.mulf %mul3A_152, %concatenate3A_150 : vector<512x512xf32>
    %add3A_154 = arith.addf %add3A_146, %mul3A_153 : vector<512x512xf32>
    %broadcast_in_dim3A_155 = arith.constant 0.000000e+00 : f32
    %broadcast_in_dim3A_156 = vector.broadcast %broadcast_in_dim3A_155 : f32 to vector<512x3xf32>
    %slice3A_157 = vector.extract_strided_slice %add3A_119 {offsets = [0, 0], sizes = [512, 509], strides = [1, 1]} : vector<512x512xf32> to vector<512x509xf32>
    %concatenate3A_158 = tpu.concatenate %broadcast_in_dim3A_156, %slice3A_157 in 1 : vector<512x3xf32>, vector<512x509xf32> -> vector<512x512xf32>
    %mul3A_159 = arith.constant 1.52299791E-8 : f32
    %mul3A_160 = vector.broadcast %mul3A_159 : f32 to vector<512x512xf32>
    %mul3A_161 = arith.mulf %mul3A_160, %concatenate3A_158 : vector<512x512xf32>
    %add3A_162 = arith.addf %add3A_154, %mul3A_161 : vector<512x512xf32>
    %broadcast_in_dim3A_163 = arith.constant 0.000000e+00 : f32
    %broadcast_in_dim3A_164 = vector.broadcast %broadcast_in_dim3A_163 : f32 to vector<512x3xf32>
    %slice3A_165 = vector.extract_strided_slice %add3A_119 {offsets = [0, 3], sizes = [512, 509], strides = [1, 1]} : vector<512x512xf32> to vector<512x509xf32>
    %concatenate3A_166 = tpu.concatenate %slice3A_165, %broadcast_in_dim3A_164 in 1 : vector<512x509xf32>, vector<512x3xf32> -> vector<512x512xf32>
    %mul3A_167 = arith.constant 1.52299791E-8 : f32
    %mul3A_168 = vector.broadcast %mul3A_167 : f32 to vector<512x512xf32>
    %mul3A_169 = arith.mulf %mul3A_168, %concatenate3A_166 : vector<512x512xf32>
    %add3A_170 = arith.addf %add3A_162, %mul3A_169 : vector<512x512xf32>
    %broadcast_in_dim3A_171 = arith.constant 0.000000e+00 : f32
    %broadcast_in_dim3A_172 = vector.broadcast %broadcast_in_dim3A_171 : f32 to vector<512x4xf32>
    %slice3A_173 = vector.extract_strided_slice %add3A_119 {offsets = [0, 0], sizes = [512, 508], strides = [1, 1]} : vector<512x512xf32> to vector<512x508xf32>
    %concatenate3A_174 = tpu.concatenate %broadcast_in_dim3A_172, %slice3A_173 in 1 : vector<512x4xf32>, vector<512x508xf32> -> vector<512x512xf32>
    %mul3A_175 = arith.constant 1.26641658E-14 : f32
    %mul3A_176 = vector.broadcast %mul3A_175 : f32 to vector<512x512xf32>
    %mul3A_177 = arith.mulf %mul3A_176, %concatenate3A_174 : vector<512x512xf32>
    %add3A_178 = arith.addf %add3A_170, %mul3A_177 : vector<512x512xf32>
    %broadcast_in_dim3A_179 = arith.constant 0.000000e+00 : f32
    %broadcast_in_dim3A_180 = vector.broadcast %broadcast_in_dim3A_179 : f32 to vector<512x4xf32>
    %slice3A_181 = vector.extract_strided_slice %add3A_119 {offsets = [0, 4], sizes = [512, 508], strides = [1, 1]} : vector<512x512xf32> to vector<512x508xf32>
    %concatenate3A_182 = tpu.concatenate %slice3A_181, %broadcast_in_dim3A_180 in 1 : vector<512x508xf32>, vector<512x4xf32> -> vector<512x512xf32>
    %mul3A_183 = arith.constant 1.26641658E-14 : f32
    %mul3A_184 = vector.broadcast %mul3A_183 : f32 to vector<512x512xf32>
    %mul3A_185 = arith.mulf %mul3A_184, %concatenate3A_182 : vector<512x512xf32>
    %add3A_186 = arith.addf %add3A_178, %mul3A_185 : vector<512x512xf32>
    %broadcast_in_dim3A_187 = arith.constant 0.000000e+00 : f32
    %broadcast_in_dim3A_188 = vector.broadcast %broadcast_in_dim3A_187 : f32 to vector<512x5xf32>
    %slice3A_189 = vector.extract_strided_slice %add3A_119 {offsets = [0, 0], sizes = [512, 507], strides = [1, 1]} : vector<512x512xf32> to vector<512x507xf32>
    %concatenate3A_190 = tpu.concatenate %broadcast_in_dim3A_188, %slice3A_189 in 1 : vector<512x5xf32>, vector<512x507xf32> -> vector<512x512xf32>
    %mul3A_191 = arith.constant 1.92874989E-22 : f32
    %mul3A_192 = vector.broadcast %mul3A_191 : f32 to vector<512x512xf32>
    %mul3A_193 = arith.mulf %mul3A_192, %concatenate3A_190 : vector<512x512xf32>
    %add3A_194 = arith.addf %add3A_186, %mul3A_193 : vector<512x512xf32>
    %broadcast_in_dim3A_195 = arith.constant 0.000000e+00 : f32
    %broadcast_in_dim3A_196 = vector.broadcast %broadcast_in_dim3A_195 : f32 to vector<512x5xf32>
    %slice3A_197 = vector.extract_strided_slice %add3A_119 {offsets = [0, 5], sizes = [512, 507], strides = [1, 1]} : vector<512x512xf32> to vector<512x507xf32>
    %concatenate3A_198 = tpu.concatenate %slice3A_197, %broadcast_in_dim3A_196 in 1 : vector<512x507xf32>, vector<512x5xf32> -> vector<512x512xf32>
    %mul3A_199 = arith.constant 1.92874989E-22 : f32
    %mul3A_200 = vector.broadcast %mul3A_199 : f32 to vector<512x512xf32>
    %mul3A_201 = arith.mulf %mul3A_200, %concatenate3A_198 : vector<512x512xf32>
    %add3A_202 = arith.addf %add3A_194, %mul3A_201 : vector<512x512xf32>
    %broadcast_in_dim3A_203 = arith.constant 0.000000e+00 : f32
    %broadcast_in_dim3A_204 = vector.broadcast %broadcast_in_dim3A_203 : f32 to vector<512x6xf32>
    %slice3A_205 = vector.extract_strided_slice %add3A_119 {offsets = [0, 0], sizes = [512, 506], strides = [1, 1]} : vector<512x512xf32> to vector<512x506xf32>
    %concatenate3A_206 = tpu.concatenate %broadcast_in_dim3A_204, %slice3A_205 in 1 : vector<512x6xf32>, vector<512x506xf32> -> vector<512x512xf32>
    %mul3A_207 = arith.constant 5.38018592E-32 : f32
    %mul3A_208 = vector.broadcast %mul3A_207 : f32 to vector<512x512xf32>
    %mul3A_209 = arith.mulf %mul3A_208, %concatenate3A_206 : vector<512x512xf32>
    %add3A_210 = arith.addf %add3A_202, %mul3A_209 : vector<512x512xf32>
    %broadcast_in_dim3A_211 = arith.constant 0.000000e+00 : f32
    %broadcast_in_dim3A_212 = vector.broadcast %broadcast_in_dim3A_211 : f32 to vector<512x6xf32>
    %slice3A_213 = vector.extract_strided_slice %add3A_119 {offsets = [0, 6], sizes = [512, 506], strides = [1, 1]} : vector<512x512xf32> to vector<512x506xf32>
    %concatenate3A_214 = tpu.concatenate %slice3A_213, %broadcast_in_dim3A_212 in 1 : vector<512x506xf32>, vector<512x6xf32> -> vector<512x512xf32>
    %mul3A_215 = arith.constant 5.38018592E-32 : f32
    %mul3A_216 = vector.broadcast %mul3A_215 : f32 to vector<512x512xf32>
    %mul3A_217 = arith.mulf %mul3A_216, %concatenate3A_214 : vector<512x512xf32>
    %add3A_218 = arith.addf %add3A_210, %mul3A_217 : vector<512x512xf32>
    %broadcast_in_dim3A_219 = arith.constant 0.000000e+00 : f32
    %broadcast_in_dim3A_220 = vector.broadcast %broadcast_in_dim3A_219 : f32 to vector<512x7xf32>
    %slice3A_221 = vector.extract_strided_slice %add3A_119 {offsets = [0, 0], sizes = [512, 505], strides = [1, 1]} : vector<512x512xf32> to vector<512x505xf32>
    %concatenate3A_222 = tpu.concatenate %broadcast_in_dim3A_220, %slice3A_221 in 1 : vector<512x7xf32>, vector<512x505xf32> -> vector<512x512xf32>
    %mul3A_223 = arith.constant 2.746540e-43 : f32
    %mul3A_224 = vector.broadcast %mul3A_223 : f32 to vector<512x512xf32>
    %mul3A_225 = arith.mulf %mul3A_224, %concatenate3A_222 : vector<512x512xf32>
    %add3A_226 = arith.addf %add3A_218, %mul3A_225 : vector<512x512xf32>
    %broadcast_in_dim3A_227 = arith.constant 0.000000e+00 : f32
    %broadcast_in_dim3A_228 = vector.broadcast %broadcast_in_dim3A_227 : f32 to vector<512x7xf32>
    %slice3A_229 = vector.extract_strided_slice %add3A_119 {offsets = [0, 7], sizes = [512, 505], strides = [1, 1]} : vector<512x512xf32> to vector<512x505xf32>
    %concatenate3A_230 = tpu.concatenate %slice3A_229, %broadcast_in_dim3A_228 in 1 : vector<512x505xf32>, vector<512x7xf32> -> vector<512x512xf32>
    %mul3A_231 = arith.constant 2.746540e-43 : f32
    %mul3A_232 = vector.broadcast %mul3A_231 : f32 to vector<512x512xf32>
    %mul3A_233 = arith.mulf %mul3A_232, %concatenate3A_230 : vector<512x512xf32>
    %add3A_234 = arith.addf %add3A_226, %mul3A_233 : vector<512x512xf32>
    %get3A_235 = arith.constant 0 : index
    %get3A_236 = arith.constant 0 : index
    %get3A_237 = arith.constant 0 : index
    %get3A_238 = vector.load %arg1[%get3A_235, %get3A_236, %get3A_237] : memref<1x512x512xf32, #tpu.memory_space<vmem>>, vector<1x512x512xf32>
    %get3A_239 = vector.shape_cast %get3A_238 : vector<1x512x512xf32> to vector<512x512xf32>
    %iota3A = tpu.iota {dimensions = array<i32: 0>} : vector<512x512xi32>
    %iota3A_240 = tpu.iota {dimensions = array<i32: 1>} : vector<512x512xi32>
    %ge3A = arith.constant 8 : i32
    %ge3A_241 = vector.broadcast %ge3A : i32 to vector<512x512xi32>
    %ge3A_242 = arith.cmpi sge, %iota3A, %ge3A_241 : vector<512x512xi32>
    %lt3A = arith.constant 504 : i32
    %lt3A_243 = vector.broadcast %lt3A : i32 to vector<512x512xi32>
    %lt3A_244 = arith.cmpi slt, %iota3A, %lt3A_243 : vector<512x512xi32>
    %and3A = arith.andi %ge3A_242, %lt3A_244 : vector<512x512xi1>
    %ge3A_245 = arith.constant 8 : i32
    %ge3A_246 = vector.broadcast %ge3A_245 : i32 to vector<512x512xi32>
    %ge3A_247 = arith.cmpi sge, %iota3A_240, %ge3A_246 : vector<512x512xi32>
    %and3A_248 = arith.andi %and3A, %ge3A_247 : vector<512x512xi1>
    %lt3A_249 = arith.constant 504 : i32
    %lt3A_250 = vector.broadcast %lt3A_249 : i32 to vector<512x512xi32>
    %lt3A_251 = arith.cmpi slt, %iota3A_240, %lt3A_250 : vector<512x512xi32>
    %and3A_252 = arith.andi %and3A_248, %lt3A_251 : vector<512x512xi1>
    %convert_element_type3A = arith.extui %and3A_252 : vector<512x512xi1> to vector<512x512xi32>
    %convert_element_type3A_253 = arith.sitofp %convert_element_type3A : vector<512x512xi32> to vector<512x512xf32>
    %mul3A_254 = arith.mulf %get3A_239, %convert_element_type3A_253 : vector<512x512xf32>
    %get3A_255 = arith.constant 0 : index
    %get3A_256 = arith.constant 0 : index
    %get3A_257 = arith.constant 0 : index
    %get3A_258 = vector.load %arg4[%get3A_255, %get3A_256, %get3A_257] : memref<1x512x512xf32, #tpu.memory_space<vmem>>, vector<1x512x512xf32>
    %get3A_259 = vector.shape_cast %get3A_258 : vector<1x512x512xf32> to vector<512x512xf32>
    %sub3A = arith.subf %mul3A_254, %add3A_234 : vector<512x512xf32>
    %mul3A_260 = arith.mulf %sub3A, %sub3A : vector<512x512xf32>
    %mul3A_261 = arith.mulf %mul3A_260, %get3A_259 : vector<512x512xf32>
    %reduce_sum3A = vector.shape_cast %mul3A_261 : vector<512x512xf32> to vector<1x512x512xf32>
    %reduce_sum3A_262 = arith.constant dense<0.000000e+00> : vector<1xf32>
    %reduce_sum3A_263 = vector.multi_reduction <add>, %reduce_sum3A, %reduce_sum3A_262 [1, 2] : vector<1x512x512xf32> to vector<1xf32>
    %reduce_sum3A_264 = vector.shape_cast %reduce_sum3A_263 : vector<1xf32> to vector<1x1x1xf32>
    %reduce_sum3A_265 = vector.extract %reduce_sum3A_264[0, 0, 0] : f32 from vector<1x1x1xf32>
    %reshape3A = vector.broadcast %reduce_sum3A_265 : f32 to vector<1x1xf32>
    %swap3A = arith.index_cast %arg0 : i32 to index
    %swap3A_266 = arith.constant 0 : index
    %swap3A_267 = vector.load %arg5[%swap3A, %swap3A_266] : memref<4x1xf32, #tpu.memory_space<vmem>>, vector<1x1xf32>
    tpu.vector_store %arg5[%swap3A, %swap3A_266], %reshape3A {strides = array<i32>} : memref<4x1xf32, #tpu.memory_space<vmem>>, vector<1x1xf32>,
    %reduce_sum3A_268 = vector.shape_cast %get3A_259 : vector<512x512xf32> to vector<1x512x512xf32>
    %reduce_sum3A_269 = arith.constant dense<0.000000e+00> : vector<1xf32>
    %reduce_sum3A_270 = vector.multi_reduction <add>, %reduce_sum3A_268, %reduce_sum3A_269 [1, 2] : vector<1x512x512xf32> to vector<1xf32>
    %reduce_sum3A_271 = vector.shape_cast %reduce_sum3A_270 : vector<1xf32> to vector<1x1x1xf32>
    %reduce_sum3A_272 = vector.extract %reduce_sum3A_271[0, 0, 0] : f32 from vector<1x1x1xf32>
    %reshape3A_273 = vector.broadcast %reduce_sum3A_272 : f32 to vector<1x1xf32>
    %swap3A_274 = arith.index_cast %arg0 : i32 to index
    %swap3A_275 = arith.constant 0 : index
    %swap3A_276 = vector.load %arg6[%swap3A_274, %swap3A_275] : memref<4x1xf32, #tpu.memory_space<vmem>>, vector<1x1xf32>
    tpu.vector_store %arg6[%swap3A_274, %swap3A_275], %reshape3A_273 {strides = array<i32>} : memref<4x1xf32, #tpu.memory_space<vmem>>, vector<1x1xf32>,
    return
  }
  func.func @transform_0(%arg0: i32) -> (i32, i32, i32) {
    %c0_i32 = arith.constant 0 : i32
    %c0_i32_0 = arith.constant 0 : i32
    %c0_i32_1 = arith.constant 0 : i32
    return %arg0, %c0_i32, %c0_i32_0 : i32, i32, i32
  }
  func.func @transform_1(%arg0: i32) -> (i32, i32, i32) {
    %c0_i32 = arith.constant 0 : i32
    %c0_i32_0 = arith.constant 0 : i32
    %c0_i32_1 = arith.constant 0 : i32
    return %arg0, %c0_i32, %c0_i32_0 : i32, i32, i32
  }
  func.func @transform_2(%arg0: i32) -> (i32, i32, i32) {
    %c0_i32 = arith.constant 0 : i32
    %c0_i32_0 = arith.constant 0 : i32
    %c0_i32_1 = arith.constant 0 : i32
    return %arg0, %c0_i32, %c0_i32_0 : i32, i32, i32
  }
  func.func @transform_3(%arg0: i32) -> (i32, i32, i32) {
    %c0_i32 = arith.constant 0 : i32
    %c0_i32_0 = arith.constant 0 : i32
    %c0_i32_1 = arith.constant 0 : i32
    return %arg0, %c0_i32, %c0_i32_0 : i32, i32, i32
  }
  func.func @transform_4(%arg0: i32) -> (i32, i32) {
    %c0_i32 = arith.constant 0 : i32
    %c0_i32_0 = arith.constant 0 : i32
    %c0_i32_1 = arith.constant 0 : i32
    return %c0_i32, %c0_i32_0 : i32, i32
  }
  func.func @transform_5(%arg0: i32) -> (i32, i32) {
    %c0_i32 = arith.constant 0 : i32
    %c0_i32_0 = arith.constant 0 : i32
    %c0_i32_1 = arith.constant 0 : i32
    return %c0_i32, %c0_i32_0 : i32, i32
  }
}

</mosaic_0001>

<sc_bundles>
// kernel: gather_offload_async_start.1
scs
__scs_entry_jumppad:
0x0: {  	(pc) =	sbr.rel $0x88, $3  }
0x1: {  	(tag) =	ssettag $0x0;
	lr =	simm.s32 $0x1  }
0x2: {  	[smem:$0x3F9E] =	sst lr;
	_ =	strace $0xD0000000  }
0x3: {  	_ = 	snop  }
0x4: {  	_ = 	snop  }
0x5: {  	_ = 	snop  }
0x6: {  	_ = 	snop  }
0x7: {  	_ = 	snop  }
__scs_overlays_trampoline_lowered:
0x8: {  	[smem:$0x3FAD] =	sst s0  }
0x9: {  	[smem:$0x3FAE] =	sst s1  }
0xa: {  	[smem:$0x3FAF] =	sst s2  }
0xb: {  	[smem:$0x3FB0] =	sst s3  }
0xc: {  	[smem:$0x3FB1] =	sst s4  }
0xd: {  	[smem:$0x3FB2] =	sst s5  }
0xe: {  	[smem:$0x3FB3] =	sst s6  }
0xf: {  	[smem:$0x3FB4] =	sst s7  }
0x10: {  	[smem:$0x3FB5] =	sst s8  }
0x11: {  	[smem:$0x3FB6] =	sst s9;
	s0 =	simm.s32 @!p0 $0x0  }
0x12: {  	s1 =	sld [smem:$0x3F9C];
	s0 =	simm.s32 @p0 $0x1  }
0x13: {  	[smem:$0x3FB7] =	sst s0;
	s0 =	simm.s32 @!p1 $0x0  }
0x14: {  	s2 =	sld [smem:$0x3F9B];
	s0 =	simm.s32 @p1 $0x1  }
0x15: {  	[smem:$0x3FB8] =	sst s0;
	s0 =	simm.s32 @!p2 $0x0  }
0x16: {  	s3 =	sld [smem:$0x3FDB];
	s0 =	simm.s32 @p2 $0x1  }
0x17: {  	s4 =	simm.s32 $0x1BF5;
	[smem:$0x3FBA] =	sst s0  }
0x18: {  	s0 =	sld [smem:$0x3F9D];
	_ =	swait.ge [sflag:s4], $0x0  }
0x19: {  	s7 =	sld [smem:$0x3F9E]  }
0x1a: {  	s8 =	sadd.s32 $0xFFFFE003, lr  }
0x1b: {  	s9 =	sadd.s32 $0xFFFFFEF7, lr;
	s5 =	simm.s32 $0xFFFFFFFF;
	p2 =	slt.u32 s8, $0xFFFFF086  }
0x1c: {  	p1 =	slt.u32 s9, $0xF7A;
	s5 =	simm.s32 @!p2 $0x0  }
0x1d: {  	s5 =	simm.s32 @p1 $0x1;
	p0 =	seq.s32 s7, s2  }
0x1e: {  	s7 =	smul.u32 @!p0 $0xF7A, s2;
	p2 =	seq.s32 @!p0 s5, $0x0  }
0x1f: {  	s9 =	smul.u32 $0xF7A, s1;
	s8 =	simm.s32 @!p0 $0x1BF5;
	p2 =	por !p2, p0  }
0x20: {  	[sflag:s8] =	ssyncset.s32 @!p0 $0xFFFFF086;
	s6 =	sadd.s32 @!p0 s3, s7;
	s7 =	simm.s32 @!p0 $0x108  }
0x21: {  	s3 =	sadd.s32 s3, s9;
	s6 =	sadd.s32 @!p0 $0x88, s6;
	s7 =	simm.s32 @p2 $0x1082  }
0x22: {  	[simem:s7], [sflag:s8] =	dma.local @!p0 [hbm:s6], $0xF7A  }
0x23: {  	s9 =	sor.u32 $0xD0000000, s2;
	s6 =	simm.s32 $0x108;
	_ =	swait.ge @!p0 [sflag:s8], $0x0  }
0x24: {  	s3 =	sadd.s32 $0x88, s3;
	s6 =	simm.s32 @!p1 $0x1082;
	[sflag:s4] =	ssyncset.s32 $0xFFFFF086  }
0x25: {  	[simem:s6], [sflag:s4] =	dma.local [hbm:s3], $0xF7A  }
0x26: {  	[smem:$0x3F9E] =	sst s1;
	(tag) =	ssettag s2;
	_ =	strace s9  }
0x27: {  	s1 =	sld [smem:$0x3FAE]  }
0x28: {  	s2 =	sld [smem:$0x3FAF]  }
0x29: {  	s4 =	sld [smem:$0x3FB1]  }
0x2a: {  	p0 =	seq.s32 s5, $0x0;
	s5 =	sld [smem:$0x3FB2]  }
0x2b: {  	s6 =	sld [smem:$0x3FB3]  }
0x2c: {  	s7 =	sld [smem:$0x3FB4]  }
0x2d: {  	s3 =	simm.s32 $0x108;
	s8 =	sld [smem:$0x3FB5]  }
0x2e: {  	s3 =	simm.s32 @!p0 $0x1082;
	s9 =	sld [smem:$0x3FB6]  }
0x2f: {  	lr =	sadd.s32 s0, s3;
	s0 =	sld [smem:$0x3FAD]  }
0x30: {  	s3 =	sld [smem:$0x3FB0]  }
0x31: {  	[smem:$0x3FB9] =	sst s10  }
0x32: {  	s10 =	sld [smem:$0x3FB7];
	_ =	sdelay $0x3  }
0x33: {  	p0 =	seq.s32 s10, $0x1;
	s10 =	sld [smem:$0x3FB9];
	_ =	sdelay $0x3  }
0x34: {  	[smem:$0x3FB9] =	sst s10  }
0x35: {  	s10 =	sld [smem:$0x3FB8];
	_ =	sdelay $0x3  }
0x36: {  	p1 =	seq.s32 s10, $0x1;
	s10 =	sld [smem:$0x3FB9];
	_ =	sdelay $0x3  }
0x37: {  	[smem:$0x3FB9] =	sst s10  }
0x38: {  	s10 =	sld [smem:$0x3FBA]  }
0x39: {  	_ = 	snop;
	(pc) =	sbr.ind lr, $3  }
0x3a: {  	_ = 	snop  }
0x3b: {  	_ = 	snop  }
0x3c: {  	p2 =	seq.s32 s10, $0x1;
	s10 =	sld [smem:$0x3FB9]  }
0x3d: {  	_ =	shalt  }
0x3e: {  	_ =	shalt  }
0x3f: {  	_ =	shalt  }
0x40: {  	_ =	shalt  }
0x41: {  	_ =	shalt  }
0x42: {  	_ =	shalt  }
0x43: {  	_ =	shalt  }
0x44: {  	_ =	shalt  }
0x45: {  	_ =	shalt  }
0x46: {  	_ =	shalt  }
0x47: {  	_ =	shalt  }
0x48: {  	_ =	shalt  }
0x49: {  	_ =	shalt  }
0x4a: {  	_ =	shalt  }
0x4b: {  	_ =	shalt  }
0x4c: {  	_ =	shalt  }
0x4d: {  	_ =	shalt  }
0x4e: {  	_ =	shalt  }
0x4f: {  	_ =	shalt  }
0x50: {  	_ =	shalt  }
0x51: {  	_ =	shalt  }
0x52: {  	_ =	shalt  }
0x53: {  	_ =	shalt  }
0x54: {  	_ =	shalt  }
0x55: {  	_ =	shalt  }
0x56: {  	_ =	shalt  }
0x57: {  	_ =	shalt  }
0x58: {  	_ =	shalt  }
0x59: {  	_ =	shalt  }
0x5a: {  	_ =	shalt  }
0x5b: {  	_ =	shalt  }
0x5c: {  	_ =	shalt  }
0x5d: {  	_ =	shalt  }
0x5e: {  	_ =	shalt  }
0x5f: {  	_ =	shalt  }
0x60: {  	_ =	shalt  }
0x61: {  	_ =	shalt  }
0x62: {  	_ =	shalt  }
0x63: {  	_ =	shalt  }
0x64: {  	_ =	shalt  }
0x65: {  	_ =	shalt  }
0x66: {  	_ =	shalt  }
0x67: {  	_ =	shalt  }
0x68: {  	_ =	shalt  }
0x69: {  	_ =	shalt  }
0x6a: {  	_ =	shalt  }
0x6b: {  	_ =	shalt  }
0x6c: {  	_ =	shalt  }
0x6d: {  	_ =	shalt  }
0x6e: {  	_ =	shalt  }
0x6f: {  	_ =	shalt  }
0x70: {  	_ =	shalt  }
0x71: {  	_ =	shalt  }
0x72: {  	_ =	shalt  }
0x73: {  	_ =	shalt  }
0x74: {  	_ =	shalt  }
0x75: {  	_ =	shalt  }
0x76: {  	_ =	shalt  }
0x77: {  	_ =	shalt  }
0x78: {  	_ =	shalt  }
0x79: {  	_ =	shalt  }
0x7a: {  	_ =	shalt  }
0x7b: {  	_ =	shalt  }
0x7c: {  	_ =	shalt  }
0x7d: {  	_ =	shalt  }
0x7e: {  	_ =	shalt  }
0x7f: {  	_ =	shalt  }
0x80: {  	_ =	shalt  }
0x81: {  	_ =	shalt  }
0x82: {  	_ =	shalt  }
0x83: {  	_ =	shalt  }
0x84: {  	_ =	shalt  }
0x85: {  	_ =	shalt  }
0x86: {  	_ =	shalt  }
0x87: {  	_ =	shalt  }
.Lfunc_end0:
.L_simem_size_0:
called_computation.1_lowered:
.L_overlay_start_0:
0x88: {  	s2 =	sld [smem:$0x3FD9]  }
0x89: {  	s3 =	sld [smem:$0x3FFE];
	_ =	sdelay $0x1  }
0x8a: {  	s1 =	srdreg.scid  }
0x8b: {  	s0 =	sand.u32 $0x1, s1  }
0x8c: {  	s17 =	sshll.u32 s0, $0xA;
	s2 =	sadd.s32 s3, s2  }
0x8d: {  	s2 =	sadd.s32 s2, s17  }
0x8e: {  	[smem:$0x3FC5] =	sst s2  }
0x8f: {  	_ = 	snop  }
0x90: {  	s2 =	sld [smem:$0x3FC8];
	(tm) =	ssettm $0x1  }
0x91: {  	s18 =	sld [smem:$0x3FFB];
	_ =	sdelay $0x3  }
0x92: {  	_ =	strace s18  }
0x93: {  	s3 =	sld [smem:$0x3FFC];
	_ =	sdelay $0x3  }
0x94: {  	_ =	strace s3  }
0x95: {  	s3 =	sld [smem:$0x3FFD];
	_ =	sdelay $0x3  }
0x96: {  	_ =	strace s3  }
0x97: {  	_ =	strace $0x8FFFFFFF  }
0x98: {  	s19 =	sld [smem:$0x3FDB];
	_ =	sdelay $0x1  }
0x99: {  	s4 =	simm.s32 $_scs_section_size  }
0x9a: {  	s5 =	simm.s32 $_size__tile_overlayer_lowered;
	s6 =	simm.s32 $_tile_overlayer_lowered  }
0x9b: {  	s22 =	simm.s32 $0x1BFF;
	s21 =	sshll.u32 s6, $0x1;
	s3 =	sadd.s32 s4, s19  }
0x9c: {  	s7 =	simm.s32 $0x0;
	s20 =	sshll.u32 s5, $0x1;
	s5 =	sadd.s32 s21, s3  }
0x9d: {  	[timem:s7], [sflag:s22] =	dma.local [hbm:s5], s20  }
0x9e: {  	_ =	swait.ge [sflag:s22], s20  }
0x9f: {  	s4 =	ssub.s32 $0x0, s20;
	[sflag:s22] =	ssyncset.done $0x0  }
0xa0: {  	[sflag:s22] =	ssyncadd.s32 s4;
	_ =	sdelay $0x1  }
0xa1: {  	s23 =	simm.s32 $0x1B8B  }
0xa2: {  	_ =	swait.ge [sflag:s23], $0x1  }
0xa3: {  	[sflag:s23] =	ssyncset.done $0x0  }
0xa4: {  	s25 =	simm.s32 $0x1B8E;
	s24 =	sld [smem:$0x3FFE];
	[sflag:s23] =	ssyncadd.s32 $0xFFFFFFFF  }
0xa5: {  	s26 =	simm.s32 $execute0_lowered;
	[smem:$0x3FD2] =	sst s25  }
0xa6: {  	s5 =	sshll.u32 s26, $0x1;
	_ =	strace $0x80000046;
	[dreg:$0x1] =	wrdreg $0xFFFFFFFF  }
0xa7: {  	s28 =	simm.s32 $_size_execute0_lowered;
	s3 =	sadd.s32 s3, s5;
	[dreg:$0x0] =	wrdreg $0x0  }
0xa8: {  	s5 =	sshll.u32 s28, $0x1;
	[dreg:$0x2] =	wrdreg s3  }
0xa9: {  	[dreg:$0x3] =	wrdreg s5  }
0xaa: {  	[dreg:$0x4] =	wrdreg $0xC0  }
0xab: {  	_ =	task [dreg:s7], $0x5FFFF  }
0xac: {  	[dreg:$0x1] =	wrdreg $0xFFFFFFFF  }
0xad: {  	[dreg:$0x0] =	wrdreg $0x60  }
0xae: {  	[dreg:$0x2] =	wrdreg s2  }
0xaf: {  	[dreg:$0x3] =	wrdreg s24  }
0xb0: {  	[dreg:$0x4] =	wrdreg $0x9  }
0xb1: {  	_ =	task.clear_ibuf [dreg:s7], $0x5FFFF;
	_ =	strace $0x90000046  }
0xb2: {  	s29 =	simm.s32 $0x9;
	_ =	strace $0x80000048  }
0xb3: {  	_ =	swait.ge [sflag:s29], $0x1  }
0xb4: {  	[sflag:s29] =	ssyncadd.s32 $0xFFFFFFFF  }
0xb5: {  	_ =	strace $0x90000048  }
0xb6: {  	_ =	sfence  }
0xb7: {  	s30 =	sld [smem:$0x0];
	_ =	sdelay $0x2  }
0xb8: {  	s31 =	sshll.u32 s1, $0xD;
	s1 =	sshrl.u32 s1, $0x2  }
0xb9: {  	s3 =	sand.u32 $0x4000, s31;
	s1 =	sadd.s32 s1, s30  }
0xba: {  	s0 =	sor.u32 s3, s0;
	s1 =	sshll.u32 s1, $0x11  }
0xbb: {  	s0 =	sor.u32 s1, s0  }
0xbc: {  	s0 =	sadd.s32 $0x8F2B, s0  }
0xbd: {  	[sflag:s0] =	ssyncadd.remote.s32 $0x1  }
0xbe: {  	_ =	sfence.sel $0xFFFF  }
0xbf: {  	[dreg:$0x0] =	wrdreg $0xFFFFFFFF;
	(pc) =	sbr.abs _section_cstart, $3  }
0xc0: {  	[dreg:$0x1] =	wrdreg $0xFFFFFFFF  }
0xc1: {  	_ =	task.clear_ibuf [dreg:s7], $0x2FFFF;
	_ =	strace $0x9FFFFFFF  }
0xc2: {  	(tm) =	ssettm $0x7FFFFFFF  }
0xc3: {  	_ =	shalt  }
tec
execute0_lowered:
.L_overlay_start_1:
0x0: {  	(tag) =	ssettag $0x1  }
0x1: {  	s1 =	srdreg.scid;
	s2 =	rddreg [dreg:$0x0]  }
0x2: {  	s0 =	stileid.u32;
	s5 =	rddreg [dreg:$0x1];
	s6 =	simm.s32 $0x1  }
0x3: {  	s9 =	simm.s32 $0x1;
	s10 =	simm.s32 $0x3;
	s1 =	sshll.u32 s1, $0xE  }
0x4: {  	s13 =	simm.s32 $0x0;
	s3 =	sshll.u32 s0, $0xF;
	s4 =	sand.u32 $0x4000, s1  }
0x5: {  	s12 =	simm.s32 $0x0;
	s1 =	rddreg [dreg:$0x2];
	s3 =	sor.u32 s3, s4  }
0x6: {  	_ =	strace $0x80000047;
	s4 =	sadd.s32 $0x40200, s5;
	s8 =	ssub.s32 $0x100000, s3  }
.Ltmp0:
0x7: {  	s5 =	sadd.s32 $0xC0200, s5;
	s7 =	sand.u32 $0x7C000, s8;
	(pc) =	sbr.rel .LBB2_1-.Ltmp0, $4  }
0x8: {  	[sflag:s6] =	ssyncpa.u1 $0x0;
	s11 =	smov.u32 s3;
	p0 =	sne.s32 s7, $0x0  }
0x9: {  	s8 =	sshrl.u32 s8, $0x13;
	s7 =	simm.s32 $0x2;
	s9 =	simm.s32 @!p0 $0x0  }
0xa: {  	[sflag:s7] =	ssyncpa.u1 $0x0;
	p0 =	por $0x0, $0x0;
	s8 =	sadd.s32 s9, s8  }
0xb: {  	vm0 =	vmmov $0xffff;
	[sflag:s10] =	ssyncpa.u1 $0x0;
	s10 =	simm.s32 $0x0;
	s9 =	sadd.s32 $0x1, s8  }
.LBB2_4:
0xc: {  	v3 =	vshrl.u32 v0, $0x2;
	v4 =	vshrl.u32 v0, $0xB;
	v1 =	vor.u32 v1, v2  }
0xd: {  	v62 =	vshll.u32 v0, $0x12;
	v60 =	vand.u32 $0x1FF, v3;
	v61 =	vand.u32 $0x1FF, v4  }
0xe: {  	v0 =	vand.u32 $0xC0000, v62;
	v2 =	vsel vm1, $0xFFFFFFFF, v60;
	v3 =	vsel vm1, $0xFFFFFFFF, v61  }
0xf: {  	v0 =	vsel vm1, $0xFFFC0000, v0;
	v63 =	vand.u32 $0x7F, v3;
	v5 =	vshll.u32 v2, $0x9  }
0x10: {  	v3 =	vshll.u32 v3, $0x3;
	v5 =	vand.u32 $0xFFFFF000, v5;
	v0 =	vor.u32 v0, v63  }
0x11: {  	v2 =	vshll.u32 v2, $0x7;
	v3 =	vand.u32 $0xFFFFFC00, v3;
	v0 =	vadd.s32 v5, v0  }
0x12: {  	v2 =	vand.u32 $0x380, v2;
	v0 =	vadd.s32 v3, v0  }
0x13: {  	v0 =	vor.u32 v2, v0;
	_ =	sdelay $0x1  }
0x14: {  	(ifvalue) =	ssetifvalue $0x7FFFFFFF;
	s14 =	sadd.s32 $0x10, s14  }
0x15: {  	[tilespmem:s14], [sflag:$0x1] =	stream.indirect_vreg.gather [hbm4b:s2+s10], $0x1, v1, vm0, $0x4038;
	[tilespmem:$0x10000] =	vst v63  }
0x16: {  	(ifvalue) =	ssetifvalue $0x7FFFFFFF;
	s14 =	sadd.s32 $0x10, s14  }
0x17: {  	[tilespmem:s14], [sflag:$0x1] =	stream.indirect_vreg.gather [hbm4b:s2+s10], $0x1, v0, vm0, $0x4038;
	[tilespmem:$0x10000] =	vst v63  }
0x18: {  	_ =	swait.ge [sflag:s6], $0x4000  }
0x19: {  	s30 =	sshrl.u32 s13, $0x3;
	[sflag:s6] =	ssyncset.done $0x0  }
0x1a: {  	s31 =	sand.u32 $0x7, s13;
	s14 =	sadd.s32 s5, s30;
	[sflag:s6] =	ssyncadd.s32 $0xFFFFC000  }
0x1b: {  	[hbm4b:s14+s31] =	stream.linear.scatter [tilespmem:s15], [sflag:$0x3], $0x4000, $0x38;
	[tilespmem:$0x10000] =	vst v63  }
.LBB2_5:
0x1c: {  	s15 =	sadd.s32 $0x80000, s11  }
0x1d: {  	p2 =	sgt.s32 s15, $0xFFFFF  }
0x1e: {  	s15 =	smov.u32 @p2 s3;
	p2 =	sne.s32 s12, s9  }
.Ltmp1:
0x1f: {  	p1 =	slt.u32 s12, $0x2;
	(pc) =	sbr.rel @!p2 .LBB2_6-.Ltmp1, $4  }
0x20: {  	s14 =	simm.s32 @!p1 $0x3  }
0x21: {  	s16 =	sadd.s32 $0x1, s12;
	_ =	swait.ge @!p1 [sflag:s14], $0x4000  }
0x22: {  	s13 =	smov.u32 s11;
	p0 =	por !p0, !p0;
	[sflag:s14] =	ssyncset.done @!p1 $0x0  }
0x23: {  	s12 =	smov.u32 s16;
	s11 =	smov.u32 s15;
	[sflag:s14] =	ssyncadd.s32 @!p1 $0xFFFFC000  }
.LBB2_1:
0x24: {  	p1 =	sge.u32 s12, s8  }
0x25: {  	s14 =	sxor.u32 @!p1 $0xFFFFFFFF, s12  }
0x26: {  	s31 =	sadd.s32 $0xFFFFFFFF, s12;
	s15 =	sshrl.u32 @!p1 s11, $0x3;
	s14 =	sshll.u32 @!p1 s14, $0xE  }
0x27: {  	s16 =	sand.u32 @!p1 $0x7, s11;
	s15 =	sadd.s32 @!p1 s4, s15;
	s14 =	sand.u32 @!p1 $0x4000, s14  }
0x28: {  	[tilespmem:s14], [sflag:$0x2] =	stream.linear.gather @!p1 [hbm4b:s15+s16], $0x4000, $0x38;
	[tilespmem:$0x10000] =	vst v63  }
0x29: {  	p1 =	sge.u32 s31, s8  }
.Ltmp2:
0x2a: {  	_ = 	snop;
	(pc) =	sbr.rel @p1 .LBB2_5-.Ltmp2, $1  }
0x2b: {  	_ =	sdelay $0x3  }
0x2c: {  	s14 =	simm.s32 $0x1  }
0x2d: {  	_ =	swait.ge [sflag:s7], $0x4000;
	s14 =	simm.s32 @!p0 $0x0  }
0x2e: {  	[sflag:s7] =	ssyncset.done $0x0;
	s14 =	sshll.u32 s14, $0xE  }
0x2f: {  	[sflag:s7] =	ssyncadd.s32 $0xFFFFC000;
	(ifvalue) =	ssetifvalue $0x7FFFFFFF;
	v0 =	vld.msk [tilespmem:s14+$0x0 ss:$0x1], $0xffff;
	_ =	sdelay $0x4  }
0x30: {  	s15 =	sadd.s32 $0x10, s14;
	vm1 =	veq.s32 v0, $0x80000000;
	v1 =	vshrl.u32 v0, $0x2;
	v2 =	vshrl.u32 v0, $0xB  }
0x31: {  	v3 =	vld.msk [tilespmem:s15+$0x0 ss:$0x1], $0xffff;
	v0 =	vshll.u32 v0, $0x12;
	v1 =	vand.u32 $0x1FF, v1;
	v2 =	vand.u32 $0x1FF, v2  }
0x32: {  	v0 =	vand.u32 $0xC0000, v0;
	v1 =	vsel vm1, $0xFFFFFFFF, v1;
	v2 =	vsel vm1, $0xFFFFFFFF, v2  }
0x33: {  	v0 =	vsel vm1, $0xFFFC0000, v0;
	v4 =	vand.u32 $0x7F, v2;
	v5 =	vshll.u32 v1, $0x9  }
0x34: {  	v2 =	vshll.u32 v2, $0x3;
	v5 =	vand.u32 $0xFFFFF000, v5;
	v0 =	vor.u32 v0, v4  }
0x35: {  	v1 =	vshll.u32 v1, $0x7;
	v2 =	vand.u32 $0xFFFFFC00, v2;
	v0 =	vadd.s32 v5, v0  }
0x36: {  	v62 =	vshrl.u32 v3, $0xB;
	v1 =	vand.u32 $0x380, v1;
	v0 =	vadd.s32 v2, v0  }
0x37: {  	s17 =	sadd.s32 $0x10, s15;
	vm1 =	veq.s32 v3, $0x80000000;
	v2 =	vshrl.u32 v3, $0x2;
	v1 =	vor.u32 v1, v0  }
0x38: {  	v4 =	vand.u32 $0x1FF, v62;
	v3 =	vshll.u32 v3, $0x12;
	v0 =	vld.msk [tilespmem:s17+$0x0 ss:$0x1], $0xffff;
	v2 =	vand.u32 $0x1FF, v2  }
0x39: {  	v4 =	vsel vm1, $0xFFFFFFFF, v4;
	v3 =	vand.u32 $0xC0000, v3;
	v2 =	vsel vm1, $0xFFFFFFFF, v2  }
0x3a: {  	s31 =	sshll.u32 s12, $0xE;
	v63 =	vand.u32 $0x7F, v4;
	v3 =	vsel vm1, $0xFFFC0000, v3;
	v6 =	vshll.u32 v2, $0x9  }
0x3b: {  	s14 =	sor.u32 $0x8000, s14;
	s15 =	sand.u32 $0x4000, s31;
	v4 =	vshll.u32 v4, $0x3;
	(ifvalue) =	ssetifvalue $0x7FFFFFFF;
	v3 =	vor.u32 v3, v63;
	v6 =	vand.u32 $0xFFFFF000, v6  }
0x3c: {  	v4 =	vand.u32 $0xFFFFFC00, v4;
	[tilespmem:s14], [sflag:$0x1] =	stream.indirect_vreg.gather [hbm4b:s2+s10], $0x1, v1, vm0, $0x4038;
	v1 =	vshll.u32 v2, $0x7;
	v2 =	vadd.s32 v6, v3;
	[tilespmem:$0x10000] =	vst v63  }
0x3d: {  	s16 =	simm.s32 $0x20;
	s15 =	sor.u32 $0x8000, s15;
	s17 =	sadd.s32 $0x10, s17;
	vm1 =	veq.s32 v0, $0x80000000;
	v1 =	vand.u32 $0x380, v1;
	v2 =	vadd.s32 v4, v2  }
.LBB2_3:
0x3e: {  	v3 =	vld.msk [tilespmem:s17+$0x0 ss:$0x1], $0xffff;
	v4 =	vshrl.u32 v0, $0x2;
	v5 =	vshrl.u32 v0, $0xB;
	v1 =	vor.u32 v1, v2;
	s16 =	sadd.s32 $0x10, s16  }
0x3f: {  	v0 =	vshll.u32 v0, $0x12;
	v2 =	vand.u32 $0x1FF, v4;
	v4 =	vand.u32 $0x1FF, v5;
	p1 =	slt.u32 s16, $0x3FF0  }
.Ltmp3:
0x40: {  	v0 =	vand.u32 $0xC0000, v0;
	v2 =	vsel vm1, $0xFFFFFFFF, v2;
	v4 =	vsel vm1, $0xFFFFFFFF, v4;
	(pc) =	sbr.rel @p1 .LBB2_3-.Ltmp3, $4  }
0x41: {  	v0 =	vsel vm1, $0xFFFC0000, v0;
	v5 =	vand.u32 $0x7F, v4;
	v6 =	vshll.u32 v2, $0x9  }
0x42: {  	s14 =	sadd.s32 $0x10, s14;
	v4 =	vshll.u32 v4, $0x3;
	v6 =	vand.u32 $0xFFFFF000, v6;
	v7 =	vor.u32 v0, v5;
	(ifvalue) =	ssetifvalue $0x7FFFFFFF  }
0x43: {  	v2 =	vshll.u32 v2, $0x7;
	v4 =	vand.u32 $0xFFFFFC00, v4;
	v5 =	vadd.s32 v6, v7;
	[tilespmem:s14], [sflag:$0x1] =	stream.indirect_vreg.gather [hbm4b:s2+s10], $0x1, v1, vm0, $0x4038;
	[tilespmem:$0x10000] =	vst v63  }
0x44: {  	s17 =	sadd.s32 $0x10, s17;
	vm1 =	veq.s32 v3, $0x80000000;
	v1 =	vand.u32 $0x380, v2;
	v0 =	vmovc v3;
	v2 =	vadd.s32 v4, v5  }
.Ltmp4:
0x45: {  	_ = 	snop;
	(pc) =	sbr.rel .LBB2_4-.Ltmp4, $1  }
0x46: {  	_ =	sdelay $0x3  }
.LBB2_6:
0x47: {  	_ =	sfence.sel $0x180000  }
0x48: {  	s2 =	simm.s32 $0x2;
	[bflag:$0x0] =	sbarrier.arrive $0xFFFF  }
0x49: {  	s30 =	simm.s32 $0x3;
	[sflag:s2] =	ssyncpa.u1 $0x1  }
0x4a: {  	s31 =	simm.s32 $0x1;
	[sflag:s30] =	ssyncpa.u1 $0x1  }
0x4b: {  	[sflag:s31] =	ssyncpa.u1 $0x1  }
0x4c: {  	p0 =	sne.s32 s0, $0x0;
	_ =	strace $0x90000047  }
0x4d: {  	s0 =	sadd.s32 @!p0 $0x100000, s1;
	[bflag:$0x2] =	sbarrier.arrive $0xFFFF  }
0x4e: {  	[sflag:s0] =	ssyncadd.tile.s32 @!p0 $0x1;
	_ =	shalt  }
.Lfunc_end2:
_tile_overlayer_lowered:
.L_overlay_start_2:
0x4f: {  	(tag) =	ssettag $0x2  }
0x50: {  	s0 =	rddreg [dreg:$0x0];
	s2 =	stileid.u32  }
0x51: {  	s1 =	rddreg [dreg:$0x1];
	p0 =	sne.s32 s2, $0x0  }
0x52: {  	s3 =	rddreg [dreg:$0x2];
	[bflag:$0x3] =	sbarrier.arrive $0xFFFF;
	s2 =	simm.s32 @!p0 $0x1C01  }
0x53: {  	[timem:s3], [sflag:s2] =	dma.local @!p0 [hbm:s0], s1  }
0x54: {  	s0 =	simm.s32 @!p0 $0x1  }
0x55: {  	_ =	swait.ge @!p0 [sflag:s0], s1  }
0x56: {  	s1 =	ssub.s32 @!p0 $0x0, s1;
	[sflag:s0] =	ssyncset.done @!p0 $0x0  }
0x57: {  	[sflag:s0] =	ssyncadd.s32 @!p0 s1  }
0x58: {  	[bflag:$0x3] =	sbarrier.arrive $0xFFFF  }
0x59: {  	_ =	shalt  }

// kernel: gather_offload_async_start.2
scs
__scs_entry_jumppad:
0x0: {  	(pc) =	sbr.rel $0x88, $3  }
0x1: {  	(tag) =	ssettag $0x0;
	lr =	simm.s32 $0x1  }
0x2: {  	[smem:$0x3F9E] =	sst lr;
	_ =	strace $0xD0000000  }
0x3: {  	_ = 	snop  }
0x4: {  	_ = 	snop  }
0x5: {  	_ = 	snop  }
0x6: {  	_ = 	snop  }
0x7: {  	_ = 	snop  }
__scs_overlays_trampoline_lowered:
0x8: {  	[smem:$0x3FAD] =	sst s0  }
0x9: {  	[smem:$0x3FAE] =	sst s1  }
0xa: {  	[smem:$0x3FAF] =	sst s2  }
0xb: {  	[smem:$0x3FB0] =	sst s3  }
0xc: {  	[smem:$0x3FB1] =	sst s4  }
0xd: {  	[smem:$0x3FB2] =	sst s5  }
0xe: {  	[smem:$0x3FB3] =	sst s6  }
0xf: {  	[smem:$0x3FB4] =	sst s7  }
0x10: {  	[smem:$0x3FB5] =	sst s8  }
0x11: {  	[smem:$0x3FB6] =	sst s9;
	s0 =	simm.s32 @!p0 $0x0  }
0x12: {  	s1 =	sld [smem:$0x3F9C];
	s0 =	simm.s32 @p0 $0x1  }
0x13: {  	[smem:$0x3FB7] =	sst s0;
	s0 =	simm.s32 @!p1 $0x0  }
0x14: {  	s2 =	sld [smem:$0x3F9B];
	s0 =	simm.s32 @p1 $0x1  }
0x15: {  	[smem:$0x3FB8] =	sst s0;
	s0 =	simm.s32 @!p2 $0x0  }
0x16: {  	s3 =	sld [smem:$0x3FDB];
	s0 =	simm.s32 @p2 $0x1  }
0x17: {  	s4 =	simm.s32 $0x1BF5;
	[smem:$0x3FBA] =	sst s0  }
0x18: {  	s0 =	sld [smem:$0x3F9D];
	_ =	swait.ge [sflag:s4], $0x0  }
0x19: {  	s7 =	sld [smem:$0x3F9E]  }
0x1a: {  	s8 =	sadd.s32 $0xFFFFE003, lr  }
0x1b: {  	s9 =	sadd.s32 $0xFFFFFEF7, lr;
	s5 =	simm.s32 $0xFFFFFFFF;
	p2 =	slt.u32 s8, $0xFFFFF086  }
0x1c: {  	p1 =	slt.u32 s9, $0xF7A;
	s5 =	simm.s32 @!p2 $0x0  }
0x1d: {  	s5 =	simm.s32 @p1 $0x1;
	p0 =	seq.s32 s7, s2  }
0x1e: {  	s7 =	smul.u32 @!p0 $0xF7A, s2;
	p2 =	seq.s32 @!p0 s5, $0x0  }
0x1f: {  	s9 =	smul.u32 $0xF7A, s1;
	s8 =	simm.s32 @!p0 $0x1BF5;
	p2 =	por !p2, p0  }
0x20: {  	[sflag:s8] =	ssyncset.s32 @!p0 $0xFFFFF086;
	s6 =	sadd.s32 @!p0 s3, s7;
	s7 =	simm.s32 @!p0 $0x108  }
0x21: {  	s3 =	sadd.s32 s3, s9;
	s6 =	sadd.s32 @!p0 $0x88, s6;
	s7 =	simm.s32 @p2 $0x1082  }
0x22: {  	[simem:s7], [sflag:s8] =	dma.local @!p0 [hbm:s6], $0xF7A  }
0x23: {  	s9 =	sor.u32 $0xD0000000, s2;
	s6 =	simm.s32 $0x108;
	_ =	swait.ge @!p0 [sflag:s8], $0x0  }
0x24: {  	s3 =	sadd.s32 $0x88, s3;
	s6 =	simm.s32 @!p1 $0x1082;
	[sflag:s4] =	ssyncset.s32 $0xFFFFF086  }
0x25: {  	[simem:s6], [sflag:s4] =	dma.local [hbm:s3], $0xF7A  }
0x26: {  	[smem:$0x3F9E] =	sst s1;
	(tag) =	ssettag s2;
	_ =	strace s9  }
0x27: {  	s1 =	sld [smem:$0x3FAE]  }
0x28: {  	s2 =	sld [smem:$0x3FAF]  }
0x29: {  	s4 =	sld [smem:$0x3FB1]  }
0x2a: {  	p0 =	seq.s32 s5, $0x0;
	s5 =	sld [smem:$0x3FB2]  }
0x2b: {  	s6 =	sld [smem:$0x3FB3]  }
0x2c: {  	s7 =	sld [smem:$0x3FB4]  }
0x2d: {  	s3 =	simm.s32 $0x108;
	s8 =	sld [smem:$0x3FB5]  }
0x2e: {  	s3 =	simm.s32 @!p0 $0x1082;
	s9 =	sld [smem:$0x3FB6]  }
0x2f: {  	lr =	sadd.s32 s0, s3;
	s0 =	sld [smem:$0x3FAD]  }
0x30: {  	s3 =	sld [smem:$0x3FB0]  }
0x31: {  	[smem:$0x3FB9] =	sst s10  }
0x32: {  	s10 =	sld [smem:$0x3FB7];
	_ =	sdelay $0x3  }
0x33: {  	p0 =	seq.s32 s10, $0x1;
	s10 =	sld [smem:$0x3FB9];
	_ =	sdelay $0x3  }
0x34: {  	[smem:$0x3FB9] =	sst s10  }
0x35: {  	s10 =	sld [smem:$0x3FB8];
	_ =	sdelay $0x3  }
0x36: {  	p1 =	seq.s32 s10, $0x1;
	s10 =	sld [smem:$0x3FB9];
	_ =	sdelay $0x3  }
0x37: {  	[smem:$0x3FB9] =	sst s10  }
0x38: {  	s10 =	sld [smem:$0x3FBA]  }
0x39: {  	_ = 	snop;
	(pc) =	sbr.ind lr, $3  }
0x3a: {  	_ = 	snop  }
0x3b: {  	_ = 	snop  }
0x3c: {  	p2 =	seq.s32 s10, $0x1;
	s10 =	sld [smem:$0x3FB9]  }
0x3d: {  	_ =	shalt  }
0x3e: {  	_ =	shalt  }
0x3f: {  	_ =	shalt  }
0x40: {  	_ =	shalt  }
0x41: {  	_ =	shalt  }
0x42: {  	_ =	shalt  }
0x43: {  	_ =	shalt  }
0x44: {  	_ =	shalt  }
0x45: {  	_ =	shalt  }
0x46: {  	_ =	shalt  }
0x47: {  	_ =	shalt  }
0x48: {  	_ =	shalt  }
0x49: {  	_ =	shalt  }
0x4a: {  	_ =	shalt  }
0x4b: {  	_ =	shalt  }
0x4c: {  	_ =	shalt  }
0x4d: {  	_ =	shalt  }
0x4e: {  	_ =	shalt  }
0x4f: {  	_ =	shalt  }
0x50: {  	_ =	shalt  }
0x51: {  	_ =	shalt  }
0x52: {  	_ =	shalt  }
0x53: {  	_ =	shalt  }
0x54: {  	_ =	shalt  }
0x55: {  	_ =	shalt  }
0x56: {  	_ =	shalt  }
0x57: {  	_ =	shalt  }
0x58: {  	_ =	shalt  }
0x59: {  	_ =	shalt  }
0x5a: {  	_ =	shalt  }
0x5b: {  	_ =	shalt  }
0x5c: {  	_ =	shalt  }
0x5d: {  	_ =	shalt  }
0x5e: {  	_ =	shalt  }
0x5f: {  	_ =	shalt  }
0x60: {  	_ =	shalt  }
0x61: {  	_ =	shalt  }
0x62: {  	_ =	shalt  }
0x63: {  	_ =	shalt  }
0x64: {  	_ =	shalt  }
0x65: {  	_ =	shalt  }
0x66: {  	_ =	shalt  }
0x67: {  	_ =	shalt  }
0x68: {  	_ =	shalt  }
0x69: {  	_ =	shalt  }
0x6a: {  	_ =	shalt  }
0x6b: {  	_ =	shalt  }
0x6c: {  	_ =	shalt  }
0x6d: {  	_ =	shalt  }
0x6e: {  	_ =	shalt  }
0x6f: {  	_ =	shalt  }
0x70: {  	_ =	shalt  }
0x71: {  	_ =	shalt  }
0x72: {  	_ =	shalt  }
0x73: {  	_ =	shalt  }
0x74: {  	_ =	shalt  }
0x75: {  	_ =	shalt  }
0x76: {  	_ =	shalt  }
0x77: {  	_ =	shalt  }
0x78: {  	_ =	shalt  }
0x79: {  	_ =	shalt  }
0x7a: {  	_ =	shalt  }
0x7b: {  	_ =	shalt  }
0x7c: {  	_ =	shalt  }
0x7d: {  	_ =	shalt  }
0x7e: {  	_ =	shalt  }
0x7f: {  	_ =	shalt  }
0x80: {  	_ =	shalt  }
0x81: {  	_ =	shalt  }
0x82: {  	_ =	shalt  }
0x83: {  	_ =	shalt  }
0x84: {  	_ =	shalt  }
0x85: {  	_ =	shalt  }
0x86: {  	_ =	shalt  }
0x87: {  	_ =	shalt  }
.Lfunc_end0:
.L_simem_size_0:
called_computation.2_lowered:
.L_overlay_start_0:
0x88: {  	s2 =	sld [smem:$0x3FD9]  }
0x89: {  	s3 =	sld [smem:$0x3FFE];
	_ =	sdelay $0x1  }
0x8a: {  	s1 =	srdreg.scid  }
0x8b: {  	s0 =	sand.u32 $0x1, s1  }
0x8c: {  	s17 =	sshll.u32 s0, $0xA;
	s2 =	sadd.s32 s3, s2  }
0x8d: {  	s2 =	sadd.s32 s2, s17  }
0x8e: {  	[smem:$0x3FC5] =	sst s2  }
0x8f: {  	_ = 	snop  }
0x90: {  	s18 =	sld [smem:$0x3FC8];
	(tm) =	ssettm $0x1  }
0x91: {  	s19 =	sld [smem:$0x3FFB];
	_ =	sdelay $0x3  }
0x92: {  	_ =	strace s19  }
0x93: {  	s2 =	sld [smem:$0x3FFC];
	_ =	sdelay $0x3  }
0x94: {  	_ =	strace s2  }
0x95: {  	s2 =	sld [smem:$0x3FFD];
	_ =	sdelay $0x3  }
0x96: {  	_ =	strace s2  }
0x97: {  	_ =	strace $0x8FFFFFFF  }
0x98: {  	s20 =	sld [smem:$0x3FDB];
	_ =	sdelay $0x1  }
0x99: {  	s4 =	simm.s32 $_scs_section_size  }
0x9a: {  	s5 =	simm.s32 $_size__tile_overlayer_lowered;
	s6 =	simm.s32 $_tile_overlayer_lowered  }
0x9b: {  	s7 =	simm.s32 $0x1BFF;
	s21 =	sshll.u32 s6, $0x1;
	s4 =	sadd.s32 s4, s20  }
0x9c: {  	s22 =	simm.s32 $0x0;
	s5 =	sshll.u32 s5, $0x1;
	s6 =	sadd.s32 s21, s4  }
0x9d: {  	[timem:s22], [sflag:s7] =	dma.local [hbm:s6], s5  }
0x9e: {  	_ =	swait.ge [sflag:s7], s5  }
0x9f: {  	s5 =	ssub.s32 $0x0, s5;
	[sflag:s7] =	ssyncset.done $0x0  }
0xa0: {  	[sflag:s7] =	ssyncadd.s32 s5;
	_ =	sdelay $0x1  }
0xa1: {  	s23 =	simm.s32 $0x1B8B  }
0xa2: {  	_ =	swait.ge [sflag:s23], $0x1  }
0xa3: {  	[sflag:s23] =	ssyncset.done $0x0  }
0xa4: {  	[sflag:s23] =	ssyncadd.s32 $0xFFFFFFFF  }
0xa5: {  	s5 =	sld [smem:$0x0]  }
0xa6: {  	s6 =	sand.u32 $0xFFFFFFFE, s1  }
0xa7: {  	p0 =	sne.s32 s1, s6  }
0xa8: {  	s6 =	sshll.u32 @p0 s6, $0xE  }
0xa9: {  	s6 =	sadd.s32 @p0 $0x11B8D, s6;
	s7 =	sshll.u32 @p0 s5, $0x11  }
0xaa: {  	s6 =	sor.u32 @p0 s7, s6  }
0xab: {  	[sflag:s6] =	ssyncadd.remote.s32 @p0 $0x1;
	_ =	sdelay $0x1  }
0xac: {  	s6 =	simm.s32 @p0 $0x1B8D  }
0xad: {  	_ =	swait.eq @p0 [sflag:s6], $0x1  }
0xae: {  	[sflag:s6] =	ssyncadd.s32 @p0 $0xFFFFFFFF  }
0xaf: {  	s7 =	sshll.u32 @!p0 s1, $0xE  }
0xb0: {  	s7 =	sor.u32 @!p0 $0x4000, s7;
	s6 =	simm.s32 @!p0 $0x1B8D  }
0xb1: {  	s5 =	sshll.u32 @!p0 s5, $0x11;
	s7 =	sadd.s32 @!p0 $0x11B8D, s7;
	_ =	swait.eq @!p0 [sflag:s6], $0x1  }
0xb2: {  	s5 =	sor.u32 @!p0 s5, s7;
	[sflag:s6] =	ssyncadd.s32 @!p0 $0xFFFFFFFF  }
0xb3: {  	s25 =	simm.s32 $0x1B8E;
	s24 =	sld [smem:$0x3FFE];
	[sflag:s5] =	ssyncadd.remote.s32 @!p0 $0x1  }
0xb4: {  	s26 =	simm.s32 $execute0_lowered;
	[smem:$0x3FD2] =	sst s25  }
0xb5: {  	s6 =	sshll.u32 s26, $0x1;
	_ =	strace $0x80000049;
	[dreg:$0x1] =	wrdreg $0xFFFFFFFF  }
0xb6: {  	s28 =	simm.s32 $_size_execute0_lowered;
	s4 =	sadd.s32 s4, s6;
	[dreg:$0x0] =	wrdreg $0x0  }
0xb7: {  	s6 =	sshll.u32 s28, $0x1;
	[dreg:$0x2] =	wrdreg s4  }
0xb8: {  	[dreg:$0x3] =	wrdreg s6  }
0xb9: {  	[dreg:$0x4] =	wrdreg $0xC0  }
0xba: {  	_ =	task [dreg:s22], $0x5FFFF  }
0xbb: {  	[dreg:$0x1] =	wrdreg $0xFFFFFFFF  }
0xbc: {  	[dreg:$0x0] =	wrdreg $0x60  }
0xbd: {  	[dreg:$0x2] =	wrdreg s18  }
0xbe: {  	[dreg:$0x3] =	wrdreg s24  }
0xbf: {  	[dreg:$0x4] =	wrdreg $0xA  }
0xc0: {  	_ =	task.clear_ibuf [dreg:s22], $0x5FFFF;
	_ =	strace $0x90000049  }
0xc1: {  	s29 =	simm.s32 $0xA;
	_ =	strace $0x8000004B  }
0xc2: {  	_ =	swait.ge [sflag:s29], $0x1  }
0xc3: {  	[sflag:s29] =	ssyncadd.s32 $0xFFFFFFFF  }
0xc4: {  	_ =	strace $0x9000004B  }
0xc5: {  	_ =	sfence  }
0xc6: {  	s30 =	sld [smem:$0x0];
	_ =	sdelay $0x2  }
0xc7: {  	s31 =	sshll.u32 s1, $0xD;
	s1 =	sshrl.u32 s1, $0x2  }
0xc8: {  	s4 =	sand.u32 $0x4000, s31;
	s1 =	sadd.s32 s1, s30  }
0xc9: {  	s0 =	sor.u32 s4, s0;
	s1 =	sshll.u32 s1, $0x11  }
0xca: {  	s0 =	sor.u32 s1, s0  }
0xcb: {  	s0 =	sadd.s32 $0x8F2B, s0  }
0xcc: {  	[sflag:s0] =	ssyncadd.remote.s32 $0x1  }
0xcd: {  	_ =	sfence.sel $0xFFFF  }
0xce: {  	[dreg:$0x0] =	wrdreg $0xFFFFFFFF;
	(pc) =	sbr.abs _section_cstart, $3  }
0xcf: {  	[dreg:$0x1] =	wrdreg $0xFFFFFFFF  }
0xd0: {  	_ =	task.clear_ibuf [dreg:s22], $0x2FFFF;
	_ =	strace $0x9FFFFFFF  }
0xd1: {  	(tm) =	ssettm $0x7FFFFFFF  }
tec
execute0_lowered:
.L_overlay_start_1:
0x0: {  	(tag) =	ssettag $0x1  }
0x1: {  	s1 =	srdreg.scid;
	s2 =	rddreg [dreg:$0x0]  }
0x2: {  	s0 =	stileid.u32;
	s5 =	rddreg [dreg:$0x1];
	s6 =	simm.s32 $0x1  }
0x3: {  	s9 =	simm.s32 $0x1;
	s10 =	simm.s32 $0x3;
	s1 =	sshll.u32 s1, $0xE  }
0x4: {  	s13 =	simm.s32 $0x0;
	s3 =	sshll.u32 s0, $0xF;
	s4 =	sand.u32 $0x4000, s1  }
0x5: {  	s12 =	simm.s32 $0x0;
	s1 =	rddreg [dreg:$0x2];
	s3 =	sor.u32 s3, s4  }
0x6: {  	_ =	strace $0x8000004A;
	s4 =	sadd.s32 $0x60200, s5;
	s8 =	ssub.s32 $0x100000, s3  }
.Ltmp0:
0x7: {  	s5 =	sadd.s32 $0xE0200, s5;
	s7 =	sand.u32 $0x7C000, s8;
	(pc) =	sbr.rel .LBB2_1-.Ltmp0, $4  }
0x8: {  	[sflag:s6] =	ssyncpa.u1 $0x0;
	s11 =	smov.u32 s3;
	p0 =	sne.s32 s7, $0x0  }
0x9: {  	s8 =	sshrl.u32 s8, $0x13;
	s7 =	simm.s32 $0x2;
	s9 =	simm.s32 @!p0 $0x0  }
0xa: {  	[sflag:s7] =	ssyncpa.u1 $0x0;
	p0 =	por $0x0, $0x0;
	s8 =	sadd.s32 s9, s8  }
0xb: {  	vm0 =	vmmov $0xffff;
	[sflag:s10] =	ssyncpa.u1 $0x0;
	s10 =	simm.s32 $0x0;
	s9 =	sadd.s32 $0x1, s8  }
.LBB2_4:
0xc: {  	v3 =	vshrl.u32 v0, $0x2;
	v4 =	vshrl.u32 v0, $0xB;
	v1 =	vor.u32 v1, v2  }
0xd: {  	v62 =	vshll.u32 v0, $0x12;
	v60 =	vand.u32 $0x1FF, v3;
	v61 =	vand.u32 $0x1FF, v4  }
0xe: {  	v0 =	vand.u32 $0xC0000, v62;
	v2 =	vsel vm1, $0xFFFFFFFF, v60;
	v3 =	vsel vm1, $0xFFFFFFFF, v61  }
0xf: {  	v0 =	vsel vm1, $0xFFFC0000, v0;
	v63 =	vand.u32 $0x7F, v3;
	v5 =	vshll.u32 v2, $0x9  }
0x10: {  	v3 =	vshll.u32 v3, $0x3;
	v5 =	vand.u32 $0xFFFFF000, v5;
	v0 =	vor.u32 v0, v63  }
0x11: {  	v2 =	vshll.u32 v2, $0x7;
	v3 =	vand.u32 $0xFFFFFC00, v3;
	v0 =	vadd.s32 v5, v0  }
0x12: {  	v2 =	vand.u32 $0x380, v2;
	v0 =	vadd.s32 v3, v0  }
0x13: {  	v0 =	vor.u32 v2, v0;
	_ =	sdelay $0x1  }
0x14: {  	(ifvalue) =	ssetifvalue $0x7FFFFFFF;
	s14 =	sadd.s32 $0x10, s14  }
0x15: {  	[tilespmem:s14], [sflag:$0x1] =	stream.indirect_vreg.gather [hbm4b:s2+s10], $0x1, v1, vm0, $0x4038;
	[tilespmem:$0x10000] =	vst v63  }
0x16: {  	(ifvalue) =	ssetifvalue $0x7FFFFFFF;
	s14 =	sadd.s32 $0x10, s14  }
0x17: {  	[tilespmem:s14], [sflag:$0x1] =	stream.indirect_vreg.gather [hbm4b:s2+s10], $0x1, v0, vm0, $0x4038;
	[tilespmem:$0x10000] =	vst v63  }
0x18: {  	_ =	swait.ge [sflag:s6], $0x4000  }
0x19: {  	s30 =	sshrl.u32 s13, $0x3;
	[sflag:s6] =	ssyncset.done $0x0  }
0x1a: {  	s31 =	sand.u32 $0x7, s13;
	s14 =	sadd.s32 s5, s30;
	[sflag:s6] =	ssyncadd.s32 $0xFFFFC000  }
0x1b: {  	[hbm4b:s14+s31] =	stream.linear.scatter [tilespmem:s15], [sflag:$0x3], $0x4000, $0x38;
	[tilespmem:$0x10000] =	vst v63  }
.LBB2_5:
0x1c: {  	s15 =	sadd.s32 $0x80000, s11  }
0x1d: {  	p2 =	sgt.s32 s15, $0xFFFFF  }
0x1e: {  	s15 =	smov.u32 @p2 s3;
	p2 =	sne.s32 s12, s9  }
.Ltmp1:
0x1f: {  	p1 =	slt.u32 s12, $0x2;
	(pc) =	sbr.rel @!p2 .LBB2_6-.Ltmp1, $4  }
0x20: {  	s14 =	simm.s32 @!p1 $0x3  }
0x21: {  	s16 =	sadd.s32 $0x1, s12;
	_ =	swait.ge @!p1 [sflag:s14], $0x4000  }
0x22: {  	s13 =	smov.u32 s11;
	p0 =	por !p0, !p0;
	[sflag:s14] =	ssyncset.done @!p1 $0x0  }
0x23: {  	s12 =	smov.u32 s16;
	s11 =	smov.u32 s15;
	[sflag:s14] =	ssyncadd.s32 @!p1 $0xFFFFC000  }
.LBB2_1:
0x24: {  	p1 =	sge.u32 s12, s8  }
0x25: {  	s14 =	sxor.u32 @!p1 $0xFFFFFFFF, s12  }
0x26: {  	s31 =	sadd.s32 $0xFFFFFFFF, s12;
	s15 =	sshrl.u32 @!p1 s11, $0x3;
	s14 =	sshll.u32 @!p1 s14, $0xE  }
0x27: {  	s16 =	sand.u32 @!p1 $0x7, s11;
	s15 =	sadd.s32 @!p1 s4, s15;
	s14 =	sand.u32 @!p1 $0x4000, s14  }
0x28: {  	[tilespmem:s14], [sflag:$0x2] =	stream.linear.gather @!p1 [hbm4b:s15+s16], $0x4000, $0x38;
	[tilespmem:$0x10000] =	vst v63  }
0x29: {  	p1 =	sge.u32 s31, s8  }
.Ltmp2:
0x2a: {  	_ = 	snop;
	(pc) =	sbr.rel @p1 .LBB2_5-.Ltmp2, $1  }
0x2b: {  	_ =	sdelay $0x3  }
0x2c: {  	s14 =	simm.s32 $0x1  }
0x2d: {  	_ =	swait.ge [sflag:s7], $0x4000;
	s14 =	simm.s32 @!p0 $0x0  }
0x2e: {  	[sflag:s7] =	ssyncset.done $0x0;
	s14 =	sshll.u32 s14, $0xE  }
0x2f: {  	[sflag:s7] =	ssyncadd.s32 $0xFFFFC000;
	(ifvalue) =	ssetifvalue $0x7FFFFFFF;
	v0 =	vld.msk [tilespmem:s14+$0x0 ss:$0x1], $0xffff;
	_ =	sdelay $0x4  }
0x30: {  	s15 =	sadd.s32 $0x10, s14;
	vm1 =	veq.s32 v0, $0x80000000;
	v1 =	vshrl.u32 v0, $0x2;
	v2 =	vshrl.u32 v0, $0xB  }
0x31: {  	v3 =	vld.msk [tilespmem:s15+$0x0 ss:$0x1], $0xffff;
	v0 =	vshll.u32 v0, $0x12;
	v1 =	vand.u32 $0x1FF, v1;
	v2 =	vand.u32 $0x1FF, v2  }
0x32: {  	v0 =	vand.u32 $0xC0000, v0;
	v1 =	vsel vm1, $0xFFFFFFFF, v1;
	v2 =	vsel vm1, $0xFFFFFFFF, v2  }
0x33: {  	v0 =	vsel vm1, $0xFFFC0000, v0;
	v4 =	vand.u32 $0x7F, v2;
	v5 =	vshll.u32 v1, $0x9  }
0x34: {  	v2 =	vshll.u32 v2, $0x3;
	v5 =	vand.u32 $0xFFFFF000, v5;
	v0 =	vor.u32 v0, v4  }
0x35: {  	v1 =	vshll.u32 v1, $0x7;
	v2 =	vand.u32 $0xFFFFFC00, v2;
	v0 =	vadd.s32 v5, v0  }
0x36: {  	v62 =	vshrl.u32 v3, $0xB;
	v1 =	vand.u32 $0x380, v1;
	v0 =	vadd.s32 v2, v0  }
0x37: {  	s17 =	sadd.s32 $0x10, s15;
	vm1 =	veq.s32 v3, $0x80000000;
	v2 =	vshrl.u32 v3, $0x2;
	v1 =	vor.u32 v1, v0  }
0x38: {  	v4 =	vand.u32 $0x1FF, v62;
	v3 =	vshll.u32 v3, $0x12;
	v0 =	vld.msk [tilespmem:s17+$0x0 ss:$0x1], $0xffff;
	v2 =	vand.u32 $0x1FF, v2  }
0x39: {  	v4 =	vsel vm1, $0xFFFFFFFF, v4;
	v3 =	vand.u32 $0xC0000, v3;
	v2 =	vsel vm1, $0xFFFFFFFF, v2  }
0x3a: {  	s31 =	sshll.u32 s12, $0xE;
	v63 =	vand.u32 $0x7F, v4;
	v3 =	vsel vm1, $0xFFFC0000, v3;
	v6 =	vshll.u32 v2, $0x9  }
0x3b: {  	s14 =	sor.u32 $0x8000, s14;
	s15 =	sand.u32 $0x4000, s31;
	v4 =	vshll.u32 v4, $0x3;
	(ifvalue) =	ssetifvalue $0x7FFFFFFF;
	v3 =	vor.u32 v3, v63;
	v6 =	vand.u32 $0xFFFFF000, v6  }
0x3c: {  	v4 =	vand.u32 $0xFFFFFC00, v4;
	[tilespmem:s14], [sflag:$0x1] =	stream.indirect_vreg.gather [hbm4b:s2+s10], $0x1, v1, vm0, $0x4038;
	v1 =	vshll.u32 v2, $0x7;
	v2 =	vadd.s32 v6, v3;
	[tilespmem:$0x10000] =	vst v63  }
0x3d: {  	s16 =	simm.s32 $0x20;
	s15 =	sor.u32 $0x8000, s15;
	s17 =	sadd.s32 $0x10, s17;
	vm1 =	veq.s32 v0, $0x80000000;
	v1 =	vand.u32 $0x380, v1;
	v2 =	vadd.s32 v4, v2  }
.LBB2_3:
0x3e: {  	v3 =	vld.msk [tilespmem:s17+$0x0 ss:$0x1], $0xffff;
	v4 =	vshrl.u32 v0, $0x2;
	v5 =	vshrl.u32 v0, $0xB;
	v1 =	vor.u32 v1, v2;
	s16 =	sadd.s32 $0x10, s16  }
0x3f: {  	v0 =	vshll.u32 v0, $0x12;
	v2 =	vand.u32 $0x1FF, v4;
	v4 =	vand.u32 $0x1FF, v5;
	p1 =	slt.u32 s16, $0x3FF0  }
.Ltmp3:
0x40: {  	v0 =	vand.u32 $0xC0000, v0;
	v2 =	vsel vm1, $0xFFFFFFFF, v2;
	v4 =	vsel vm1, $0xFFFFFFFF, v4;
	(pc) =	sbr.rel @p1 .LBB2_3-.Ltmp3, $4  }
0x41: {  	v0 =	vsel vm1, $0xFFFC0000, v0;
	v5 =	vand.u32 $0x7F, v4;
	v6 =	vshll.u32 v2, $0x9  }
0x42: {  	s14 =	sadd.s32 $0x10, s14;
	v4 =	vshll.u32 v4, $0x3;
	v6 =	vand.u32 $0xFFFFF000, v6;
	v7 =	vor.u32 v0, v5;
	(ifvalue) =	ssetifvalue $0x7FFFFFFF  }
0x43: {  	v2 =	vshll.u32 v2, $0x7;
	v4 =	vand.u32 $0xFFFFFC00, v4;
	v5 =	vadd.s32 v6, v7;
	[tilespmem:s14], [sflag:$0x1] =	stream.indirect_vreg.gather [hbm4b:s2+s10], $0x1, v1, vm0, $0x4038;
	[tilespmem:$0x10000] =	vst v63  }
0x44: {  	s17 =	sadd.s32 $0x10, s17;
	vm1 =	veq.s32 v3, $0x80000000;
	v1 =	vand.u32 $0x380, v2;
	v0 =	vmovc v3;
	v2 =	vadd.s32 v4, v5  }
.Ltmp4:
0x45: {  	_ = 	snop;
	(pc) =	sbr.rel .LBB2_4-.Ltmp4, $1  }
0x46: {  	_ =	sdelay $0x3  }
.LBB2_6:
0x47: {  	_ =	sfence.sel $0x180000  }
0x48: {  	s2 =	simm.s32 $0x2;
	[bflag:$0x0] =	sbarrier.arrive $0xFFFF  }
0x49: {  	s30 =	simm.s32 $0x3;
	[sflag:s2] =	ssyncpa.u1 $0x1  }
0x4a: {  	s31 =	simm.s32 $0x1;
	[sflag:s30] =	ssyncpa.u1 $0x1  }
0x4b: {  	[sflag:s31] =	ssyncpa.u1 $0x1  }
0x4c: {  	p0 =	sne.s32 s0, $0x0;
	_ =	strace $0x9000004A  }
0x4d: {  	s0 =	sadd.s32 @!p0 $0x100000, s1;
	[bflag:$0x2] =	sbarrier.arrive $0xFFFF  }
0x4e: {  	[sflag:s0] =	ssyncadd.tile.s32 @!p0 $0x1;
	_ =	shalt  }
.Lfunc_end2:
_tile_overlayer_lowered:
.L_overlay_start_2:
0x4f: {  	(tag) =	ssettag $0x2  }
0x50: {  	s0 =	rddreg [dreg:$0x0];
	s2 =	stileid.u32  }
0x51: {  	s1 =	rddreg [dreg:$0x1];
	p0 =	sne.s32 s2, $0x0  }
0x52: {  	s3 =	rddreg [dreg:$0x2];
	[bflag:$0x3] =	sbarrier.arrive $0xFFFF;
	s2 =	simm.s32 @!p0 $0x1C01  }
0x53: {  	[timem:s3], [sflag:s2] =	dma.local @!p0 [hbm:s0], s1  }
0x54: {  	s0 =	simm.s32 @!p0 $0x1  }
0x55: {  	_ =	swait.ge @!p0 [sflag:s0], s1  }
0x56: {  	s1 =	ssub.s32 @!p0 $0x0, s1;
	[sflag:s0] =	ssyncset.done @!p0 $0x0  }
0x57: {  	[sflag:s0] =	ssyncadd.s32 @!p0 s1  }
0x58: {  	[bflag:$0x3] =	sbarrier.arrive $0xFFFF  }
0x59: {  	_ =	shalt  }

// kernel: gather_offload_async_start.3
scs
__scs_entry_jumppad:
0x0: {  	(pc) =	sbr.rel $0x88, $3  }
0x1: {  	(tag) =	ssettag $0x0;
	lr =	simm.s32 $0x1  }
0x2: {  	[smem:$0x3F9E] =	sst lr;
	_ =	strace $0xD0000000  }
0x3: {  	_ = 	snop  }
0x4: {  	_ = 	snop  }
0x5: {  	_ = 	snop  }
0x6: {  	_ = 	snop  }
0x7: {  	_ = 	snop  }
__scs_overlays_trampoline_lowered:
0x8: {  	[smem:$0x3FAD] =	sst s0  }
0x9: {  	[smem:$0x3FAE] =	sst s1  }
0xa: {  	[smem:$0x3FAF] =	sst s2  }
0xb: {  	[smem:$0x3FB0] =	sst s3  }
0xc: {  	[smem:$0x3FB1] =	sst s4  }
0xd: {  	[smem:$0x3FB2] =	sst s5  }
0xe: {  	[smem:$0x3FB3] =	sst s6  }
0xf: {  	[smem:$0x3FB4] =	sst s7  }
0x10: {  	[smem:$0x3FB5] =	sst s8  }
0x11: {  	[smem:$0x3FB6] =	sst s9;
	s0 =	simm.s32 @!p0 $0x0  }
0x12: {  	s1 =	sld [smem:$0x3F9C];
	s0 =	simm.s32 @p0 $0x1  }
0x13: {  	[smem:$0x3FB7] =	sst s0;
	s0 =	simm.s32 @!p1 $0x0  }
0x14: {  	s2 =	sld [smem:$0x3F9B];
	s0 =	simm.s32 @p1 $0x1  }
0x15: {  	[smem:$0x3FB8] =	sst s0;
	s0 =	simm.s32 @!p2 $0x0  }
0x16: {  	s3 =	sld [smem:$0x3FDB];
	s0 =	simm.s32 @p2 $0x1  }
0x17: {  	s4 =	simm.s32 $0x1BF5;
	[smem:$0x3FBA] =	sst s0  }
0x18: {  	s0 =	sld [smem:$0x3F9D];
	_ =	swait.ge [sflag:s4], $0x0  }
0x19: {  	s7 =	sld [smem:$0x3F9E]  }
0x1a: {  	s8 =	sadd.s32 $0xFFFFE003, lr  }
0x1b: {  	s9 =	sadd.s32 $0xFFFFFEF7, lr;
	s5 =	simm.s32 $0xFFFFFFFF;
	p2 =	slt.u32 s8, $0xFFFFF086  }
0x1c: {  	p1 =	slt.u32 s9, $0xF7A;
	s5 =	simm.s32 @!p2 $0x0  }
0x1d: {  	s5 =	simm.s32 @p1 $0x1;
	p0 =	seq.s32 s7, s2  }
0x1e: {  	s7 =	smul.u32 @!p0 $0xF7A, s2;
	p2 =	seq.s32 @!p0 s5, $0x0  }
0x1f: {  	s9 =	smul.u32 $0xF7A, s1;
	s8 =	simm.s32 @!p0 $0x1BF5;
	p2 =	por !p2, p0  }
0x20: {  	[sflag:s8] =	ssyncset.s32 @!p0 $0xFFFFF086;
	s6 =	sadd.s32 @!p0 s3, s7;
	s7 =	simm.s32 @!p0 $0x108  }
0x21: {  	s3 =	sadd.s32 s3, s9;
	s6 =	sadd.s32 @!p0 $0x88, s6;
	s7 =	simm.s32 @p2 $0x1082  }
0x22: {  	[simem:s7], [sflag:s8] =	dma.local @!p0 [hbm:s6], $0xF7A  }
0x23: {  	s9 =	sor.u32 $0xD0000000, s2;
	s6 =	simm.s32 $0x108;
	_ =	swait.ge @!p0 [sflag:s8], $0x0  }
0x24: {  	s3 =	sadd.s32 $0x88, s3;
	s6 =	simm.s32 @!p1 $0x1082;
	[sflag:s4] =	ssyncset.s32 $0xFFFFF086  }
0x25: {  	[simem:s6], [sflag:s4] =	dma.local [hbm:s3], $0xF7A  }
0x26: {  	[smem:$0x3F9E] =	sst s1;
	(tag) =	ssettag s2;
	_ =	strace s9  }
0x27: {  	s1 =	sld [smem:$0x3FAE]  }
0x28: {  	s2 =	sld [smem:$0x3FAF]  }
0x29: {  	s4 =	sld [smem:$0x3FB1]  }
0x2a: {  	p0 =	seq.s32 s5, $0x0;
	s5 =	sld [smem:$0x3FB2]  }
0x2b: {  	s6 =	sld [smem:$0x3FB3]  }
0x2c: {  	s7 =	sld [smem:$0x3FB4]  }
0x2d: {  	s3 =	simm.s32 $0x108;
	s8 =	sld [smem:$0x3FB5]  }
0x2e: {  	s3 =	simm.s32 @!p0 $0x1082;
	s9 =	sld [smem:$0x3FB6]  }
0x2f: {  	lr =	sadd.s32 s0, s3;
	s0 =	sld [smem:$0x3FAD]  }
0x30: {  	s3 =	sld [smem:$0x3FB0]  }
0x31: {  	[smem:$0x3FB9] =	sst s10  }
0x32: {  	s10 =	sld [smem:$0x3FB7];
	_ =	sdelay $0x3  }
0x33: {  	p0 =	seq.s32 s10, $0x1;
	s10 =	sld [smem:$0x3FB9];
	_ =	sdelay $0x3  }
0x34: {  	[smem:$0x3FB9] =	sst s10  }
0x35: {  	s10 =	sld [smem:$0x3FB8];
	_ =	sdelay $0x3  }
0x36: {  	p1 =	seq.s32 s10, $0x1;
	s10 =	sld [smem:$0x3FB9];
	_ =	sdelay $0x3  }
0x37: {  	[smem:$0x3FB9] =	sst s10  }
0x38: {  	s10 =	sld [smem:$0x3FBA]  }
0x39: {  	_ = 	snop;
	(pc) =	sbr.ind lr, $3  }
0x3a: {  	_ = 	snop  }
0x3b: {  	_ = 	snop  }
0x3c: {  	p2 =	seq.s32 s10, $0x1;
	s10 =	sld [smem:$0x3FB9]  }
0x3d: {  	_ =	shalt  }
0x3e: {  	_ =	shalt  }
0x3f: {  	_ =	shalt  }
0x40: {  	_ =	shalt  }
0x41: {  	_ =	shalt  }
0x42: {  	_ =	shalt  }
0x43: {  	_ =	shalt  }
0x44: {  	_ =	shalt  }
0x45: {  	_ =	shalt  }
0x46: {  	_ =	shalt  }
0x47: {  	_ =	shalt  }
0x48: {  	_ =	shalt  }
0x49: {  	_ =	shalt  }
0x4a: {  	_ =	shalt  }
0x4b: {  	_ =	shalt  }
0x4c: {  	_ =	shalt  }
0x4d: {  	_ =	shalt  }
0x4e: {  	_ =	shalt  }
0x4f: {  	_ =	shalt  }
0x50: {  	_ =	shalt  }
0x51: {  	_ =	shalt  }
0x52: {  	_ =	shalt  }
0x53: {  	_ =	shalt  }
0x54: {  	_ =	shalt  }
0x55: {  	_ =	shalt  }
0x56: {  	_ =	shalt  }
0x57: {  	_ =	shalt  }
0x58: {  	_ =	shalt  }
0x59: {  	_ =	shalt  }
0x5a: {  	_ =	shalt  }
0x5b: {  	_ =	shalt  }
0x5c: {  	_ =	shalt  }
0x5d: {  	_ =	shalt  }
0x5e: {  	_ =	shalt  }
0x5f: {  	_ =	shalt  }
0x60: {  	_ =	shalt  }
0x61: {  	_ =	shalt  }
0x62: {  	_ =	shalt  }
0x63: {  	_ =	shalt  }
0x64: {  	_ =	shalt  }
0x65: {  	_ =	shalt  }
0x66: {  	_ =	shalt  }
0x67: {  	_ =	shalt  }
0x68: {  	_ =	shalt  }
0x69: {  	_ =	shalt  }
0x6a: {  	_ =	shalt  }
0x6b: {  	_ =	shalt  }
0x6c: {  	_ =	shalt  }
0x6d: {  	_ =	shalt  }
0x6e: {  	_ =	shalt  }
0x6f: {  	_ =	shalt  }
0x70: {  	_ =	shalt  }
0x71: {  	_ =	shalt  }
0x72: {  	_ =	shalt  }
0x73: {  	_ =	shalt  }
0x74: {  	_ =	shalt  }
0x75: {  	_ =	shalt  }
0x76: {  	_ =	shalt  }
0x77: {  	_ =	shalt  }
0x78: {  	_ =	shalt  }
0x79: {  	_ =	shalt  }
0x7a: {  	_ =	shalt  }
0x7b: {  	_ =	shalt  }
0x7c: {  	_ =	shalt  }
0x7d: {  	_ =	shalt  }
0x7e: {  	_ =	shalt  }
0x7f: {  	_ =	shalt  }
0x80: {  	_ =	shalt  }
0x81: {  	_ =	shalt  }
0x82: {  	_ =	shalt  }
0x83: {  	_ =	shalt  }
0x84: {  	_ =	shalt  }
0x85: {  	_ =	shalt  }
0x86: {  	_ =	shalt  }
0x87: {  	_ =	shalt  }
.Lfunc_end0:
.L_simem_size_0:
called_computation.3_lowered:
.L_overlay_start_0:
0x88: {  	s2 =	sld [smem:$0x3FD9]  }
0x89: {  	s3 =	sld [smem:$0x3FFE];
	_ =	sdelay $0x1  }
0x8a: {  	s1 =	srdreg.scid  }
0x8b: {  	s0 =	sand.u32 $0x1, s1  }
0x8c: {  	s17 =	sshll.u32 s0, $0xA;
	s2 =	sadd.s32 s3, s2  }
0x8d: {  	s2 =	sadd.s32 s2, s17  }
0x8e: {  	[smem:$0x3FC5] =	sst s2  }
0x8f: {  	_ = 	snop  }
0x90: {  	s2 =	sld [smem:$0x3FC8];
	(tm) =	ssettm $0x1  }
0x91: {  	s18 =	sld [smem:$0x3FFB];
	_ =	sdelay $0x3  }
0x92: {  	_ =	strace s18  }
0x93: {  	s3 =	sld [smem:$0x3FFC];
	_ =	sdelay $0x3  }
0x94: {  	_ =	strace s3  }
0x95: {  	s3 =	sld [smem:$0x3FFD];
	_ =	sdelay $0x3  }
0x96: {  	_ =	strace s3  }
0x97: {  	_ =	strace $0x8FFFFFFF  }
0x98: {  	s19 =	sld [smem:$0x3FDB];
	_ =	sdelay $0x1  }
0x99: {  	s4 =	simm.s32 $_scs_section_size  }
0x9a: {  	s5 =	simm.s32 $_size__tile_overlayer_lowered;
	s6 =	simm.s32 $_tile_overlayer_lowered  }
0x9b: {  	s22 =	simm.s32 $0x1BFF;
	s21 =	sshll.u32 s6, $0x1;
	s3 =	sadd.s32 s4, s19  }
0x9c: {  	s7 =	simm.s32 $0x0;
	s20 =	sshll.u32 s5, $0x1;
	s5 =	sadd.s32 s21, s3  }
0x9d: {  	[timem:s7], [sflag:s22] =	dma.local [hbm:s5], s20  }
0x9e: {  	_ =	swait.ge [sflag:s22], s20  }
0x9f: {  	s4 =	ssub.s32 $0x0, s20;
	[sflag:s22] =	ssyncset.done $0x0  }
0xa0: {  	[sflag:s22] =	ssyncadd.s32 s4;
	_ =	sdelay $0x1  }
0xa1: {  	s23 =	simm.s32 $0x1B8B  }
0xa2: {  	_ =	swait.ge [sflag:s23], $0x1  }
0xa3: {  	[sflag:s23] =	ssyncset.done $0x0  }
0xa4: {  	s25 =	simm.s32 $0x1B8E;
	s24 =	sld [smem:$0x3FFE];
	[sflag:s23] =	ssyncadd.s32 $0xFFFFFFFF  }
0xa5: {  	s26 =	simm.s32 $execute0_lowered;
	[smem:$0x3FD2] =	sst s25  }
0xa6: {  	s5 =	sshll.u32 s26, $0x1;
	_ =	strace $0x8000004C;
	[dreg:$0x1] =	wrdreg $0xFFFFFFFF  }
0xa7: {  	s28 =	simm.s32 $_size_execute0_lowered;
	s3 =	sadd.s32 s3, s5;
	[dreg:$0x0] =	wrdreg $0x0  }
0xa8: {  	s5 =	sshll.u32 s28, $0x1;
	[dreg:$0x2] =	wrdreg s3  }
0xa9: {  	[dreg:$0x3] =	wrdreg s5  }
0xaa: {  	[dreg:$0x4] =	wrdreg $0xC0  }
0xab: {  	_ =	task [dreg:s7], $0x5FFFF  }
0xac: {  	[dreg:$0x1] =	wrdreg $0xFFFFFFFF  }
0xad: {  	[dreg:$0x0] =	wrdreg $0x60  }
0xae: {  	[dreg:$0x2] =	wrdreg s2  }
0xaf: {  	[dreg:$0x3] =	wrdreg s24  }
0xb0: {  	[dreg:$0x4] =	wrdreg $0xA  }
0xb1: {  	_ =	task.clear_ibuf [dreg:s7], $0x5FFFF;
	_ =	strace $0x9000004C  }
0xb2: {  	s29 =	simm.s32 $0xA;
	_ =	strace $0x8000004E  }
0xb3: {  	_ =	swait.ge [sflag:s29], $0x1  }
0xb4: {  	[sflag:s29] =	ssyncadd.s32 $0xFFFFFFFF  }
0xb5: {  	_ =	strace $0x9000004E  }
0xb6: {  	_ =	sfence  }
0xb7: {  	s30 =	sld [smem:$0x0];
	_ =	sdelay $0x2  }
0xb8: {  	s31 =	sshll.u32 s1, $0xD;
	s1 =	sshrl.u32 s1, $0x2  }
0xb9: {  	s3 =	sand.u32 $0x4000, s31;
	s1 =	sadd.s32 s1, s30  }
0xba: {  	s0 =	sor.u32 s3, s0;
	s1 =	sshll.u32 s1, $0x11  }
0xbb: {  	s0 =	sor.u32 s1, s0  }
0xbc: {  	s0 =	sadd.s32 $0x8F2B, s0  }
0xbd: {  	[sflag:s0] =	ssyncadd.remote.s32 $0x1  }
0xbe: {  	_ =	sfence.sel $0xFFFF  }
0xbf: {  	[dreg:$0x0] =	wrdreg $0xFFFFFFFF;
	(pc) =	sbr.abs _section_cstart, $3  }
0xc0: {  	[dreg:$0x1] =	wrdreg $0xFFFFFFFF  }
0xc1: {  	_ =	task.clear_ibuf [dreg:s7], $0x2FFFF;
	_ =	strace $0x9FFFFFFF  }
0xc2: {  	(tm) =	ssettm $0x7FFFFFFF  }
0xc3: {  	_ =	shalt  }
tec
execute0_lowered:
.L_overlay_start_1:
0x0: {  	(tag) =	ssettag $0x1  }
0x1: {  	s1 =	srdreg.scid;
	s2 =	rddreg [dreg:$0x0]  }
0x2: {  	s0 =	stileid.u32;
	s5 =	rddreg [dreg:$0x1];
	s6 =	simm.s32 $0x1  }
0x3: {  	s9 =	simm.s32 $0x1;
	s10 =	simm.s32 $0x3;
	s1 =	sshll.u32 s1, $0xE  }
0x4: {  	s13 =	simm.s32 $0x0;
	s3 =	sshll.u32 s0, $0xF;
	s4 =	sand.u32 $0x4000, s1  }
0x5: {  	s12 =	simm.s32 $0x0;
	s1 =	rddreg [dreg:$0x2];
	s3 =	sor.u32 s3, s4  }
0x6: {  	_ =	strace $0x8000004D;
	s4 =	sadd.s32 $0x80200, s5;
	s8 =	ssub.s32 $0x100000, s3  }
.Ltmp0:
0x7: {  	s5 =	sadd.s32 $0xE0200, s5;
	s7 =	sand.u32 $0x7C000, s8;
	(pc) =	sbr.rel .LBB2_1-.Ltmp0, $4  }
0x8: {  	[sflag:s6] =	ssyncpa.u1 $0x0;
	s11 =	smov.u32 s3;
	p0 =	sne.s32 s7, $0x0  }
0x9: {  	s8 =	sshrl.u32 s8, $0x13;
	s7 =	simm.s32 $0x2;
	s9 =	simm.s32 @!p0 $0x0  }
0xa: {  	[sflag:s7] =	ssyncpa.u1 $0x0;
	p0 =	por $0x0, $0x0;
	s8 =	sadd.s32 s9, s8  }
0xb: {  	vm0 =	vmmov $0xffff;
	[sflag:s10] =	ssyncpa.u1 $0x0;
	s10 =	simm.s32 $0x0;
	s9 =	sadd.s32 $0x1, s8  }
.LBB2_4:
0xc: {  	v3 =	vshrl.u32 v0, $0x2;
	v4 =	vshrl.u32 v0, $0xB;
	v1 =	vor.u32 v1, v2  }
0xd: {  	v62 =	vshll.u32 v0, $0x12;
	v60 =	vand.u32 $0x1FF, v3;
	v61 =	vand.u32 $0x1FF, v4  }
0xe: {  	v0 =	vand.u32 $0xC0000, v62;
	v2 =	vsel vm1, $0xFFFFFFFF, v60;
	v3 =	vsel vm1, $0xFFFFFFFF, v61  }
0xf: {  	v0 =	vsel vm1, $0xFFFC0000, v0;
	v63 =	vand.u32 $0x7F, v3;
	v5 =	vshll.u32 v2, $0x9  }
0x10: {  	v3 =	vshll.u32 v3, $0x3;
	v5 =	vand.u32 $0xFFFFF000, v5;
	v0 =	vor.u32 v0, v63  }
0x11: {  	v2 =	vshll.u32 v2, $0x7;
	v3 =	vand.u32 $0xFFFFFC00, v3;
	v0 =	vadd.s32 v5, v0  }
0x12: {  	v2 =	vand.u32 $0x380, v2;
	v0 =	vadd.s32 v3, v0  }
0x13: {  	v0 =	vor.u32 v2, v0;
	_ =	sdelay $0x1  }
0x14: {  	(ifvalue) =	ssetifvalue $0x7FFFFFFF;
	s14 =	sadd.s32 $0x10, s14  }
0x15: {  	[tilespmem:s14], [sflag:$0x1] =	stream.indirect_vreg.gather [hbm4b:s2+s10], $0x1, v1, vm0, $0x4038;
	[tilespmem:$0x10000] =	vst v63  }
0x16: {  	(ifvalue) =	ssetifvalue $0x7FFFFFFF;
	s14 =	sadd.s32 $0x10, s14  }
0x17: {  	[tilespmem:s14], [sflag:$0x1] =	stream.indirect_vreg.gather [hbm4b:s2+s10], $0x1, v0, vm0, $0x4038;
	[tilespmem:$0x10000] =	vst v63  }
0x18: {  	_ =	swait.ge [sflag:s6], $0x4000  }
0x19: {  	s30 =	sshrl.u32 s13, $0x3;
	[sflag:s6] =	ssyncset.done $0x0  }
0x1a: {  	s31 =	sand.u32 $0x7, s13;
	s14 =	sadd.s32 s5, s30;
	[sflag:s6] =	ssyncadd.s32 $0xFFFFC000  }
0x1b: {  	[hbm4b:s14+s31] =	stream.linear.scatter [tilespmem:s15], [sflag:$0x3], $0x4000, $0x38;
	[tilespmem:$0x10000] =	vst v63  }
.LBB2_5:
0x1c: {  	s15 =	sadd.s32 $0x80000, s11  }
0x1d: {  	p2 =	sgt.s32 s15, $0xFFFFF  }
0x1e: {  	s15 =	smov.u32 @p2 s3;
	p2 =	sne.s32 s12, s9  }
.Ltmp1:
0x1f: {  	p1 =	slt.u32 s12, $0x2;
	(pc) =	sbr.rel @!p2 .LBB2_6-.Ltmp1, $4  }
0x20: {  	s14 =	simm.s32 @!p1 $0x3  }
0x21: {  	s16 =	sadd.s32 $0x1, s12;
	_ =	swait.ge @!p1 [sflag:s14], $0x4000  }
0x22: {  	s13 =	smov.u32 s11;
	p0 =	por !p0, !p0;
	[sflag:s14] =	ssyncset.done @!p1 $0x0  }
0x23: {  	s12 =	smov.u32 s16;
	s11 =	smov.u32 s15;
	[sflag:s14] =	ssyncadd.s32 @!p1 $0xFFFFC000  }
.LBB2_1:
0x24: {  	p1 =	sge.u32 s12, s8  }
0x25: {  	s14 =	sxor.u32 @!p1 $0xFFFFFFFF, s12  }
0x26: {  	s31 =	sadd.s32 $0xFFFFFFFF, s12;
	s15 =	sshrl.u32 @!p1 s11, $0x3;
	s14 =	sshll.u32 @!p1 s14, $0xE  }
0x27: {  	s16 =	sand.u32 @!p1 $0x7, s11;
	s15 =	sadd.s32 @!p1 s4, s15;
	s14 =	sand.u32 @!p1 $0x4000, s14  }
0x28: {  	[tilespmem:s14], [sflag:$0x2] =	stream.linear.gather @!p1 [hbm4b:s15+s16], $0x4000, $0x38;
	[tilespmem:$0x10000] =	vst v63  }
0x29: {  	p1 =	sge.u32 s31, s8  }
.Ltmp2:
0x2a: {  	_ = 	snop;
	(pc) =	sbr.rel @p1 .LBB2_5-.Ltmp2, $1  }
0x2b: {  	_ =	sdelay $0x3  }
0x2c: {  	s14 =	simm.s32 $0x1  }
0x2d: {  	_ =	swait.ge [sflag:s7], $0x4000;
	s14 =	simm.s32 @!p0 $0x0  }
0x2e: {  	[sflag:s7] =	ssyncset.done $0x0;
	s14 =	sshll.u32 s14, $0xE  }
0x2f: {  	[sflag:s7] =	ssyncadd.s32 $0xFFFFC000;
	(ifvalue) =	ssetifvalue $0x7FFFFFFF;
	v0 =	vld.msk [tilespmem:s14+$0x0 ss:$0x1], $0xffff;
	_ =	sdelay $0x4  }
0x30: {  	s15 =	sadd.s32 $0x10, s14;
	vm1 =	veq.s32 v0, $0x80000000;
	v1 =	vshrl.u32 v0, $0x2;
	v2 =	vshrl.u32 v0, $0xB  }
0x31: {  	v3 =	vld.msk [tilespmem:s15+$0x0 ss:$0x1], $0xffff;
	v0 =	vshll.u32 v0, $0x12;
	v1 =	vand.u32 $0x1FF, v1;
	v2 =	vand.u32 $0x1FF, v2  }
0x32: {  	v0 =	vand.u32 $0xC0000, v0;
	v1 =	vsel vm1, $0xFFFFFFFF, v1;
	v2 =	vsel vm1, $0xFFFFFFFF, v2  }
0x33: {  	v0 =	vsel vm1, $0xFFFC0000, v0;
	v4 =	vand.u32 $0x7F, v2;
	v5 =	vshll.u32 v1, $0x9  }
0x34: {  	v2 =	vshll.u32 v2, $0x3;
	v5 =	vand.u32 $0xFFFFF000, v5;
	v0 =	vor.u32 v0, v4  }
0x35: {  	v1 =	vshll.u32 v1, $0x7;
	v2 =	vand.u32 $0xFFFFFC00, v2;
	v0 =	vadd.s32 v5, v0  }
0x36: {  	v62 =	vshrl.u32 v3, $0xB;
	v1 =	vand.u32 $0x380, v1;
	v0 =	vadd.s32 v2, v0  }
0x37: {  	s17 =	sadd.s32 $0x10, s15;
	vm1 =	veq.s32 v3, $0x80000000;
	v2 =	vshrl.u32 v3, $0x2;
	v1 =	vor.u32 v1, v0  }
0x38: {  	v4 =	vand.u32 $0x1FF, v62;
	v3 =	vshll.u32 v3, $0x12;
	v0 =	vld.msk [tilespmem:s17+$0x0 ss:$0x1], $0xffff;
	v2 =	vand.u32 $0x1FF, v2  }
0x39: {  	v4 =	vsel vm1, $0xFFFFFFFF, v4;
	v3 =	vand.u32 $0xC0000, v3;
	v2 =	vsel vm1, $0xFFFFFFFF, v2  }
0x3a: {  	s31 =	sshll.u32 s12, $0xE;
	v63 =	vand.u32 $0x7F, v4;
	v3 =	vsel vm1, $0xFFFC0000, v3;
	v6 =	vshll.u32 v2, $0x9  }
0x3b: {  	s14 =	sor.u32 $0x8000, s14;
	s15 =	sand.u32 $0x4000, s31;
	v4 =	vshll.u32 v4, $0x3;
	(ifvalue) =	ssetifvalue $0x7FFFFFFF;
	v3 =	vor.u32 v3, v63;
	v6 =	vand.u32 $0xFFFFF000, v6  }
0x3c: {  	v4 =	vand.u32 $0xFFFFFC00, v4;
	[tilespmem:s14], [sflag:$0x1] =	stream.indirect_vreg.gather [hbm4b:s2+s10], $0x1, v1, vm0, $0x4038;
	v1 =	vshll.u32 v2, $0x7;
	v2 =	vadd.s32 v6, v3;
	[tilespmem:$0x10000] =	vst v63  }
0x3d: {  	s16 =	simm.s32 $0x20;
	s15 =	sor.u32 $0x8000, s15;
	s17 =	sadd.s32 $0x10, s17;
	vm1 =	veq.s32 v0, $0x80000000;
	v1 =	vand.u32 $0x380, v1;
	v2 =	vadd.s32 v4, v2  }
.LBB2_3:
0x3e: {  	v3 =	vld.msk [tilespmem:s17+$0x0 ss:$0x1], $0xffff;
	v4 =	vshrl.u32 v0, $0x2;
	v5 =	vshrl.u32 v0, $0xB;
	v1 =	vor.u32 v1, v2;
	s16 =	sadd.s32 $0x10, s16  }
0x3f: {  	v0 =	vshll.u32 v0, $0x12;
	v2 =	vand.u32 $0x1FF, v4;
	v4 =	vand.u32 $0x1FF, v5;
	p1 =	slt.u32 s16, $0x3FF0  }
.Ltmp3:
0x40: {  	v0 =	vand.u32 $0xC0000, v0;
	v2 =	vsel vm1, $0xFFFFFFFF, v2;
	v4 =	vsel vm1, $0xFFFFFFFF, v4;
	(pc) =	sbr.rel @p1 .LBB2_3-.Ltmp3, $4  }
0x41: {  	v0 =	vsel vm1, $0xFFFC0000, v0;
	v5 =	vand.u32 $0x7F, v4;
	v6 =	vshll.u32 v2, $0x9  }
0x42: {  	s14 =	sadd.s32 $0x10, s14;
	v4 =	vshll.u32 v4, $0x3;
	v6 =	vand.u32 $0xFFFFF000, v6;
	v7 =	vor.u32 v0, v5;
	(ifvalue) =	ssetifvalue $0x7FFFFFFF  }
0x43: {  	v2 =	vshll.u32 v2, $0x7;
	v4 =	vand.u32 $0xFFFFFC00, v4;
	v5 =	vadd.s32 v6, v7;
	[tilespmem:s14], [sflag:$0x1] =	stream.indirect_vreg.gather [hbm4b:s2+s10], $0x1, v1, vm0, $0x4038;
	[tilespmem:$0x10000] =	vst v63  }
0x44: {  	s17 =	sadd.s32 $0x10, s17;
	vm1 =	veq.s32 v3, $0x80000000;
	v1 =	vand.u32 $0x380, v2;
	v0 =	vmovc v3;
	v2 =	vadd.s32 v4, v5  }
.Ltmp4:
0x45: {  	_ = 	snop;
	(pc) =	sbr.rel .LBB2_4-.Ltmp4, $1  }
0x46: {  	_ =	sdelay $0x3  }
.LBB2_6:
0x47: {  	_ =	sfence.sel $0x180000  }
0x48: {  	s2 =	simm.s32 $0x2;
	[bflag:$0x0] =	sbarrier.arrive $0xFFFF  }
0x49: {  	s30 =	simm.s32 $0x3;
	[sflag:s2] =	ssyncpa.u1 $0x1  }
0x4a: {  	s31 =	simm.s32 $0x1;
	[sflag:s30] =	ssyncpa.u1 $0x1  }
0x4b: {  	[sflag:s31] =	ssyncpa.u1 $0x1  }
0x4c: {  	p0 =	sne.s32 s0, $0x0;
	_ =	strace $0x9000004D  }
0x4d: {  	s0 =	sadd.s32 @!p0 $0x100000, s1;
	[bflag:$0x2] =	sbarrier.arrive $0xFFFF  }
0x4e: {  	[sflag:s0] =	ssyncadd.tile.s32 @!p0 $0x1;
	_ =	shalt  }
.Lfunc_end2:
_tile_overlayer_lowered:
.L_overlay_start_2:
0x4f: {  	(tag) =	ssettag $0x2  }
0x50: {  	s0 =	rddreg [dreg:$0x0];
	s2 =	stileid.u32  }
0x51: {  	s1 =	rddreg [dreg:$0x1];
	p0 =	sne.s32 s2, $0x0  }
0x52: {  	s3 =	rddreg [dreg:$0x2];
	[bflag:$0x3] =	sbarrier.arrive $0xFFFF;
	s2 =	simm.s32 @!p0 $0x1C01  }
0x53: {  	[timem:s3], [sflag:s2] =	dma.local @!p0 [hbm:s0], s1  }
0x54: {  	s0 =	simm.s32 @!p0 $0x1  }
0x55: {  	_ =	swait.ge @!p0 [sflag:s0], s1  }
0x56: {  	s1 =	ssub.s32 @!p0 $0x0, s1;
	[sflag:s0] =	ssyncset.done @!p0 $0x0  }
0x57: {  	[sflag:s0] =	ssyncadd.s32 @!p0 s1  }
0x58: {  	[bflag:$0x3] =	sbarrier.arrive $0xFFFF  }
0x59: {  	_ =	shalt  }

// kernel: gather_offload_async_start.4
scs
__scs_entry_jumppad:
0x0: {  	(pc) =	sbr.rel $0x88, $3  }
0x1: {  	(tag) =	ssettag $0x0;
	lr =	simm.s32 $0x1  }
0x2: {  	[smem:$0x3F9E] =	sst lr;
	_ =	strace $0xD0000000  }
0x3: {  	_ = 	snop  }
0x4: {  	_ = 	snop  }
0x5: {  	_ = 	snop  }
0x6: {  	_ = 	snop  }
0x7: {  	_ = 	snop  }
__scs_overlays_trampoline_lowered:
0x8: {  	[smem:$0x3FAD] =	sst s0  }
0x9: {  	[smem:$0x3FAE] =	sst s1  }
0xa: {  	[smem:$0x3FAF] =	sst s2  }
0xb: {  	[smem:$0x3FB0] =	sst s3  }
0xc: {  	[smem:$0x3FB1] =	sst s4  }
0xd: {  	[smem:$0x3FB2] =	sst s5  }
0xe: {  	[smem:$0x3FB3] =	sst s6  }
0xf: {  	[smem:$0x3FB4] =	sst s7  }
0x10: {  	[smem:$0x3FB5] =	sst s8  }
0x11: {  	[smem:$0x3FB6] =	sst s9;
	s0 =	simm.s32 @!p0 $0x0  }
0x12: {  	s1 =	sld [smem:$0x3F9C];
	s0 =	simm.s32 @p0 $0x1  }
0x13: {  	[smem:$0x3FB7] =	sst s0;
	s0 =	simm.s32 @!p1 $0x0  }
0x14: {  	s2 =	sld [smem:$0x3F9B];
	s0 =	simm.s32 @p1 $0x1  }
0x15: {  	[smem:$0x3FB8] =	sst s0;
	s0 =	simm.s32 @!p2 $0x0  }
0x16: {  	s3 =	sld [smem:$0x3FDB];
	s0 =	simm.s32 @p2 $0x1  }
0x17: {  	s4 =	simm.s32 $0x1BF5;
	[smem:$0x3FBA] =	sst s0  }
0x18: {  	s0 =	sld [smem:$0x3F9D];
	_ =	swait.ge [sflag:s4], $0x0  }
0x19: {  	s7 =	sld [smem:$0x3F9E]  }
0x1a: {  	s8 =	sadd.s32 $0xFFFFE003, lr  }
0x1b: {  	s9 =	sadd.s32 $0xFFFFFEF7, lr;
	s5 =	simm.s32 $0xFFFFFFFF;
	p2 =	slt.u32 s8, $0xFFFFF086  }
0x1c: {  	p1 =	slt.u32 s9, $0xF7A;
	s5 =	simm.s32 @!p2 $0x0  }
0x1d: {  	s5 =	simm.s32 @p1 $0x1;
	p0 =	seq.s32 s7, s2  }
0x1e: {  	s7 =	smul.u32 @!p0 $0xF7A, s2;
	p2 =	seq.s32 @!p0 s5, $0x0  }
0x1f: {  	s9 =	smul.u32 $0xF7A, s1;
	s8 =	simm.s32 @!p0 $0x1BF5;
	p2 =	por !p2, p0  }
0x20: {  	[sflag:s8] =	ssyncset.s32 @!p0 $0xFFFFF086;
	s6 =	sadd.s32 @!p0 s3, s7;
	s7 =	simm.s32 @!p0 $0x108  }
0x21: {  	s3 =	sadd.s32 s3, s9;
	s6 =	sadd.s32 @!p0 $0x88, s6;
	s7 =	simm.s32 @p2 $0x1082  }
0x22: {  	[simem:s7], [sflag:s8] =	dma.local @!p0 [hbm:s6], $0xF7A  }
0x23: {  	s9 =	sor.u32 $0xD0000000, s2;
	s6 =	simm.s32 $0x108;
	_ =	swait.ge @!p0 [sflag:s8], $0x0  }
0x24: {  	s3 =	sadd.s32 $0x88, s3;
	s6 =	simm.s32 @!p1 $0x1082;
	[sflag:s4] =	ssyncset.s32 $0xFFFFF086  }
0x25: {  	[simem:s6], [sflag:s4] =	dma.local [hbm:s3], $0xF7A  }
0x26: {  	[smem:$0x3F9E] =	sst s1;
	(tag) =	ssettag s2;
	_ =	strace s9  }
0x27: {  	s1 =	sld [smem:$0x3FAE]  }
0x28: {  	s2 =	sld [smem:$0x3FAF]  }
0x29: {  	s4 =	sld [smem:$0x3FB1]  }
0x2a: {  	p0 =	seq.s32 s5, $0x0;
	s5 =	sld [smem:$0x3FB2]  }
0x2b: {  	s6 =	sld [smem:$0x3FB3]  }
0x2c: {  	s7 =	sld [smem:$0x3FB4]  }
0x2d: {  	s3 =	simm.s32 $0x108;
	s8 =	sld [smem:$0x3FB5]  }
0x2e: {  	s3 =	simm.s32 @!p0 $0x1082;
	s9 =	sld [smem:$0x3FB6]  }
0x2f: {  	lr =	sadd.s32 s0, s3;
	s0 =	sld [smem:$0x3FAD]  }
0x30: {  	s3 =	sld [smem:$0x3FB0]  }
0x31: {  	[smem:$0x3FB9] =	sst s10  }
0x32: {  	s10 =	sld [smem:$0x3FB7];
	_ =	sdelay $0x3  }
0x33: {  	p0 =	seq.s32 s10, $0x1;
	s10 =	sld [smem:$0x3FB9];
	_ =	sdelay $0x3  }
0x34: {  	[smem:$0x3FB9] =	sst s10  }
0x35: {  	s10 =	sld [smem:$0x3FB8];
	_ =	sdelay $0x3  }
0x36: {  	p1 =	seq.s32 s10, $0x1;
	s10 =	sld [smem:$0x3FB9];
	_ =	sdelay $0x3  }
0x37: {  	[smem:$0x3FB9] =	sst s10  }
0x38: {  	s10 =	sld [smem:$0x3FBA]  }
0x39: {  	_ = 	snop;
	(pc) =	sbr.ind lr, $3  }
0x3a: {  	_ = 	snop  }
0x3b: {  	_ = 	snop  }
0x3c: {  	p2 =	seq.s32 s10, $0x1;
	s10 =	sld [smem:$0x3FB9]  }
0x3d: {  	_ =	shalt  }
0x3e: {  	_ =	shalt  }
0x3f: {  	_ =	shalt  }
0x40: {  	_ =	shalt  }
0x41: {  	_ =	shalt  }
0x42: {  	_ =	shalt  }
0x43: {  	_ =	shalt  }
0x44: {  	_ =	shalt  }
0x45: {  	_ =	shalt  }
0x46: {  	_ =	shalt  }
0x47: {  	_ =	shalt  }
0x48: {  	_ =	shalt  }
0x49: {  	_ =	shalt  }
0x4a: {  	_ =	shalt  }
0x4b: {  	_ =	shalt  }
0x4c: {  	_ =	shalt  }
0x4d: {  	_ =	shalt  }
0x4e: {  	_ =	shalt  }
0x4f: {  	_ =	shalt  }
0x50: {  	_ =	shalt  }
0x51: {  	_ =	shalt  }
0x52: {  	_ =	shalt  }
0x53: {  	_ =	shalt  }
0x54: {  	_ =	shalt  }
0x55: {  	_ =	shalt  }
0x56: {  	_ =	shalt  }
0x57: {  	_ =	shalt  }
0x58: {  	_ =	shalt  }
0x59: {  	_ =	shalt  }
0x5a: {  	_ =	shalt  }
0x5b: {  	_ =	shalt  }
0x5c: {  	_ =	shalt  }
0x5d: {  	_ =	shalt  }
0x5e: {  	_ =	shalt  }
0x5f: {  	_ =	shalt  }
0x60: {  	_ =	shalt  }
0x61: {  	_ =	shalt  }
0x62: {  	_ =	shalt  }
0x63: {  	_ =	shalt  }
0x64: {  	_ =	shalt  }
0x65: {  	_ =	shalt  }
0x66: {  	_ =	shalt  }
0x67: {  	_ =	shalt  }
0x68: {  	_ =	shalt  }
0x69: {  	_ =	shalt  }
0x6a: {  	_ =	shalt  }
0x6b: {  	_ =	shalt  }
0x6c: {  	_ =	shalt  }
0x6d: {  	_ =	shalt  }
0x6e: {  	_ =	shalt  }
0x6f: {  	_ =	shalt  }
0x70: {  	_ =	shalt  }
0x71: {  	_ =	shalt  }
0x72: {  	_ =	shalt  }
0x73: {  	_ =	shalt  }
0x74: {  	_ =	shalt  }
0x75: {  	_ =	shalt  }
0x76: {  	_ =	shalt  }
0x77: {  	_ =	shalt  }
0x78: {  	_ =	shalt  }
0x79: {  	_ =	shalt  }
0x7a: {  	_ =	shalt  }
0x7b: {  	_ =	shalt  }
0x7c: {  	_ =	shalt  }
0x7d: {  	_ =	shalt  }
0x7e: {  	_ =	shalt  }
0x7f: {  	_ =	shalt  }
0x80: {  	_ =	shalt  }
0x81: {  	_ =	shalt  }
0x82: {  	_ =	shalt  }
0x83: {  	_ =	shalt  }
0x84: {  	_ =	shalt  }
0x85: {  	_ =	shalt  }
0x86: {  	_ =	shalt  }
0x87: {  	_ =	shalt  }
.Lfunc_end0:
.L_simem_size_0:
called_computation.4_lowered:
.L_overlay_start_0:
0x88: {  	s2 =	sld [smem:$0x3FD9]  }
0x89: {  	s3 =	sld [smem:$0x3FFE];
	_ =	sdelay $0x1  }
0x8a: {  	s1 =	srdreg.scid  }
0x8b: {  	s0 =	sand.u32 $0x1, s1  }
0x8c: {  	s17 =	sshll.u32 s0, $0xA;
	s2 =	sadd.s32 s3, s2  }
0x8d: {  	s2 =	sadd.s32 s2, s17  }
0x8e: {  	[smem:$0x3FC5] =	sst s2  }
0x8f: {  	_ = 	snop  }
0x90: {  	(tm) =	ssettm $0x1  }
0x91: {  	s18 =	sld [smem:$0x3FFB];
	_ =	sdelay $0x3  }
0x92: {  	_ =	strace s18  }
0x93: {  	s2 =	sld [smem:$0x3FFC];
	_ =	sdelay $0x3  }
0x94: {  	_ =	strace s2  }
0x95: {  	s2 =	sld [smem:$0x3FFD];
	_ =	sdelay $0x3  }
0x96: {  	_ =	strace s2  }
0x97: {  	_ =	strace $0x8FFFFFFF  }
0x98: {  	s19 =	sld [smem:$0x3FDB];
	_ =	sdelay $0x1  }
0x99: {  	s20 =	simm.s32 $_scs_section_size  }
0x9a: {  	s4 =	simm.s32 $_size__tile_overlayer_lowered;
	s5 =	simm.s32 $_tile_overlayer_lowered  }
0x9b: {  	s6 =	simm.s32 $0x1BFF;
	s21 =	sshll.u32 s5, $0x1;
	s3 =	sadd.s32 s20, s19  }
0x9c: {  	s22 =	simm.s32 $0x0;
	s4 =	sshll.u32 s4, $0x1;
	s5 =	sadd.s32 s21, s3  }
0x9d: {  	[timem:s22], [sflag:s6] =	dma.local [hbm:s5], s4  }
0x9e: {  	_ =	swait.ge [sflag:s6], s4  }
0x9f: {  	s4 =	ssub.s32 $0x0, s4;
	[sflag:s6] =	ssyncset.done $0x0  }
0xa0: {  	[sflag:s6] =	ssyncadd.s32 s4;
	_ =	sdelay $0x1  }
0xa1: {  	s23 =	simm.s32 $0x1B8B  }
0xa2: {  	_ =	swait.ge [sflag:s23], $0x1  }
0xa3: {  	[sflag:s23] =	ssyncset.done $0x0  }
0xa4: {  	[sflag:s23] =	ssyncadd.s32 $0xFFFFFFFF  }
0xa5: {  	s4 =	sld [smem:$0x0]  }
0xa6: {  	s5 =	sand.u32 $0xFFFFFFFE, s1  }
0xa7: {  	p0 =	sne.s32 s1, s5  }
0xa8: {  	s5 =	sshll.u32 @p0 s5, $0xE  }
0xa9: {  	s5 =	sadd.s32 @p0 $0x11B8D, s5;
	s6 =	sshll.u32 @p0 s4, $0x11  }
0xaa: {  	s5 =	sor.u32 @p0 s6, s5  }
0xab: {  	[sflag:s5] =	ssyncadd.remote.s32 @p0 $0x1;
	_ =	sdelay $0x1  }
0xac: {  	s5 =	simm.s32 @p0 $0x1B8D  }
0xad: {  	_ =	swait.eq @p0 [sflag:s5], $0x1  }
0xae: {  	[sflag:s5] =	ssyncadd.s32 @p0 $0xFFFFFFFF  }
0xaf: {  	s6 =	sshll.u32 @!p0 s1, $0xE  }
0xb0: {  	s6 =	sor.u32 @!p0 $0x4000, s6;
	s5 =	simm.s32 @!p0 $0x1B8D  }
0xb1: {  	s4 =	sshll.u32 @!p0 s4, $0x11;
	s6 =	sadd.s32 @!p0 $0x11B8D, s6;
	_ =	swait.eq @!p0 [sflag:s5], $0x1  }
0xb2: {  	s4 =	sor.u32 @!p0 s4, s6;
	[sflag:s5] =	ssyncadd.s32 @!p0 $0xFFFFFFFF  }
0xb3: {  	s25 =	simm.s32 $0x1B8E;
	s24 =	sld [smem:$0x3FFE];
	[sflag:s4] =	ssyncadd.remote.s32 @!p0 $0x1  }
0xb4: {  	s26 =	simm.s32 $execute0_lowered;
	[smem:$0x3FD2] =	sst s25  }
0xb5: {  	s5 =	sshll.u32 s26, $0x1;
	_ =	strace $0x8000005B;
	[dreg:$0x1] =	wrdreg $0xFFFFFFFF  }
0xb6: {  	s28 =	simm.s32 $_size_execute0_lowered;
	s3 =	sadd.s32 s3, s5;
	[dreg:$0x0] =	wrdreg $0x0  }
0xb7: {  	s5 =	sshll.u32 s28, $0x1;
	[dreg:$0x2] =	wrdreg s3  }
0xb8: {  	[dreg:$0x3] =	wrdreg s5  }
0xb9: {  	[dreg:$0x4] =	wrdreg $0xC0  }
0xba: {  	_ =	task [dreg:s22], $0x5FFFF  }
0xbb: {  	[dreg:$0x1] =	wrdreg $0xFFFFFFFF  }
0xbc: {  	[dreg:$0x0] =	wrdreg $0x60  }
0xbd: {  	[dreg:$0x2] =	wrdreg s24  }
0xbe: {  	[dreg:$0x3] =	wrdreg $0x9  }
0xbf: {  	_ =	task.clear_ibuf [dreg:s22], $0x4FFFF;
	_ =	strace $0x9000005B  }
0xc0: {  	s29 =	simm.s32 $0x9;
	_ =	strace $0x8000005D  }
0xc1: {  	_ =	swait.ge [sflag:s29], $0x1  }
0xc2: {  	[sflag:s29] =	ssyncadd.s32 $0xFFFFFFFF  }
0xc3: {  	_ =	strace $0x9000005D  }
0xc4: {  	_ =	sfence  }
0xc5: {  	s30 =	sld [smem:$0x0];
	_ =	sdelay $0x2  }
0xc6: {  	s31 =	sshll.u32 s1, $0xD;
	s1 =	sshrl.u32 s1, $0x2  }
0xc7: {  	s4 =	sand.u32 $0x4000, s31;
	s1 =	sadd.s32 s1, s30  }
0xc8: {  	s0 =	sor.u32 s4, s0;
	s1 =	sshll.u32 s1, $0x11  }
0xc9: {  	s0 =	sor.u32 s1, s0  }
0xca: {  	s0 =	sadd.s32 $0x8F2B, s0  }
0xcb: {  	[sflag:s0] =	ssyncadd.remote.s32 $0x1  }
0xcc: {  	_ =	sfence.sel $0xFFFF  }
0xcd: {  	[dreg:$0x0] =	wrdreg $0xFFFFFFFF;
	(pc) =	sbr.abs _section_cstart, $3  }
0xce: {  	[dreg:$0x1] =	wrdreg $0xFFFFFFFF  }
0xcf: {  	_ =	task.clear_ibuf [dreg:s22], $0x2FFFF;
	_ =	strace $0x9FFFFFFF  }
0xd0: {  	(tm) =	ssettm $0x7FFFFFFF  }
0xd1: {  	_ =	shalt  }
tec
execute0_lowered:
.L_overlay_start_1:
0x0: {  	(tag) =	ssettag $0x1  }
0x1: {  	s0 =	srdreg.scid;
	s5 =	rddreg [dreg:$0x0]  }
0x2: {  	s1 =	stileid.u32;
	s6 =	simm.s32 $0x1;
	s9 =	simm.s32 $0x1  }
0x3: {  	s10 =	simm.s32 $0x3;
	s13 =	simm.s32 $0x0;
	s2 =	sshll.u32 s0, $0xE  }
0x4: {  	s12 =	simm.s32 $0x0;
	s3 =	sshll.u32 s1, $0xF;
	s2 =	sand.u32 $0x4000, s2  }
0x5: {  	s0 =	rddreg [dreg:$0x1];
	_ =	strace $0x8000005C;
	s2 =	sor.u32 s3, s2  }
0x6: {  	s4 =	sadd.s32 $0xA0200, s5;
	[sflag:s6] =	ssyncpa.u1 $0x0;
	s8 =	ssub.s32 $0x100000, s2  }
.Ltmp0:
0x7: {  	s3 =	sadd.s32 $0x100600, s5;
	s7 =	sand.u32 $0x7C000, s8;
	(pc) =	sbr.rel .LBB2_1-.Ltmp0, $4  }
0x8: {  	s5 =	sadd.s32 $0x140600, s5;
	s11 =	smov.u32 s2;
	p0 =	sne.s32 s7, $0x0  }
0x9: {  	s8 =	sshrl.u32 s8, $0x13;
	s7 =	simm.s32 $0x2;
	s9 =	simm.s32 @!p0 $0x0  }
0xa: {  	[sflag:s7] =	ssyncpa.u1 $0x0;
	p0 =	por $0x0, $0x0;
	s8 =	sadd.s32 s9, s8  }
0xb: {  	vm0 =	vmmov $0xffff;
	[sflag:s10] =	ssyncpa.u1 $0x0;
	s10 =	simm.s32 $0x0;
	s9 =	sadd.s32 $0x1, s8  }
.LBB2_4:
0xc: {  	v3 =	vshrl.u32 v0, $0x2;
	v4 =	vshrl.u32 v0, $0xB;
	v1 =	vor.u32 v1, v2  }
0xd: {  	v62 =	vshll.u32 v0, $0x12;
	v60 =	vand.u32 $0x1FF, v3;
	v61 =	vand.u32 $0x1FF, v4  }
0xe: {  	v0 =	vand.u32 $0xC0000, v62;
	v2 =	vsel vm1, $0xFFFFFFFF, v60;
	v3 =	vsel vm1, $0xFFFFFFFF, v61  }
0xf: {  	v0 =	vsel vm1, $0xFFFC0000, v0;
	v63 =	vand.u32 $0x7F, v3;
	v5 =	vshll.u32 v2, $0x9  }
0x10: {  	v3 =	vshll.u32 v3, $0x3;
	v5 =	vand.u32 $0xFFFFF000, v5;
	v0 =	vor.u32 v0, v63  }
0x11: {  	v2 =	vshll.u32 v2, $0x7;
	v3 =	vand.u32 $0xFFFFFC00, v3;
	v0 =	vadd.s32 v5, v0  }
0x12: {  	v2 =	vand.u32 $0x380, v2;
	v0 =	vadd.s32 v3, v0  }
0x13: {  	v0 =	vor.u32 v2, v0;
	_ =	sdelay $0x1  }
0x14: {  	(ifvalue) =	ssetifvalue $0x7FFFFFFF;
	s14 =	sadd.s32 $0x10, s14  }
0x15: {  	[tilespmem:s14], [sflag:$0x1] =	stream.indirect_vreg.gather [hbm4b:s3+s10], $0x1, v1, vm0, $0x4038;
	[tilespmem:$0x10000] =	vst v63  }
0x16: {  	(ifvalue) =	ssetifvalue $0x7FFFFFFF;
	s14 =	sadd.s32 $0x10, s14  }
0x17: {  	[tilespmem:s14], [sflag:$0x1] =	stream.indirect_vreg.gather [hbm4b:s3+s10], $0x1, v0, vm0, $0x4038;
	[tilespmem:$0x10000] =	vst v63  }
0x18: {  	_ =	swait.ge [sflag:s6], $0x4000  }
0x19: {  	s30 =	sshrl.u32 s13, $0x3;
	[sflag:s6] =	ssyncset.done $0x0  }
0x1a: {  	s31 =	sand.u32 $0x7, s13;
	s14 =	sadd.s32 s5, s30;
	[sflag:s6] =	ssyncadd.s32 $0xFFFFC000  }
0x1b: {  	[hbm4b:s14+s31] =	stream.linear.scatter [tilespmem:s15], [sflag:$0x3], $0x4000, $0x38;
	[tilespmem:$0x10000] =	vst v63  }
.LBB2_5:
0x1c: {  	s15 =	sadd.s32 $0x80000, s11  }
0x1d: {  	p2 =	sgt.s32 s15, $0xFFFFF  }
0x1e: {  	s15 =	smov.u32 @p2 s2;
	p2 =	sne.s32 s12, s9  }
.Ltmp1:
0x1f: {  	p1 =	slt.u32 s12, $0x2;
	(pc) =	sbr.rel @!p2 .LBB2_6-.Ltmp1, $4  }
0x20: {  	s14 =	simm.s32 @!p1 $0x3  }
0x21: {  	s16 =	sadd.s32 $0x1, s12;
	_ =	swait.ge @!p1 [sflag:s14], $0x4000  }
0x22: {  	s13 =	smov.u32 s11;
	p0 =	por !p0, !p0;
	[sflag:s14] =	ssyncset.done @!p1 $0x0  }
0x23: {  	s12 =	smov.u32 s16;
	s11 =	smov.u32 s15;
	[sflag:s14] =	ssyncadd.s32 @!p1 $0xFFFFC000  }
.LBB2_1:
0x24: {  	p1 =	sge.u32 s12, s8  }
0x25: {  	s14 =	sxor.u32 @!p1 $0xFFFFFFFF, s12  }
0x26: {  	s31 =	sadd.s32 $0xFFFFFFFF, s12;
	s15 =	sshrl.u32 @!p1 s11, $0x3;
	s14 =	sshll.u32 @!p1 s14, $0xE  }
0x27: {  	s16 =	sand.u32 @!p1 $0x7, s11;
	s15 =	sadd.s32 @!p1 s4, s15;
	s14 =	sand.u32 @!p1 $0x4000, s14  }
0x28: {  	[tilespmem:s14], [sflag:$0x2] =	stream.linear.gather @!p1 [hbm4b:s15+s16], $0x4000, $0x38;
	[tilespmem:$0x10000] =	vst v63  }
0x29: {  	p1 =	sge.u32 s31, s8  }
.Ltmp2:
0x2a: {  	_ = 	snop;
	(pc) =	sbr.rel @p1 .LBB2_5-.Ltmp2, $1  }
0x2b: {  	_ =	sdelay $0x3  }
0x2c: {  	s14 =	simm.s32 $0x1  }
0x2d: {  	_ =	swait.ge [sflag:s7], $0x4000;
	s14 =	simm.s32 @!p0 $0x0  }
0x2e: {  	[sflag:s7] =	ssyncset.done $0x0;
	s14 =	sshll.u32 s14, $0xE  }
0x2f: {  	[sflag:s7] =	ssyncadd.s32 $0xFFFFC000;
	(ifvalue) =	ssetifvalue $0x7FFFFFFF;
	v0 =	vld.msk [tilespmem:s14+$0x0 ss:$0x1], $0xffff;
	_ =	sdelay $0x4  }
0x30: {  	s15 =	sadd.s32 $0x10, s14;
	vm1 =	veq.s32 v0, $0x80000000;
	v1 =	vshrl.u32 v0, $0x2;
	v2 =	vshrl.u32 v0, $0xB  }
0x31: {  	v3 =	vld.msk [tilespmem:s15+$0x0 ss:$0x1], $0xffff;
	v0 =	vshll.u32 v0, $0x12;
	v1 =	vand.u32 $0x1FF, v1;
	v2 =	vand.u32 $0x1FF, v2  }
0x32: {  	v0 =	vand.u32 $0xC0000, v0;
	v1 =	vsel vm1, $0xFFFFFFFF, v1;
	v2 =	vsel vm1, $0xFFFFFFFF, v2  }
0x33: {  	v0 =	vsel vm1, $0xFFFC0000, v0;
	v4 =	vand.u32 $0x7F, v2;
	v5 =	vshll.u32 v1, $0x9  }
0x34: {  	v2 =	vshll.u32 v2, $0x3;
	v5 =	vand.u32 $0xFFFFF000, v5;
	v0 =	vor.u32 v0, v4  }
0x35: {  	v1 =	vshll.u32 v1, $0x7;
	v2 =	vand.u32 $0xFFFFFC00, v2;
	v0 =	vadd.s32 v5, v0  }
0x36: {  	v62 =	vshrl.u32 v3, $0xB;
	v1 =	vand.u32 $0x380, v1;
	v0 =	vadd.s32 v2, v0  }
0x37: {  	s17 =	sadd.s32 $0x10, s15;
	vm1 =	veq.s32 v3, $0x80000000;
	v2 =	vshrl.u32 v3, $0x2;
	v1 =	vor.u32 v1, v0  }
0x38: {  	v4 =	vand.u32 $0x1FF, v62;
	v3 =	vshll.u32 v3, $0x12;
	v0 =	vld.msk [tilespmem:s17+$0x0 ss:$0x1], $0xffff;
	v2 =	vand.u32 $0x1FF, v2  }
0x39: {  	v4 =	vsel vm1, $0xFFFFFFFF, v4;
	v3 =	vand.u32 $0xC0000, v3;
	v2 =	vsel vm1, $0xFFFFFFFF, v2  }
0x3a: {  	s31 =	sshll.u32 s12, $0xE;
	v63 =	vand.u32 $0x7F, v4;
	v3 =	vsel vm1, $0xFFFC0000, v3;
	v6 =	vshll.u32 v2, $0x9  }
0x3b: {  	s14 =	sor.u32 $0x8000, s14;
	s15 =	sand.u32 $0x4000, s31;
	v4 =	vshll.u32 v4, $0x3;
	(ifvalue) =	ssetifvalue $0x7FFFFFFF;
	v3 =	vor.u32 v3, v63;
	v6 =	vand.u32 $0xFFFFF000, v6  }
0x3c: {  	v4 =	vand.u32 $0xFFFFFC00, v4;
	[tilespmem:s14], [sflag:$0x1] =	stream.indirect_vreg.gather [hbm4b:s3+s10], $0x1, v1, vm0, $0x4038;
	v1 =	vshll.u32 v2, $0x7;
	v2 =	vadd.s32 v6, v3;
	[tilespmem:$0x10000] =	vst v63  }
0x3d: {  	s16 =	simm.s32 $0x20;
	s15 =	sor.u32 $0x8000, s15;
	s17 =	sadd.s32 $0x10, s17;
	vm1 =	veq.s32 v0, $0x80000000;
	v1 =	vand.u32 $0x380, v1;
	v2 =	vadd.s32 v4, v2  }
.LBB2_3:
0x3e: {  	v3 =	vld.msk [tilespmem:s17+$0x0 ss:$0x1], $0xffff;
	v4 =	vshrl.u32 v0, $0x2;
	v5 =	vshrl.u32 v0, $0xB;
	v1 =	vor.u32 v1, v2;
	s16 =	sadd.s32 $0x10, s16  }
0x3f: {  	v0 =	vshll.u32 v0, $0x12;
	v2 =	vand.u32 $0x1FF, v4;
	v4 =	vand.u32 $0x1FF, v5;
	p1 =	slt.u32 s16, $0x3FF0  }
.Ltmp3:
0x40: {  	v0 =	vand.u32 $0xC0000, v0;
	v2 =	vsel vm1, $0xFFFFFFFF, v2;
	v4 =	vsel vm1, $0xFFFFFFFF, v4;
	(pc) =	sbr.rel @p1 .LBB2_3-.Ltmp3, $4  }
0x41: {  	v0 =	vsel vm1, $0xFFFC0000, v0;
	v5 =	vand.u32 $0x7F, v4;
	v6 =	vshll.u32 v2, $0x9  }
0x42: {  	s14 =	sadd.s32 $0x10, s14;
	v4 =	vshll.u32 v4, $0x3;
	v6 =	vand.u32 $0xFFFFF000, v6;
	v7 =	vor.u32 v0, v5;
	(ifvalue) =	ssetifvalue $0x7FFFFFFF  }
0x43: {  	v2 =	vshll.u32 v2, $0x7;
	v4 =	vand.u32 $0xFFFFFC00, v4;
	v5 =	vadd.s32 v6, v7;
	[tilespmem:s14], [sflag:$0x1] =	stream.indirect_vreg.gather [hbm4b:s3+s10], $0x1, v1, vm0, $0x4038;
	[tilespmem:$0x10000] =	vst v63  }
0x44: {  	s17 =	sadd.s32 $0x10, s17;
	vm1 =	veq.s32 v3, $0x80000000;
	v1 =	vand.u32 $0x380, v2;
	v0 =	vmovc v3;
	v2 =	vadd.s32 v4, v5  }
.Ltmp4:
0x45: {  	_ = 	snop;
	(pc) =	sbr.rel .LBB2_4-.Ltmp4, $1  }
0x46: {  	_ =	sdelay $0x3  }
.LBB2_6:
0x47: {  	_ =	sfence.sel $0x180000  }
0x48: {  	s2 =	simm.s32 $0x2;
	[bflag:$0x0] =	sbarrier.arrive $0xFFFF  }
0x49: {  	s30 =	simm.s32 $0x3;
	[sflag:s2] =	ssyncpa.u1 $0x1  }
0x4a: {  	s31 =	simm.s32 $0x1;
	[sflag:s30] =	ssyncpa.u1 $0x1  }
0x4b: {  	[sflag:s31] =	ssyncpa.u1 $0x1  }
0x4c: {  	p0 =	sne.s32 s1, $0x0;
	_ =	strace $0x9000005C  }
0x4d: {  	s0 =	sadd.s32 @!p0 $0x100000, s0;
	[bflag:$0x2] =	sbarrier.arrive $0xFFFF  }
0x4e: {  	[sflag:s0] =	ssyncadd.tile.s32 @!p0 $0x1;
	_ =	shalt  }
.Lfunc_end2:
_tile_overlayer_lowered:
.L_overlay_start_2:
0x4f: {  	(tag) =	ssettag $0x2  }
0x50: {  	s0 =	rddreg [dreg:$0x0];
	s2 =	stileid.u32  }
0x51: {  	s1 =	rddreg [dreg:$0x1];
	p0 =	sne.s32 s2, $0x0  }
0x52: {  	s3 =	rddreg [dreg:$0x2];
	[bflag:$0x3] =	sbarrier.arrive $0xFFFF;
	s2 =	simm.s32 @!p0 $0x1C01  }
0x53: {  	[timem:s3], [sflag:s2] =	dma.local @!p0 [hbm:s0], s1  }
0x54: {  	s0 =	simm.s32 @!p0 $0x1  }
0x55: {  	_ =	swait.ge @!p0 [sflag:s0], s1  }
0x56: {  	s1 =	ssub.s32 @!p0 $0x0, s1;
	[sflag:s0] =	ssyncset.done @!p0 $0x0  }
0x57: {  	[sflag:s0] =	ssyncadd.s32 @!p0 s1  }
0x58: {  	[bflag:$0x3] =	sbarrier.arrive $0xFFFF  }
0x59: {  	_ =	shalt  }

// kernel: gather_offload_async_start.5
scs
__scs_entry_jumppad:
0x0: {  	(pc) =	sbr.rel $0x88, $3  }
0x1: {  	(tag) =	ssettag $0x0;
	lr =	simm.s32 $0x1  }
0x2: {  	[smem:$0x3F9E] =	sst lr;
	_ =	strace $0xD0000000  }
0x3: {  	_ = 	snop  }
0x4: {  	_ = 	snop  }
0x5: {  	_ = 	snop  }
0x6: {  	_ = 	snop  }
0x7: {  	_ = 	snop  }
__scs_overlays_trampoline_lowered:
0x8: {  	[smem:$0x3FAD] =	sst s0  }
0x9: {  	[smem:$0x3FAE] =	sst s1  }
0xa: {  	[smem:$0x3FAF] =	sst s2  }
0xb: {  	[smem:$0x3FB0] =	sst s3  }
0xc: {  	[smem:$0x3FB1] =	sst s4  }
0xd: {  	[smem:$0x3FB2] =	sst s5  }
0xe: {  	[smem:$0x3FB3] =	sst s6  }
0xf: {  	[smem:$0x3FB4] =	sst s7  }
0x10: {  	[smem:$0x3FB5] =	sst s8  }
0x11: {  	[smem:$0x3FB6] =	sst s9;
	s0 =	simm.s32 @!p0 $0x0  }
0x12: {  	s1 =	sld [smem:$0x3F9C];
	s0 =	simm.s32 @p0 $0x1  }
0x13: {  	[smem:$0x3FB7] =	sst s0;
	s0 =	simm.s32 @!p1 $0x0  }
0x14: {  	s2 =	sld [smem:$0x3F9B];
	s0 =	simm.s32 @p1 $0x1  }
0x15: {  	[smem:$0x3FB8] =	sst s0;
	s0 =	simm.s32 @!p2 $0x0  }
0x16: {  	s3 =	sld [smem:$0x3FDB];
	s0 =	simm.s32 @p2 $0x1  }
0x17: {  	s4 =	simm.s32 $0x1BF5;
	[smem:$0x3FBA] =	sst s0  }
0x18: {  	s0 =	sld [smem:$0x3F9D];
	_ =	swait.ge [sflag:s4], $0x0  }
0x19: {  	s7 =	sld [smem:$0x3F9E]  }
0x1a: {  	s8 =	sadd.s32 $0xFFFFE003, lr  }
0x1b: {  	s9 =	sadd.s32 $0xFFFFFEF7, lr;
	s5 =	simm.s32 $0xFFFFFFFF;
	p2 =	slt.u32 s8, $0xFFFFF086  }
0x1c: {  	p1 =	slt.u32 s9, $0xF7A;
	s5 =	simm.s32 @!p2 $0x0  }
0x1d: {  	s5 =	simm.s32 @p1 $0x1;
	p0 =	seq.s32 s7, s2  }
0x1e: {  	s7 =	smul.u32 @!p0 $0xF7A, s2;
	p2 =	seq.s32 @!p0 s5, $0x0  }
0x1f: {  	s9 =	smul.u32 $0xF7A, s1;
	s8 =	simm.s32 @!p0 $0x1BF5;
	p2 =	por !p2, p0  }
0x20: {  	[sflag:s8] =	ssyncset.s32 @!p0 $0xFFFFF086;
	s6 =	sadd.s32 @!p0 s3, s7;
	s7 =	simm.s32 @!p0 $0x108  }
0x21: {  	s3 =	sadd.s32 s3, s9;
	s6 =	sadd.s32 @!p0 $0x88, s6;
	s7 =	simm.s32 @p2 $0x1082  }
0x22: {  	[simem:s7], [sflag:s8] =	dma.local @!p0 [hbm:s6], $0xF7A  }
0x23: {  	s9 =	sor.u32 $0xD0000000, s2;
	s6 =	simm.s32 $0x108;
	_ =	swait.ge @!p0 [sflag:s8], $0x0  }
0x24: {  	s3 =	sadd.s32 $0x88, s3;
	s6 =	simm.s32 @!p1 $0x1082;
	[sflag:s4] =	ssyncset.s32 $0xFFFFF086  }
0x25: {  	[simem:s6], [sflag:s4] =	dma.local [hbm:s3], $0xF7A  }
0x26: {  	[smem:$0x3F9E] =	sst s1;
	(tag) =	ssettag s2;
	_ =	strace s9  }
0x27: {  	s1 =	sld [smem:$0x3FAE]  }
0x28: {  	s2 =	sld [smem:$0x3FAF]  }
0x29: {  	s4 =	sld [smem:$0x3FB1]  }
0x2a: {  	p0 =	seq.s32 s5, $0x0;
	s5 =	sld [smem:$0x3FB2]  }
0x2b: {  	s6 =	sld [smem:$0x3FB3]  }
0x2c: {  	s7 =	sld [smem:$0x3FB4]  }
0x2d: {  	s3 =	simm.s32 $0x108;
	s8 =	sld [smem:$0x3FB5]  }
0x2e: {  	s3 =	simm.s32 @!p0 $0x1082;
	s9 =	sld [smem:$0x3FB6]  }
0x2f: {  	lr =	sadd.s32 s0, s3;
	s0 =	sld [smem:$0x3FAD]  }
0x30: {  	s3 =	sld [smem:$0x3FB0]  }
0x31: {  	[smem:$0x3FB9] =	sst s10  }
0x32: {  	s10 =	sld [smem:$0x3FB7];
	_ =	sdelay $0x3  }
0x33: {  	p0 =	seq.s32 s10, $0x1;
	s10 =	sld [smem:$0x3FB9];
	_ =	sdelay $0x3  }
0x34: {  	[smem:$0x3FB9] =	sst s10  }
0x35: {  	s10 =	sld [smem:$0x3FB8];
	_ =	sdelay $0x3  }
0x36: {  	p1 =	seq.s32 s10, $0x1;
	s10 =	sld [smem:$0x3FB9];
	_ =	sdelay $0x3  }
0x37: {  	[smem:$0x3FB9] =	sst s10  }
0x38: {  	s10 =	sld [smem:$0x3FBA]  }
0x39: {  	_ = 	snop;
	(pc) =	sbr.ind lr, $3  }
0x3a: {  	_ = 	snop  }
0x3b: {  	_ = 	snop  }
0x3c: {  	p2 =	seq.s32 s10, $0x1;
	s10 =	sld [smem:$0x3FB9]  }
0x3d: {  	_ =	shalt  }
0x3e: {  	_ =	shalt  }
0x3f: {  	_ =	shalt  }
0x40: {  	_ =	shalt  }
0x41: {  	_ =	shalt  }
0x42: {  	_ =	shalt  }
0x43: {  	_ =	shalt  }
0x44: {  	_ =	shalt  }
0x45: {  	_ =	shalt  }
0x46: {  	_ =	shalt  }
0x47: {  	_ =	shalt  }
0x48: {  	_ =	shalt  }
0x49: {  	_ =	shalt  }
0x4a: {  	_ =	shalt  }
0x4b: {  	_ =	shalt  }
0x4c: {  	_ =	shalt  }
0x4d: {  	_ =	shalt  }
0x4e: {  	_ =	shalt  }
0x4f: {  	_ =	shalt  }
0x50: {  	_ =	shalt  }
0x51: {  	_ =	shalt  }
0x52: {  	_ =	shalt  }
0x53: {  	_ =	shalt  }
0x54: {  	_ =	shalt  }
0x55: {  	_ =	shalt  }
0x56: {  	_ =	shalt  }
0x57: {  	_ =	shalt  }
0x58: {  	_ =	shalt  }
0x59: {  	_ =	shalt  }
0x5a: {  	_ =	shalt  }
0x5b: {  	_ =	shalt  }
0x5c: {  	_ =	shalt  }
0x5d: {  	_ =	shalt  }
0x5e: {  	_ =	shalt  }
0x5f: {  	_ =	shalt  }
0x60: {  	_ =	shalt  }
0x61: {  	_ =	shalt  }
0x62: {  	_ =	shalt  }
0x63: {  	_ =	shalt  }
0x64: {  	_ =	shalt  }
0x65: {  	_ =	shalt  }
0x66: {  	_ =	shalt  }
0x67: {  	_ =	shalt  }
0x68: {  	_ =	shalt  }
0x69: {  	_ =	shalt  }
0x6a: {  	_ =	shalt  }
0x6b: {  	_ =	shalt  }
0x6c: {  	_ =	shalt  }
0x6d: {  	_ =	shalt  }
0x6e: {  	_ =	shalt  }
0x6f: {  	_ =	shalt  }
0x70: {  	_ =	shalt  }
0x71: {  	_ =	shalt  }
0x72: {  	_ =	shalt  }
0x73: {  	_ =	shalt  }
0x74: {  	_ =	shalt  }
0x75: {  	_ =	shalt  }
0x76: {  	_ =	shalt  }
0x77: {  	_ =	shalt  }
0x78: {  	_ =	shalt  }
0x79: {  	_ =	shalt  }
0x7a: {  	_ =	shalt  }
0x7b: {  	_ =	shalt  }
0x7c: {  	_ =	shalt  }
0x7d: {  	_ =	shalt  }
0x7e: {  	_ =	shalt  }
0x7f: {  	_ =	shalt  }
0x80: {  	_ =	shalt  }
0x81: {  	_ =	shalt  }
0x82: {  	_ =	shalt  }
0x83: {  	_ =	shalt  }
0x84: {  	_ =	shalt  }
0x85: {  	_ =	shalt  }
0x86: {  	_ =	shalt  }
0x87: {  	_ =	shalt  }
.Lfunc_end0:
.L_simem_size_0:
called_computation.5_lowered:
.L_overlay_start_0:
0x88: {  	s2 =	sld [smem:$0x3FD9]  }
0x89: {  	s3 =	sld [smem:$0x3FFE];
	_ =	sdelay $0x1  }
0x8a: {  	s1 =	srdreg.scid  }
0x8b: {  	s0 =	sand.u32 $0x1, s1  }
0x8c: {  	s16 =	sshll.u32 s0, $0xA;
	s2 =	sadd.s32 s3, s2  }
0x8d: {  	s2 =	sadd.s32 s2, s16  }
0x8e: {  	[smem:$0x3FC5] =	sst s2  }
0x8f: {  	_ = 	snop  }
0x90: {  	(tm) =	ssettm $0x1  }
0x91: {  	s17 =	sld [smem:$0x3FFB];
	_ =	sdelay $0x3  }
0x92: {  	_ =	strace s17  }
0x93: {  	s2 =	sld [smem:$0x3FFC];
	_ =	sdelay $0x3  }
0x94: {  	_ =	strace s2  }
0x95: {  	s2 =	sld [smem:$0x3FFD];
	_ =	sdelay $0x3  }
0x96: {  	_ =	strace s2  }
0x97: {  	_ =	strace $0x8FFFFFFF  }
0x98: {  	s18 =	sld [smem:$0x3FDB];
	_ =	sdelay $0x1  }
0x99: {  	s19 =	simm.s32 $_scs_section_size  }
0x9a: {  	s4 =	simm.s32 $_size__tile_overlayer_lowered;
	s5 =	simm.s32 $_tile_overlayer_lowered  }
0x9b: {  	s22 =	simm.s32 $0x1BFF;
	s21 =	sshll.u32 s5, $0x1;
	s2 =	sadd.s32 s19, s18  }
0x9c: {  	s6 =	simm.s32 $0x0;
	s20 =	sshll.u32 s4, $0x1;
	s4 =	sadd.s32 s21, s2  }
0x9d: {  	[timem:s6], [sflag:s22] =	dma.local [hbm:s4], s20  }
0x9e: {  	_ =	swait.ge [sflag:s22], s20  }
0x9f: {  	s3 =	ssub.s32 $0x0, s20;
	[sflag:s22] =	ssyncset.done $0x0  }
0xa0: {  	[sflag:s22] =	ssyncadd.s32 s3;
	_ =	sdelay $0x1  }
0xa1: {  	s23 =	simm.s32 $0x1B8B  }
0xa2: {  	_ =	swait.ge [sflag:s23], $0x1  }
0xa3: {  	[sflag:s23] =	ssyncset.done $0x0  }
0xa4: {  	s25 =	simm.s32 $0x1B8E;
	s24 =	sld [smem:$0x3FFE];
	[sflag:s23] =	ssyncadd.s32 $0xFFFFFFFF  }
0xa5: {  	s26 =	simm.s32 $execute0_lowered;
	[smem:$0x3FD2] =	sst s25  }
0xa6: {  	s4 =	sshll.u32 s26, $0x1;
	_ =	strace $0x80000052;
	[dreg:$0x1] =	wrdreg $0xFFFFFFFF  }
0xa7: {  	s28 =	simm.s32 $_size_execute0_lowered;
	s2 =	sadd.s32 s2, s4;
	[dreg:$0x0] =	wrdreg $0x0  }
0xa8: {  	s4 =	sshll.u32 s28, $0x1;
	[dreg:$0x2] =	wrdreg s2  }
0xa9: {  	[dreg:$0x3] =	wrdreg s4  }
0xaa: {  	[dreg:$0x4] =	wrdreg $0xC0  }
0xab: {  	_ =	task [dreg:s6], $0x5FFFF  }
0xac: {  	[dreg:$0x1] =	wrdreg $0xFFFFFFFF  }
0xad: {  	[dreg:$0x0] =	wrdreg $0x60  }
0xae: {  	[dreg:$0x2] =	wrdreg s24  }
0xaf: {  	[dreg:$0x3] =	wrdreg $0xA  }
0xb0: {  	_ =	task.clear_ibuf [dreg:s6], $0x4FFFF;
	_ =	strace $0x90000052  }
0xb1: {  	s29 =	simm.s32 $0xA;
	_ =	strace $0x80000054  }
0xb2: {  	_ =	swait.ge [sflag:s29], $0x1  }
0xb3: {  	[sflag:s29] =	ssyncadd.s32 $0xFFFFFFFF  }
0xb4: {  	_ =	strace $0x90000054  }
0xb5: {  	_ =	sfence  }
0xb6: {  	s30 =	sld [smem:$0x0];
	_ =	sdelay $0x2  }
0xb7: {  	s31 =	sshll.u32 s1, $0xD;
	s1 =	sshrl.u32 s1, $0x2  }
0xb8: {  	s3 =	sand.u32 $0x4000, s31;
	s1 =	sadd.s32 s1, s30  }
0xb9: {  	s0 =	sor.u32 s3, s0;
	s1 =	sshll.u32 s1, $0x11  }
0xba: {  	s0 =	sor.u32 s1, s0  }
0xbb: {  	s0 =	sadd.s32 $0x8F2B, s0  }
0xbc: {  	[sflag:s0] =	ssyncadd.remote.s32 $0x1  }
0xbd: {  	_ =	sfence.sel $0xFFFF  }
0xbe: {  	[dreg:$0x0] =	wrdreg $0xFFFFFFFF;
	(pc) =	sbr.abs _section_cstart, $3  }
0xbf: {  	[dreg:$0x1] =	wrdreg $0xFFFFFFFF  }
0xc0: {  	_ =	task.clear_ibuf [dreg:s6], $0x2FFFF;
	_ =	strace $0x9FFFFFFF  }
0xc1: {  	(tm) =	ssettm $0x7FFFFFFF  }
tec
execute0_lowered:
.L_overlay_start_1:
0x0: {  	(tag) =	ssettag $0x1  }
0x1: {  	s0 =	srdreg.scid;
	s5 =	rddreg [dreg:$0x0]  }
0x2: {  	s1 =	stileid.u32;
	s6 =	simm.s32 $0x1;
	s9 =	simm.s32 $0x1  }
0x3: {  	s10 =	simm.s32 $0x3;
	s13 =	simm.s32 $0x0;
	s2 =	sshll.u32 s0, $0xE  }
0x4: {  	s12 =	simm.s32 $0x0;
	s3 =	sshll.u32 s1, $0xF;
	s2 =	sand.u32 $0x4000, s2  }
0x5: {  	s0 =	rddreg [dreg:$0x1];
	_ =	strace $0x80000053;
	s2 =	sor.u32 s3, s2  }
0x6: {  	s4 =	sadd.s32 $0x40200, s5;
	[sflag:s6] =	ssyncpa.u1 $0x0;
	s8 =	ssub.s32 $0x100000, s2  }
.Ltmp0:
0x7: {  	s3 =	sadd.s32 $0x100600, s5;
	s7 =	sand.u32 $0x7C000, s8;
	(pc) =	sbr.rel .LBB2_1-.Ltmp0, $4  }
0x8: {  	s5 =	sadd.s32 $0x120600, s5;
	s11 =	smov.u32 s2;
	p0 =	sne.s32 s7, $0x0  }
0x9: {  	s8 =	sshrl.u32 s8, $0x13;
	s7 =	simm.s32 $0x2;
	s9 =	simm.s32 @!p0 $0x0  }
0xa: {  	[sflag:s7] =	ssyncpa.u1 $0x0;
	p0 =	por $0x0, $0x0;
	s8 =	sadd.s32 s9, s8  }
0xb: {  	vm0 =	vmmov $0xffff;
	[sflag:s10] =	ssyncpa.u1 $0x0;
	s10 =	simm.s32 $0x0;
	s9 =	sadd.s32 $0x1, s8  }
.LBB2_4:
0xc: {  	v3 =	vshrl.u32 v0, $0x2;
	v4 =	vshrl.u32 v0, $0xB;
	v1 =	vor.u32 v1, v2  }
0xd: {  	v62 =	vshll.u32 v0, $0x12;
	v60 =	vand.u32 $0x1FF, v3;
	v61 =	vand.u32 $0x1FF, v4  }
0xe: {  	v0 =	vand.u32 $0xC0000, v62;
	v2 =	vsel vm1, $0xFFFFFFFF, v60;
	v3 =	vsel vm1, $0xFFFFFFFF, v61  }
0xf: {  	v0 =	vsel vm1, $0xFFFC0000, v0;
	v63 =	vand.u32 $0x7F, v3;
	v5 =	vshll.u32 v2, $0x9  }
0x10: {  	v3 =	vshll.u32 v3, $0x3;
	v5 =	vand.u32 $0xFFFFF000, v5;
	v0 =	vor.u32 v0, v63  }
0x11: {  	v2 =	vshll.u32 v2, $0x7;
	v3 =	vand.u32 $0xFFFFFC00, v3;
	v0 =	vadd.s32 v5, v0  }
0x12: {  	v2 =	vand.u32 $0x380, v2;
	v0 =	vadd.s32 v3, v0  }
0x13: {  	v0 =	vor.u32 v2, v0;
	_ =	sdelay $0x1  }
0x14: {  	(ifvalue) =	ssetifvalue $0x7FFFFFFF;
	s14 =	sadd.s32 $0x10, s14  }
0x15: {  	[tilespmem:s14], [sflag:$0x1] =	stream.indirect_vreg.gather [hbm4b:s3+s10], $0x1, v1, vm0, $0x4038;
	[tilespmem:$0x10000] =	vst v63  }
0x16: {  	(ifvalue) =	ssetifvalue $0x7FFFFFFF;
	s14 =	sadd.s32 $0x10, s14  }
0x17: {  	[tilespmem:s14], [sflag:$0x1] =	stream.indirect_vreg.gather [hbm4b:s3+s10], $0x1, v0, vm0, $0x4038;
	[tilespmem:$0x10000] =	vst v63  }
0x18: {  	_ =	swait.ge [sflag:s6], $0x4000  }
0x19: {  	s30 =	sshrl.u32 s13, $0x3;
	[sflag:s6] =	ssyncset.done $0x0  }
0x1a: {  	s31 =	sand.u32 $0x7, s13;
	s14 =	sadd.s32 s5, s30;
	[sflag:s6] =	ssyncadd.s32 $0xFFFFC000  }
0x1b: {  	[hbm4b:s14+s31] =	stream.linear.scatter [tilespmem:s15], [sflag:$0x3], $0x4000, $0x38;
	[tilespmem:$0x10000] =	vst v63  }
.LBB2_5:
0x1c: {  	s15 =	sadd.s32 $0x80000, s11  }
0x1d: {  	p2 =	sgt.s32 s15, $0xFFFFF  }
0x1e: {  	s15 =	smov.u32 @p2 s2;
	p2 =	sne.s32 s12, s9  }
.Ltmp1:
0x1f: {  	p1 =	slt.u32 s12, $0x2;
	(pc) =	sbr.rel @!p2 .LBB2_6-.Ltmp1, $4  }
0x20: {  	s14 =	simm.s32 @!p1 $0x3  }
0x21: {  	s16 =	sadd.s32 $0x1, s12;
	_ =	swait.ge @!p1 [sflag:s14], $0x4000  }
0x22: {  	s13 =	smov.u32 s11;
	p0 =	por !p0, !p0;
	[sflag:s14] =	ssyncset.done @!p1 $0x0  }
0x23: {  	s12 =	smov.u32 s16;
	s11 =	smov.u32 s15;
	[sflag:s14] =	ssyncadd.s32 @!p1 $0xFFFFC000  }
.LBB2_1:
0x24: {  	p1 =	sge.u32 s12, s8  }
0x25: {  	s14 =	sxor.u32 @!p1 $0xFFFFFFFF, s12  }
0x26: {  	s31 =	sadd.s32 $0xFFFFFFFF, s12;
	s15 =	sshrl.u32 @!p1 s11, $0x3;
	s14 =	sshll.u32 @!p1 s14, $0xE  }
0x27: {  	s16 =	sand.u32 @!p1 $0x7, s11;
	s15 =	sadd.s32 @!p1 s4, s15;
	s14 =	sand.u32 @!p1 $0x4000, s14  }
0x28: {  	[tilespmem:s14], [sflag:$0x2] =	stream.linear.gather @!p1 [hbm4b:s15+s16], $0x4000, $0x38;
	[tilespmem:$0x10000] =	vst v63  }
0x29: {  	p1 =	sge.u32 s31, s8  }
.Ltmp2:
0x2a: {  	_ = 	snop;
	(pc) =	sbr.rel @p1 .LBB2_5-.Ltmp2, $1  }
0x2b: {  	_ =	sdelay $0x3  }
0x2c: {  	s14 =	simm.s32 $0x1  }
0x2d: {  	_ =	swait.ge [sflag:s7], $0x4000;
	s14 =	simm.s32 @!p0 $0x0  }
0x2e: {  	[sflag:s7] =	ssyncset.done $0x0;
	s14 =	sshll.u32 s14, $0xE  }
0x2f: {  	[sflag:s7] =	ssyncadd.s32 $0xFFFFC000;
	(ifvalue) =	ssetifvalue $0x7FFFFFFF;
	v0 =	vld.msk [tilespmem:s14+$0x0 ss:$0x1], $0xffff;
	_ =	sdelay $0x4  }
0x30: {  	s15 =	sadd.s32 $0x10, s14;
	vm1 =	veq.s32 v0, $0x80000000;
	v1 =	vshrl.u32 v0, $0x2;
	v2 =	vshrl.u32 v0, $0xB  }
0x31: {  	v3 =	vld.msk [tilespmem:s15+$0x0 ss:$0x1], $0xffff;
	v0 =	vshll.u32 v0, $0x12;
	v1 =	vand.u32 $0x1FF, v1;
	v2 =	vand.u32 $0x1FF, v2  }
0x32: {  	v0 =	vand.u32 $0xC0000, v0;
	v1 =	vsel vm1, $0xFFFFFFFF, v1;
	v2 =	vsel vm1, $0xFFFFFFFF, v2  }
0x33: {  	v0 =	vsel vm1, $0xFFFC0000, v0;
	v4 =	vand.u32 $0x7F, v2;
	v5 =	vshll.u32 v1, $0x9  }
0x34: {  	v2 =	vshll.u32 v2, $0x3;
	v5 =	vand.u32 $0xFFFFF000, v5;
	v0 =	vor.u32 v0, v4  }
0x35: {  	v1 =	vshll.u32 v1, $0x7;
	v2 =	vand.u32 $0xFFFFFC00, v2;
	v0 =	vadd.s32 v5, v0  }
0x36: {  	v62 =	vshrl.u32 v3, $0xB;
	v1 =	vand.u32 $0x380, v1;
	v0 =	vadd.s32 v2, v0  }
0x37: {  	s17 =	sadd.s32 $0x10, s15;
	vm1 =	veq.s32 v3, $0x80000000;
	v2 =	vshrl.u32 v3, $0x2;
	v1 =	vor.u32 v1, v0  }
0x38: {  	v4 =	vand.u32 $0x1FF, v62;
	v3 =	vshll.u32 v3, $0x12;
	v0 =	vld.msk [tilespmem:s17+$0x0 ss:$0x1], $0xffff;
	v2 =	vand.u32 $0x1FF, v2  }
0x39: {  	v4 =	vsel vm1, $0xFFFFFFFF, v4;
	v3 =	vand.u32 $0xC0000, v3;
	v2 =	vsel vm1, $0xFFFFFFFF, v2  }
0x3a: {  	s31 =	sshll.u32 s12, $0xE;
	v63 =	vand.u32 $0x7F, v4;
	v3 =	vsel vm1, $0xFFFC0000, v3;
	v6 =	vshll.u32 v2, $0x9  }
0x3b: {  	s14 =	sor.u32 $0x8000, s14;
	s15 =	sand.u32 $0x4000, s31;
	v4 =	vshll.u32 v4, $0x3;
	(ifvalue) =	ssetifvalue $0x7FFFFFFF;
	v3 =	vor.u32 v3, v63;
	v6 =	vand.u32 $0xFFFFF000, v6  }
0x3c: {  	v4 =	vand.u32 $0xFFFFFC00, v4;
	[tilespmem:s14], [sflag:$0x1] =	stream.indirect_vreg.gather [hbm4b:s3+s10], $0x1, v1, vm0, $0x4038;
	v1 =	vshll.u32 v2, $0x7;
	v2 =	vadd.s32 v6, v3;
	[tilespmem:$0x10000] =	vst v63  }
0x3d: {  	s16 =	simm.s32 $0x20;
	s15 =	sor.u32 $0x8000, s15;
	s17 =	sadd.s32 $0x10, s17;
	vm1 =	veq.s32 v0, $0x80000000;
	v1 =	vand.u32 $0x380, v1;
	v2 =	vadd.s32 v4, v2  }
.LBB2_3:
0x3e: {  	v3 =	vld.msk [tilespmem:s17+$0x0 ss:$0x1], $0xffff;
	v4 =	vshrl.u32 v0, $0x2;
	v5 =	vshrl.u32 v0, $0xB;
	v1 =	vor.u32 v1, v2;
	s16 =	sadd.s32 $0x10, s16  }
0x3f: {  	v0 =	vshll.u32 v0, $0x12;
	v2 =	vand.u32 $0x1FF, v4;
	v4 =	vand.u32 $0x1FF, v5;
	p1 =	slt.u32 s16, $0x3FF0  }
.Ltmp3:
0x40: {  	v0 =	vand.u32 $0xC0000, v0;
	v2 =	vsel vm1, $0xFFFFFFFF, v2;
	v4 =	vsel vm1, $0xFFFFFFFF, v4;
	(pc) =	sbr.rel @p1 .LBB2_3-.Ltmp3, $4  }
0x41: {  	v0 =	vsel vm1, $0xFFFC0000, v0;
	v5 =	vand.u32 $0x7F, v4;
	v6 =	vshll.u32 v2, $0x9  }
0x42: {  	s14 =	sadd.s32 $0x10, s14;
	v4 =	vshll.u32 v4, $0x3;
	v6 =	vand.u32 $0xFFFFF000, v6;
	v7 =	vor.u32 v0, v5;
	(ifvalue) =	ssetifvalue $0x7FFFFFFF  }
0x43: {  	v2 =	vshll.u32 v2, $0x7;
	v4 =	vand.u32 $0xFFFFFC00, v4;
	v5 =	vadd.s32 v6, v7;
	[tilespmem:s14], [sflag:$0x1] =	stream.indirect_vreg.gather [hbm4b:s3+s10], $0x1, v1, vm0, $0x4038;
	[tilespmem:$0x10000] =	vst v63  }
0x44: {  	s17 =	sadd.s32 $0x10, s17;
	vm1 =	veq.s32 v3, $0x80000000;
	v1 =	vand.u32 $0x380, v2;
	v0 =	vmovc v3;
	v2 =	vadd.s32 v4, v5  }
.Ltmp4:
0x45: {  	_ = 	snop;
	(pc) =	sbr.rel .LBB2_4-.Ltmp4, $1  }
0x46: {  	_ =	sdelay $0x3  }
.LBB2_6:
0x47: {  	_ =	sfence.sel $0x180000  }
0x48: {  	s2 =	simm.s32 $0x2;
	[bflag:$0x0] =	sbarrier.arrive $0xFFFF  }
0x49: {  	s30 =	simm.s32 $0x3;
	[sflag:s2] =	ssyncpa.u1 $0x1  }
0x4a: {  	s31 =	simm.s32 $0x1;
	[sflag:s30] =	ssyncpa.u1 $0x1  }
0x4b: {  	[sflag:s31] =	ssyncpa.u1 $0x1  }
0x4c: {  	p0 =	sne.s32 s1, $0x0;
	_ =	strace $0x90000053  }
0x4d: {  	s0 =	sadd.s32 @!p0 $0x100000, s0;
	[bflag:$0x2] =	sbarrier.arrive $0xFFFF  }
0x4e: {  	[sflag:s0] =	ssyncadd.tile.s32 @!p0 $0x1;
	_ =	shalt  }
.Lfunc_end2:
_tile_overlayer_lowered:
.L_overlay_start_2:
0x4f: {  	(tag) =	ssettag $0x2  }
0x50: {  	s0 =	rddreg [dreg:$0x0];
	s2 =	stileid.u32  }
0x51: {  	s1 =	rddreg [dreg:$0x1];
	p0 =	sne.s32 s2, $0x0  }
0x52: {  	s3 =	rddreg [dreg:$0x2];
	[bflag:$0x3] =	sbarrier.arrive $0xFFFF;
	s2 =	simm.s32 @!p0 $0x1C01  }
0x53: {  	[timem:s3], [sflag:s2] =	dma.local @!p0 [hbm:s0], s1  }
0x54: {  	s0 =	simm.s32 @!p0 $0x1  }
0x55: {  	_ =	swait.ge @!p0 [sflag:s0], s1  }
0x56: {  	s1 =	ssub.s32 @!p0 $0x0, s1;
	[sflag:s0] =	ssyncset.done @!p0 $0x0  }
0x57: {  	[sflag:s0] =	ssyncadd.s32 @!p0 s1  }
0x58: {  	[bflag:$0x3] =	sbarrier.arrive $0xFFFF  }
0x59: {  	_ =	shalt  }

// kernel: gather_offload_async_start.6
scs
__scs_entry_jumppad:
0x0: {  	(pc) =	sbr.rel $0x88, $3  }
0x1: {  	(tag) =	ssettag $0x0;
	lr =	simm.s32 $0x1  }
0x2: {  	[smem:$0x3F9E] =	sst lr;
	_ =	strace $0xD0000000  }
0x3: {  	_ = 	snop  }
0x4: {  	_ = 	snop  }
0x5: {  	_ = 	snop  }
0x6: {  	_ = 	snop  }
0x7: {  	_ = 	snop  }
__scs_overlays_trampoline_lowered:
0x8: {  	[smem:$0x3FAD] =	sst s0  }
0x9: {  	[smem:$0x3FAE] =	sst s1  }
0xa: {  	[smem:$0x3FAF] =	sst s2  }
0xb: {  	[smem:$0x3FB0] =	sst s3  }
0xc: {  	[smem:$0x3FB1] =	sst s4  }
0xd: {  	[smem:$0x3FB2] =	sst s5  }
0xe: {  	[smem:$0x3FB3] =	sst s6  }
0xf: {  	[smem:$0x3FB4] =	sst s7  }
0x10: {  	[smem:$0x3FB5] =	sst s8  }
0x11: {  	[smem:$0x3FB6] =	sst s9;
	s0 =	simm.s32 @!p0 $0x0  }
0x12: {  	s1 =	sld [smem:$0x3F9C];
	s0 =	simm.s32 @p0 $0x1  }
0x13: {  	[smem:$0x3FB7] =	sst s0;
	s0 =	simm.s32 @!p1 $0x0  }
0x14: {  	s2 =	sld [smem:$0x3F9B];
	s0 =	simm.s32 @p1 $0x1  }
0x15: {  	[smem:$0x3FB8] =	sst s0;
	s0 =	simm.s32 @!p2 $0x0  }
0x16: {  	s3 =	sld [smem:$0x3FDB];
	s0 =	simm.s32 @p2 $0x1  }
0x17: {  	s4 =	simm.s32 $0x1BF5;
	[smem:$0x3FBA] =	sst s0  }
0x18: {  	s0 =	sld [smem:$0x3F9D];
	_ =	swait.ge [sflag:s4], $0x0  }
0x19: {  	s7 =	sld [smem:$0x3F9E]  }
0x1a: {  	s8 =	sadd.s32 $0xFFFFE003, lr  }
0x1b: {  	s9 =	sadd.s32 $0xFFFFFEF7, lr;
	s5 =	simm.s32 $0xFFFFFFFF;
	p2 =	slt.u32 s8, $0xFFFFF086  }
0x1c: {  	p1 =	slt.u32 s9, $0xF7A;
	s5 =	simm.s32 @!p2 $0x0  }
0x1d: {  	s5 =	simm.s32 @p1 $0x1;
	p0 =	seq.s32 s7, s2  }
0x1e: {  	s7 =	smul.u32 @!p0 $0xF7A, s2;
	p2 =	seq.s32 @!p0 s5, $0x0  }
0x1f: {  	s9 =	smul.u32 $0xF7A, s1;
	s8 =	simm.s32 @!p0 $0x1BF5;
	p2 =	por !p2, p0  }
0x20: {  	[sflag:s8] =	ssyncset.s32 @!p0 $0xFFFFF086;
	s6 =	sadd.s32 @!p0 s3, s7;
	s7 =	simm.s32 @!p0 $0x108  }
0x21: {  	s3 =	sadd.s32 s3, s9;
	s6 =	sadd.s32 @!p0 $0x88, s6;
	s7 =	simm.s32 @p2 $0x1082  }
0x22: {  	[simem:s7], [sflag:s8] =	dma.local @!p0 [hbm:s6], $0xF7A  }
0x23: {  	s9 =	sor.u32 $0xD0000000, s2;
	s6 =	simm.s32 $0x108;
	_ =	swait.ge @!p0 [sflag:s8], $0x0  }
0x24: {  	s3 =	sadd.s32 $0x88, s3;
	s6 =	simm.s32 @!p1 $0x1082;
	[sflag:s4] =	ssyncset.s32 $0xFFFFF086  }
0x25: {  	[simem:s6], [sflag:s4] =	dma.local [hbm:s3], $0xF7A  }
0x26: {  	[smem:$0x3F9E] =	sst s1;
	(tag) =	ssettag s2;
	_ =	strace s9  }
0x27: {  	s1 =	sld [smem:$0x3FAE]  }
0x28: {  	s2 =	sld [smem:$0x3FAF]  }
0x29: {  	s4 =	sld [smem:$0x3FB1]  }
0x2a: {  	p0 =	seq.s32 s5, $0x0;
	s5 =	sld [smem:$0x3FB2]  }
0x2b: {  	s6 =	sld [smem:$0x3FB3]  }
0x2c: {  	s7 =	sld [smem:$0x3FB4]  }
0x2d: {  	s3 =	simm.s32 $0x108;
	s8 =	sld [smem:$0x3FB5]  }
0x2e: {  	s3 =	simm.s32 @!p0 $0x1082;
	s9 =	sld [smem:$0x3FB6]  }
0x2f: {  	lr =	sadd.s32 s0, s3;
	s0 =	sld [smem:$0x3FAD]  }
0x30: {  	s3 =	sld [smem:$0x3FB0]  }
0x31: {  	[smem:$0x3FB9] =	sst s10  }
0x32: {  	s10 =	sld [smem:$0x3FB7];
	_ =	sdelay $0x3  }
0x33: {  	p0 =	seq.s32 s10, $0x1;
	s10 =	sld [smem:$0x3FB9];
	_ =	sdelay $0x3  }
0x34: {  	[smem:$0x3FB9] =	sst s10  }
0x35: {  	s10 =	sld [smem:$0x3FB8];
	_ =	sdelay $0x3  }
0x36: {  	p1 =	seq.s32 s10, $0x1;
	s10 =	sld [smem:$0x3FB9];
	_ =	sdelay $0x3  }
0x37: {  	[smem:$0x3FB9] =	sst s10  }
0x38: {  	s10 =	sld [smem:$0x3FBA]  }
0x39: {  	_ = 	snop;
	(pc) =	sbr.ind lr, $3  }
0x3a: {  	_ = 	snop  }
0x3b: {  	_ = 	snop  }
0x3c: {  	p2 =	seq.s32 s10, $0x1;
	s10 =	sld [smem:$0x3FB9]  }
0x3d: {  	_ =	shalt  }
0x3e: {  	_ =	shalt  }
0x3f: {  	_ =	shalt  }
0x40: {  	_ =	shalt  }
0x41: {  	_ =	shalt  }
0x42: {  	_ =	shalt  }
0x43: {  	_ =	shalt  }
0x44: {  	_ =	shalt  }
0x45: {  	_ =	shalt  }
0x46: {  	_ =	shalt  }
0x47: {  	_ =	shalt  }
0x48: {  	_ =	shalt  }
0x49: {  	_ =	shalt  }
0x4a: {  	_ =	shalt  }
0x4b: {  	_ =	shalt  }
0x4c: {  	_ =	shalt  }
0x4d: {  	_ =	shalt  }
0x4e: {  	_ =	shalt  }
0x4f: {  	_ =	shalt  }
0x50: {  	_ =	shalt  }
0x51: {  	_ =	shalt  }
0x52: {  	_ =	shalt  }
0x53: {  	_ =	shalt  }
0x54: {  	_ =	shalt  }
0x55: {  	_ =	shalt  }
0x56: {  	_ =	shalt  }
0x57: {  	_ =	shalt  }
0x58: {  	_ =	shalt  }
0x59: {  	_ =	shalt  }
0x5a: {  	_ =	shalt  }
0x5b: {  	_ =	shalt  }
0x5c: {  	_ =	shalt  }
0x5d: {  	_ =	shalt  }
0x5e: {  	_ =	shalt  }
0x5f: {  	_ =	shalt  }
0x60: {  	_ =	shalt  }
0x61: {  	_ =	shalt  }
0x62: {  	_ =	shalt  }
0x63: {  	_ =	shalt  }
0x64: {  	_ =	shalt  }
0x65: {  	_ =	shalt  }
0x66: {  	_ =	shalt  }
0x67: {  	_ =	shalt  }
0x68: {  	_ =	shalt  }
0x69: {  	_ =	shalt  }
0x6a: {  	_ =	shalt  }
0x6b: {  	_ =	shalt  }
0x6c: {  	_ =	shalt  }
0x6d: {  	_ =	shalt  }
0x6e: {  	_ =	shalt  }
0x6f: {  	_ =	shalt  }
0x70: {  	_ =	shalt  }
0x71: {  	_ =	shalt  }
0x72: {  	_ =	shalt  }
0x73: {  	_ =	shalt  }
0x74: {  	_ =	shalt  }
0x75: {  	_ =	shalt  }
0x76: {  	_ =	shalt  }
0x77: {  	_ =	shalt  }
0x78: {  	_ =	shalt  }
0x79: {  	_ =	shalt  }
0x7a: {  	_ =	shalt  }
0x7b: {  	_ =	shalt  }
0x7c: {  	_ =	shalt  }
0x7d: {  	_ =	shalt  }
0x7e: {  	_ =	shalt  }
0x7f: {  	_ =	shalt  }
0x80: {  	_ =	shalt  }
0x81: {  	_ =	shalt  }
0x82: {  	_ =	shalt  }
0x83: {  	_ =	shalt  }
0x84: {  	_ =	shalt  }
0x85: {  	_ =	shalt  }
0x86: {  	_ =	shalt  }
0x87: {  	_ =	shalt  }
.Lfunc_end0:
.L_simem_size_0:
called_computation.6_lowered:
.L_overlay_start_0:
0x88: {  	s2 =	sld [smem:$0x3FD9]  }
0x89: {  	s3 =	sld [smem:$0x3FFE];
	_ =	sdelay $0x1  }
0x8a: {  	s1 =	srdreg.scid  }
0x8b: {  	s0 =	sand.u32 $0x1, s1  }
0x8c: {  	s17 =	sshll.u32 s0, $0xA;
	s2 =	sadd.s32 s3, s2  }
0x8d: {  	s2 =	sadd.s32 s2, s17  }
0x8e: {  	[smem:$0x3FC5] =	sst s2  }
0x8f: {  	_ = 	snop  }
0x90: {  	(tm) =	ssettm $0x1  }
0x91: {  	s18 =	sld [smem:$0x3FFB];
	_ =	sdelay $0x3  }
0x92: {  	_ =	strace s18  }
0x93: {  	s2 =	sld [smem:$0x3FFC];
	_ =	sdelay $0x3  }
0x94: {  	_ =	strace s2  }
0x95: {  	s2 =	sld [smem:$0x3FFD];
	_ =	sdelay $0x3  }
0x96: {  	_ =	strace s2  }
0x97: {  	_ =	strace $0x8FFFFFFF  }
0x98: {  	s19 =	sld [smem:$0x3FDB];
	_ =	sdelay $0x1  }
0x99: {  	s20 =	simm.s32 $_scs_section_size  }
0x9a: {  	s4 =	simm.s32 $_size__tile_overlayer_lowered;
	s5 =	simm.s32 $_tile_overlayer_lowered  }
0x9b: {  	s6 =	simm.s32 $0x1BFF;
	s21 =	sshll.u32 s5, $0x1;
	s3 =	sadd.s32 s20, s19  }
0x9c: {  	s22 =	simm.s32 $0x0;
	s4 =	sshll.u32 s4, $0x1;
	s5 =	sadd.s32 s21, s3  }
0x9d: {  	[timem:s22], [sflag:s6] =	dma.local [hbm:s5], s4  }
0x9e: {  	_ =	swait.ge [sflag:s6], s4  }
0x9f: {  	s4 =	ssub.s32 $0x0, s4;
	[sflag:s6] =	ssyncset.done $0x0  }
0xa0: {  	[sflag:s6] =	ssyncadd.s32 s4;
	_ =	sdelay $0x1  }
0xa1: {  	s23 =	simm.s32 $0x1B8B  }
0xa2: {  	_ =	swait.ge [sflag:s23], $0x1  }
0xa3: {  	[sflag:s23] =	ssyncset.done $0x0  }
0xa4: {  	[sflag:s23] =	ssyncadd.s32 $0xFFFFFFFF  }
0xa5: {  	s4 =	sld [smem:$0x0]  }
0xa6: {  	s5 =	sand.u32 $0xFFFFFFFE, s1  }
0xa7: {  	p0 =	sne.s32 s1, s5  }
0xa8: {  	s5 =	sshll.u32 @p0 s5, $0xE  }
0xa9: {  	s5 =	sadd.s32 @p0 $0x11B8D, s5;
	s6 =	sshll.u32 @p0 s4, $0x11  }
0xaa: {  	s5 =	sor.u32 @p0 s6, s5  }
0xab: {  	[sflag:s5] =	ssyncadd.remote.s32 @p0 $0x1;
	_ =	sdelay $0x1  }
0xac: {  	s5 =	simm.s32 @p0 $0x1B8D  }
0xad: {  	_ =	swait.eq @p0 [sflag:s5], $0x1  }
0xae: {  	[sflag:s5] =	ssyncadd.s32 @p0 $0xFFFFFFFF  }
0xaf: {  	s6 =	sshll.u32 @!p0 s1, $0xE  }
0xb0: {  	s6 =	sor.u32 @!p0 $0x4000, s6;
	s5 =	simm.s32 @!p0 $0x1B8D  }
0xb1: {  	s4 =	sshll.u32 @!p0 s4, $0x11;
	s6 =	sadd.s32 @!p0 $0x11B8D, s6;
	_ =	swait.eq @!p0 [sflag:s5], $0x1  }
0xb2: {  	s4 =	sor.u32 @!p0 s4, s6;
	[sflag:s5] =	ssyncadd.s32 @!p0 $0xFFFFFFFF  }
0xb3: {  	s25 =	simm.s32 $0x1B8E;
	s24 =	sld [smem:$0x3FFE];
	[sflag:s4] =	ssyncadd.remote.s32 @!p0 $0x1  }
0xb4: {  	s26 =	simm.s32 $execute0_lowered;
	[smem:$0x3FD2] =	sst s25  }
0xb5: {  	s5 =	sshll.u32 s26, $0x1;
	_ =	strace $0x80000055;
	[dreg:$0x1] =	wrdreg $0xFFFFFFFF  }
0xb6: {  	s28 =	simm.s32 $_size_execute0_lowered;
	s3 =	sadd.s32 s3, s5;
	[dreg:$0x0] =	wrdreg $0x0  }
0xb7: {  	s5 =	sshll.u32 s28, $0x1;
	[dreg:$0x2] =	wrdreg s3  }
0xb8: {  	[dreg:$0x3] =	wrdreg s5  }
0xb9: {  	[dreg:$0x4] =	wrdreg $0xC0  }
0xba: {  	_ =	task [dreg:s22], $0x5FFFF  }
0xbb: {  	[dreg:$0x1] =	wrdreg $0xFFFFFFFF  }
0xbc: {  	[dreg:$0x0] =	wrdreg $0x60  }
0xbd: {  	[dreg:$0x2] =	wrdreg s24  }
0xbe: {  	[dreg:$0x3] =	wrdreg $0x9  }
0xbf: {  	_ =	task.clear_ibuf [dreg:s22], $0x4FFFF;
	_ =	strace $0x90000055  }
0xc0: {  	s29 =	simm.s32 $0x9;
	_ =	strace $0x80000057  }
0xc1: {  	_ =	swait.ge [sflag:s29], $0x1  }
0xc2: {  	[sflag:s29] =	ssyncadd.s32 $0xFFFFFFFF  }
0xc3: {  	_ =	strace $0x90000057  }
0xc4: {  	_ =	sfence  }
0xc5: {  	s30 =	sld [smem:$0x0];
	_ =	sdelay $0x2  }
0xc6: {  	s31 =	sshll.u32 s1, $0xD;
	s1 =	sshrl.u32 s1, $0x2  }
0xc7: {  	s4 =	sand.u32 $0x4000, s31;
	s1 =	sadd.s32 s1, s30  }
0xc8: {  	s0 =	sor.u32 s4, s0;
	s1 =	sshll.u32 s1, $0x11  }
0xc9: {  	s0 =	sor.u32 s1, s0  }
0xca: {  	s0 =	sadd.s32 $0x8F2B, s0  }
0xcb: {  	[sflag:s0] =	ssyncadd.remote.s32 $0x1  }
0xcc: {  	_ =	sfence.sel $0xFFFF  }
0xcd: {  	[dreg:$0x0] =	wrdreg $0xFFFFFFFF;
	(pc) =	sbr.abs _section_cstart, $3  }
0xce: {  	[dreg:$0x1] =	wrdreg $0xFFFFFFFF  }
0xcf: {  	_ =	task.clear_ibuf [dreg:s22], $0x2FFFF;
	_ =	strace $0x9FFFFFFF  }
0xd0: {  	(tm) =	ssettm $0x7FFFFFFF  }
0xd1: {  	_ =	shalt  }
tec
execute0_lowered:
.L_overlay_start_1:
0x0: {  	(tag) =	ssettag $0x1  }
0x1: {  	s0 =	srdreg.scid;
	s5 =	rddreg [dreg:$0x0]  }
0x2: {  	s1 =	stileid.u32;
	s6 =	simm.s32 $0x1;
	s9 =	simm.s32 $0x1  }
0x3: {  	s10 =	simm.s32 $0x3;
	s13 =	simm.s32 $0x0;
	s2 =	sshll.u32 s0, $0xE  }
0x4: {  	s12 =	simm.s32 $0x0;
	s3 =	sshll.u32 s1, $0xF;
	s2 =	sand.u32 $0x4000, s2  }
0x5: {  	s0 =	rddreg [dreg:$0x1];
	_ =	strace $0x80000056;
	s2 =	sor.u32 s3, s2  }
0x6: {  	s4 =	sadd.s32 $0x60200, s5;
	[sflag:s6] =	ssyncpa.u1 $0x0;
	s8 =	ssub.s32 $0x100000, s2  }
.Ltmp0:
0x7: {  	s3 =	sadd.s32 $0x100600, s5;
	s7 =	sand.u32 $0x7C000, s8;
	(pc) =	sbr.rel .LBB2_1-.Ltmp0, $4  }
0x8: {  	s5 =	sadd.s32 $0x140600, s5;
	s11 =	smov.u32 s2;
	p0 =	sne.s32 s7, $0x0  }
0x9: {  	s8 =	sshrl.u32 s8, $0x13;
	s7 =	simm.s32 $0x2;
	s9 =	simm.s32 @!p0 $0x0  }
0xa: {  	[sflag:s7] =	ssyncpa.u1 $0x0;
	p0 =	por $0x0, $0x0;
	s8 =	sadd.s32 s9, s8  }
0xb: {  	vm0 =	vmmov $0xffff;
	[sflag:s10] =	ssyncpa.u1 $0x0;
	s10 =	simm.s32 $0x0;
	s9 =	sadd.s32 $0x1, s8  }
.LBB2_4:
0xc: {  	v3 =	vshrl.u32 v0, $0x2;
	v4 =	vshrl.u32 v0, $0xB;
	v1 =	vor.u32 v1, v2  }
0xd: {  	v62 =	vshll.u32 v0, $0x12;
	v60 =	vand.u32 $0x1FF, v3;
	v61 =	vand.u32 $0x1FF, v4  }
0xe: {  	v0 =	vand.u32 $0xC0000, v62;
	v2 =	vsel vm1, $0xFFFFFFFF, v60;
	v3 =	vsel vm1, $0xFFFFFFFF, v61  }
0xf: {  	v0 =	vsel vm1, $0xFFFC0000, v0;
	v63 =	vand.u32 $0x7F, v3;
	v5 =	vshll.u32 v2, $0x9  }
0x10: {  	v3 =	vshll.u32 v3, $0x3;
	v5 =	vand.u32 $0xFFFFF000, v5;
	v0 =	vor.u32 v0, v63  }
0x11: {  	v2 =	vshll.u32 v2, $0x7;
	v3 =	vand.u32 $0xFFFFFC00, v3;
	v0 =	vadd.s32 v5, v0  }
0x12: {  	v2 =	vand.u32 $0x380, v2;
	v0 =	vadd.s32 v3, v0  }
0x13: {  	v0 =	vor.u32 v2, v0;
	_ =	sdelay $0x1  }
0x14: {  	(ifvalue) =	ssetifvalue $0x7FFFFFFF;
	s14 =	sadd.s32 $0x10, s14  }
0x15: {  	[tilespmem:s14], [sflag:$0x1] =	stream.indirect_vreg.gather [hbm4b:s3+s10], $0x1, v1, vm0, $0x4038;
	[tilespmem:$0x10000] =	vst v63  }
0x16: {  	(ifvalue) =	ssetifvalue $0x7FFFFFFF;
	s14 =	sadd.s32 $0x10, s14  }
0x17: {  	[tilespmem:s14], [sflag:$0x1] =	stream.indirect_vreg.gather [hbm4b:s3+s10], $0x1, v0, vm0, $0x4038;
	[tilespmem:$0x10000] =	vst v63  }
0x18: {  	_ =	swait.ge [sflag:s6], $0x4000  }
0x19: {  	s30 =	sshrl.u32 s13, $0x3;
	[sflag:s6] =	ssyncset.done $0x0  }
0x1a: {  	s31 =	sand.u32 $0x7, s13;
	s14 =	sadd.s32 s5, s30;
	[sflag:s6] =	ssyncadd.s32 $0xFFFFC000  }
0x1b: {  	[hbm4b:s14+s31] =	stream.linear.scatter [tilespmem:s15], [sflag:$0x3], $0x4000, $0x38;
	[tilespmem:$0x10000] =	vst v63  }
.LBB2_5:
0x1c: {  	s15 =	sadd.s32 $0x80000, s11  }
0x1d: {  	p2 =	sgt.s32 s15, $0xFFFFF  }
0x1e: {  	s15 =	smov.u32 @p2 s2;
	p2 =	sne.s32 s12, s9  }
.Ltmp1:
0x1f: {  	p1 =	slt.u32 s12, $0x2;
	(pc) =	sbr.rel @!p2 .LBB2_6-.Ltmp1, $4  }
0x20: {  	s14 =	simm.s32 @!p1 $0x3  }
0x21: {  	s16 =	sadd.s32 $0x1, s12;
	_ =	swait.ge @!p1 [sflag:s14], $0x4000  }
0x22: {  	s13 =	smov.u32 s11;
	p0 =	por !p0, !p0;
	[sflag:s14] =	ssyncset.done @!p1 $0x0  }
0x23: {  	s12 =	smov.u32 s16;
	s11 =	smov.u32 s15;
	[sflag:s14] =	ssyncadd.s32 @!p1 $0xFFFFC000  }
.LBB2_1:
0x24: {  	p1 =	sge.u32 s12, s8  }
0x25: {  	s14 =	sxor.u32 @!p1 $0xFFFFFFFF, s12  }
0x26: {  	s31 =	sadd.s32 $0xFFFFFFFF, s12;
	s15 =	sshrl.u32 @!p1 s11, $0x3;
	s14 =	sshll.u32 @!p1 s14, $0xE  }
0x27: {  	s16 =	sand.u32 @!p1 $0x7, s11;
	s15 =	sadd.s32 @!p1 s4, s15;
	s14 =	sand.u32 @!p1 $0x4000, s14  }
0x28: {  	[tilespmem:s14], [sflag:$0x2] =	stream.linear.gather @!p1 [hbm4b:s15+s16], $0x4000, $0x38;
	[tilespmem:$0x10000] =	vst v63  }
0x29: {  	p1 =	sge.u32 s31, s8  }
.Ltmp2:
0x2a: {  	_ = 	snop;
	(pc) =	sbr.rel @p1 .LBB2_5-.Ltmp2, $1  }
0x2b: {  	_ =	sdelay $0x3  }
0x2c: {  	s14 =	simm.s32 $0x1  }
0x2d: {  	_ =	swait.ge [sflag:s7], $0x4000;
	s14 =	simm.s32 @!p0 $0x0  }
0x2e: {  	[sflag:s7] =	ssyncset.done $0x0;
	s14 =	sshll.u32 s14, $0xE  }
0x2f: {  	[sflag:s7] =	ssyncadd.s32 $0xFFFFC000;
	(ifvalue) =	ssetifvalue $0x7FFFFFFF;
	v0 =	vld.msk [tilespmem:s14+$0x0 ss:$0x1], $0xffff;
	_ =	sdelay $0x4  }
0x30: {  	s15 =	sadd.s32 $0x10, s14;
	vm1 =	veq.s32 v0, $0x80000000;
	v1 =	vshrl.u32 v0, $0x2;
	v2 =	vshrl.u32 v0, $0xB  }
0x31: {  	v3 =	vld.msk [tilespmem:s15+$0x0 ss:$0x1], $0xffff;
	v0 =	vshll.u32 v0, $0x12;
	v1 =	vand.u32 $0x1FF, v1;
	v2 =	vand.u32 $0x1FF, v2  }
0x32: {  	v0 =	vand.u32 $0xC0000, v0;
	v1 =	vsel vm1, $0xFFFFFFFF, v1;
	v2 =	vsel vm1, $0xFFFFFFFF, v2  }
0x33: {  	v0 =	vsel vm1, $0xFFFC0000, v0;
	v4 =	vand.u32 $0x7F, v2;
	v5 =	vshll.u32 v1, $0x9  }
0x34: {  	v2 =	vshll.u32 v2, $0x3;
	v5 =	vand.u32 $0xFFFFF000, v5;
	v0 =	vor.u32 v0, v4  }
0x35: {  	v1 =	vshll.u32 v1, $0x7;
	v2 =	vand.u32 $0xFFFFFC00, v2;
	v0 =	vadd.s32 v5, v0  }
0x36: {  	v62 =	vshrl.u32 v3, $0xB;
	v1 =	vand.u32 $0x380, v1;
	v0 =	vadd.s32 v2, v0  }
0x37: {  	s17 =	sadd.s32 $0x10, s15;
	vm1 =	veq.s32 v3, $0x80000000;
	v2 =	vshrl.u32 v3, $0x2;
	v1 =	vor.u32 v1, v0  }
0x38: {  	v4 =	vand.u32 $0x1FF, v62;
	v3 =	vshll.u32 v3, $0x12;
	v0 =	vld.msk [tilespmem:s17+$0x0 ss:$0x1], $0xffff;
	v2 =	vand.u32 $0x1FF, v2  }
0x39: {  	v4 =	vsel vm1, $0xFFFFFFFF, v4;
	v3 =	vand.u32 $0xC0000, v3;
	v2 =	vsel vm1, $0xFFFFFFFF, v2  }
0x3a: {  	s31 =	sshll.u32 s12, $0xE;
	v63 =	vand.u32 $0x7F, v4;
	v3 =	vsel vm1, $0xFFFC0000, v3;
	v6 =	vshll.u32 v2, $0x9  }
0x3b: {  	s14 =	sor.u32 $0x8000, s14;
	s15 =	sand.u32 $0x4000, s31;
	v4 =	vshll.u32 v4, $0x3;
	(ifvalue) =	ssetifvalue $0x7FFFFFFF;
	v3 =	vor.u32 v3, v63;
	v6 =	vand.u32 $0xFFFFF000, v6  }
0x3c: {  	v4 =	vand.u32 $0xFFFFFC00, v4;
	[tilespmem:s14], [sflag:$0x1] =	stream.indirect_vreg.gather [hbm4b:s3+s10], $0x1, v1, vm0, $0x4038;
	v1 =	vshll.u32 v2, $0x7;
	v2 =	vadd.s32 v6, v3;
	[tilespmem:$0x10000] =	vst v63  }
0x3d: {  	s16 =	simm.s32 $0x20;
	s15 =	sor.u32 $0x8000, s15;
	s17 =	sadd.s32 $0x10, s17;
	vm1 =	veq.s32 v0, $0x80000000;
	v1 =	vand.u32 $0x380, v1;
	v2 =	vadd.s32 v4, v2  }
.LBB2_3:
0x3e: {  	v3 =	vld.msk [tilespmem:s17+$0x0 ss:$0x1], $0xffff;
	v4 =	vshrl.u32 v0, $0x2;
	v5 =	vshrl.u32 v0, $0xB;
	v1 =	vor.u32 v1, v2;
	s16 =	sadd.s32 $0x10, s16  }
0x3f: {  	v0 =	vshll.u32 v0, $0x12;
	v2 =	vand.u32 $0x1FF, v4;
	v4 =	vand.u32 $0x1FF, v5;
	p1 =	slt.u32 s16, $0x3FF0  }
.Ltmp3:
0x40: {  	v0 =	vand.u32 $0xC0000, v0;
	v2 =	vsel vm1, $0xFFFFFFFF, v2;
	v4 =	vsel vm1, $0xFFFFFFFF, v4;
	(pc) =	sbr.rel @p1 .LBB2_3-.Ltmp3, $4  }
0x41: {  	v0 =	vsel vm1, $0xFFFC0000, v0;
	v5 =	vand.u32 $0x7F, v4;
	v6 =	vshll.u32 v2, $0x9  }
0x42: {  	s14 =	sadd.s32 $0x10, s14;
	v4 =	vshll.u32 v4, $0x3;
	v6 =	vand.u32 $0xFFFFF000, v6;
	v7 =	vor.u32 v0, v5;
	(ifvalue) =	ssetifvalue $0x7FFFFFFF  }
0x43: {  	v2 =	vshll.u32 v2, $0x7;
	v4 =	vand.u32 $0xFFFFFC00, v4;
	v5 =	vadd.s32 v6, v7;
	[tilespmem:s14], [sflag:$0x1] =	stream.indirect_vreg.gather [hbm4b:s3+s10], $0x1, v1, vm0, $0x4038;
	[tilespmem:$0x10000] =	vst v63  }
0x44: {  	s17 =	sadd.s32 $0x10, s17;
	vm1 =	veq.s32 v3, $0x80000000;
	v1 =	vand.u32 $0x380, v2;
	v0 =	vmovc v3;
	v2 =	vadd.s32 v4, v5  }
.Ltmp4:
0x45: {  	_ = 	snop;
	(pc) =	sbr.rel .LBB2_4-.Ltmp4, $1  }
0x46: {  	_ =	sdelay $0x3  }
.LBB2_6:
0x47: {  	_ =	sfence.sel $0x180000  }
0x48: {  	s2 =	simm.s32 $0x2;
	[bflag:$0x0] =	sbarrier.arrive $0xFFFF  }
0x49: {  	s30 =	simm.s32 $0x3;
	[sflag:s2] =	ssyncpa.u1 $0x1  }
0x4a: {  	s31 =	simm.s32 $0x1;
	[sflag:s30] =	ssyncpa.u1 $0x1  }
0x4b: {  	[sflag:s31] =	ssyncpa.u1 $0x1  }
0x4c: {  	p0 =	sne.s32 s1, $0x0;
	_ =	strace $0x90000056  }
0x4d: {  	s0 =	sadd.s32 @!p0 $0x100000, s0;
	[bflag:$0x2] =	sbarrier.arrive $0xFFFF  }
0x4e: {  	[sflag:s0] =	ssyncadd.tile.s32 @!p0 $0x1;
	_ =	shalt  }
.Lfunc_end2:
_tile_overlayer_lowered:
.L_overlay_start_2:
0x4f: {  	(tag) =	ssettag $0x2  }
0x50: {  	s0 =	rddreg [dreg:$0x0];
	s2 =	stileid.u32  }
0x51: {  	s1 =	rddreg [dreg:$0x1];
	p0 =	sne.s32 s2, $0x0  }
0x52: {  	s3 =	rddreg [dreg:$0x2];
	[bflag:$0x3] =	sbarrier.arrive $0xFFFF;
	s2 =	simm.s32 @!p0 $0x1C01  }
0x53: {  	[timem:s3], [sflag:s2] =	dma.local @!p0 [hbm:s0], s1  }
0x54: {  	s0 =	simm.s32 @!p0 $0x1  }
0x55: {  	_ =	swait.ge @!p0 [sflag:s0], s1  }
0x56: {  	s1 =	ssub.s32 @!p0 $0x0, s1;
	[sflag:s0] =	ssyncset.done @!p0 $0x0  }
0x57: {  	[sflag:s0] =	ssyncadd.s32 @!p0 s1  }
0x58: {  	[bflag:$0x3] =	sbarrier.arrive $0xFFFF  }
0x59: {  	_ =	shalt  }

// kernel: gather_offload_async_start.7
scs
__scs_entry_jumppad:
0x0: {  	(pc) =	sbr.rel $0x88, $3  }
0x1: {  	(tag) =	ssettag $0x0;
	lr =	simm.s32 $0x1  }
0x2: {  	[smem:$0x3F9E] =	sst lr;
	_ =	strace $0xD0000000  }
0x3: {  	_ = 	snop  }
0x4: {  	_ = 	snop  }
0x5: {  	_ = 	snop  }
0x6: {  	_ = 	snop  }
0x7: {  	_ = 	snop  }
__scs_overlays_trampoline_lowered:
0x8: {  	[smem:$0x3FAD] =	sst s0  }
0x9: {  	[smem:$0x3FAE] =	sst s1  }
0xa: {  	[smem:$0x3FAF] =	sst s2  }
0xb: {  	[smem:$0x3FB0] =	sst s3  }
0xc: {  	[smem:$0x3FB1] =	sst s4  }
0xd: {  	[smem:$0x3FB2] =	sst s5  }
0xe: {  	[smem:$0x3FB3] =	sst s6  }
0xf: {  	[smem:$0x3FB4] =	sst s7  }
0x10: {  	[smem:$0x3FB5] =	sst s8  }
0x11: {  	[smem:$0x3FB6] =	sst s9;
	s0 =	simm.s32 @!p0 $0x0  }
0x12: {  	s1 =	sld [smem:$0x3F9C];
	s0 =	simm.s32 @p0 $0x1  }
0x13: {  	[smem:$0x3FB7] =	sst s0;
	s0 =	simm.s32 @!p1 $0x0  }
0x14: {  	s2 =	sld [smem:$0x3F9B];
	s0 =	simm.s32 @p1 $0x1  }
0x15: {  	[smem:$0x3FB8] =	sst s0;
	s0 =	simm.s32 @!p2 $0x0  }
0x16: {  	s3 =	sld [smem:$0x3FDB];
	s0 =	simm.s32 @p2 $0x1  }
0x17: {  	s4 =	simm.s32 $0x1BF5;
	[smem:$0x3FBA] =	sst s0  }
0x18: {  	s0 =	sld [smem:$0x3F9D];
	_ =	swait.ge [sflag:s4], $0x0  }
0x19: {  	s7 =	sld [smem:$0x3F9E]  }
0x1a: {  	s8 =	sadd.s32 $0xFFFFE003, lr  }
0x1b: {  	s9 =	sadd.s32 $0xFFFFFEF7, lr;
	s5 =	simm.s32 $0xFFFFFFFF;
	p2 =	slt.u32 s8, $0xFFFFF086  }
0x1c: {  	p1 =	slt.u32 s9, $0xF7A;
	s5 =	simm.s32 @!p2 $0x0  }
0x1d: {  	s5 =	simm.s32 @p1 $0x1;
	p0 =	seq.s32 s7, s2  }
0x1e: {  	s7 =	smul.u32 @!p0 $0xF7A, s2;
	p2 =	seq.s32 @!p0 s5, $0x0  }
0x1f: {  	s9 =	smul.u32 $0xF7A, s1;
	s8 =	simm.s32 @!p0 $0x1BF5;
	p2 =	por !p2, p0  }
0x20: {  	[sflag:s8] =	ssyncset.s32 @!p0 $0xFFFFF086;
	s6 =	sadd.s32 @!p0 s3, s7;
	s7 =	simm.s32 @!p0 $0x108  }
0x21: {  	s3 =	sadd.s32 s3, s9;
	s6 =	sadd.s32 @!p0 $0x88, s6;
	s7 =	simm.s32 @p2 $0x1082  }
0x22: {  	[simem:s7], [sflag:s8] =	dma.local @!p0 [hbm:s6], $0xF7A  }
0x23: {  	s9 =	sor.u32 $0xD0000000, s2;
	s6 =	simm.s32 $0x108;
	_ =	swait.ge @!p0 [sflag:s8], $0x0  }
0x24: {  	s3 =	sadd.s32 $0x88, s3;
	s6 =	simm.s32 @!p1 $0x1082;
	[sflag:s4] =	ssyncset.s32 $0xFFFFF086  }
0x25: {  	[simem:s6], [sflag:s4] =	dma.local [hbm:s3], $0xF7A  }
0x26: {  	[smem:$0x3F9E] =	sst s1;
	(tag) =	ssettag s2;
	_ =	strace s9  }
0x27: {  	s1 =	sld [smem:$0x3FAE]  }
0x28: {  	s2 =	sld [smem:$0x3FAF]  }
0x29: {  	s4 =	sld [smem:$0x3FB1]  }
0x2a: {  	p0 =	seq.s32 s5, $0x0;
	s5 =	sld [smem:$0x3FB2]  }
0x2b: {  	s6 =	sld [smem:$0x3FB3]  }
0x2c: {  	s7 =	sld [smem:$0x3FB4]  }
0x2d: {  	s3 =	simm.s32 $0x108;
	s8 =	sld [smem:$0x3FB5]  }
0x2e: {  	s3 =	simm.s32 @!p0 $0x1082;
	s9 =	sld [smem:$0x3FB6]  }
0x2f: {  	lr =	sadd.s32 s0, s3;
	s0 =	sld [smem:$0x3FAD]  }
0x30: {  	s3 =	sld [smem:$0x3FB0]  }
0x31: {  	[smem:$0x3FB9] =	sst s10  }
0x32: {  	s10 =	sld [smem:$0x3FB7];
	_ =	sdelay $0x3  }
0x33: {  	p0 =	seq.s32 s10, $0x1;
	s10 =	sld [smem:$0x3FB9];
	_ =	sdelay $0x3  }
0x34: {  	[smem:$0x3FB9] =	sst s10  }
0x35: {  	s10 =	sld [smem:$0x3FB8];
	_ =	sdelay $0x3  }
0x36: {  	p1 =	seq.s32 s10, $0x1;
	s10 =	sld [smem:$0x3FB9];
	_ =	sdelay $0x3  }
0x37: {  	[smem:$0x3FB9] =	sst s10  }
0x38: {  	s10 =	sld [smem:$0x3FBA]  }
0x39: {  	_ = 	snop;
	(pc) =	sbr.ind lr, $3  }
0x3a: {  	_ = 	snop  }
0x3b: {  	_ = 	snop  }
0x3c: {  	p2 =	seq.s32 s10, $0x1;
	s10 =	sld [smem:$0x3FB9]  }
0x3d: {  	_ =	shalt  }
0x3e: {  	_ =	shalt  }
0x3f: {  	_ =	shalt  }
0x40: {  	_ =	shalt  }
0x41: {  	_ =	shalt  }
0x42: {  	_ =	shalt  }
0x43: {  	_ =	shalt  }
0x44: {  	_ =	shalt  }
0x45: {  	_ =	shalt  }
0x46: {  	_ =	shalt  }
0x47: {  	_ =	shalt  }
0x48: {  	_ =	shalt  }
0x49: {  	_ =	shalt  }
0x4a: {  	_ =	shalt  }
0x4b: {  	_ =	shalt  }
0x4c: {  	_ =	shalt  }
0x4d: {  	_ =	shalt  }
0x4e: {  	_ =	shalt  }
0x4f: {  	_ =	shalt  }
0x50: {  	_ =	shalt  }
0x51: {  	_ =	shalt  }
0x52: {  	_ =	shalt  }
0x53: {  	_ =	shalt  }
0x54: {  	_ =	shalt  }
0x55: {  	_ =	shalt  }
0x56: {  	_ =	shalt  }
0x57: {  	_ =	shalt  }
0x58: {  	_ =	shalt  }
0x59: {  	_ =	shalt  }
0x5a: {  	_ =	shalt  }
0x5b: {  	_ =	shalt  }
0x5c: {  	_ =	shalt  }
0x5d: {  	_ =	shalt  }
0x5e: {  	_ =	shalt  }
0x5f: {  	_ =	shalt  }
0x60: {  	_ =	shalt  }
0x61: {  	_ =	shalt  }
0x62: {  	_ =	shalt  }
0x63: {  	_ =	shalt  }
0x64: {  	_ =	shalt  }
0x65: {  	_ =	shalt  }
0x66: {  	_ =	shalt  }
0x67: {  	_ =	shalt  }
0x68: {  	_ =	shalt  }
0x69: {  	_ =	shalt  }
0x6a: {  	_ =	shalt  }
0x6b: {  	_ =	shalt  }
0x6c: {  	_ =	shalt  }
0x6d: {  	_ =	shalt  }
0x6e: {  	_ =	shalt  }
0x6f: {  	_ =	shalt  }
0x70: {  	_ =	shalt  }
0x71: {  	_ =	shalt  }
0x72: {  	_ =	shalt  }
0x73: {  	_ =	shalt  }
0x74: {  	_ =	shalt  }
0x75: {  	_ =	shalt  }
0x76: {  	_ =	shalt  }
0x77: {  	_ =	shalt  }
0x78: {  	_ =	shalt  }
0x79: {  	_ =	shalt  }
0x7a: {  	_ =	shalt  }
0x7b: {  	_ =	shalt  }
0x7c: {  	_ =	shalt  }
0x7d: {  	_ =	shalt  }
0x7e: {  	_ =	shalt  }
0x7f: {  	_ =	shalt  }
0x80: {  	_ =	shalt  }
0x81: {  	_ =	shalt  }
0x82: {  	_ =	shalt  }
0x83: {  	_ =	shalt  }
0x84: {  	_ =	shalt  }
0x85: {  	_ =	shalt  }
0x86: {  	_ =	shalt  }
0x87: {  	_ =	shalt  }
.Lfunc_end0:
.L_simem_size_0:
called_computation.7_lowered:
.L_overlay_start_0:
0x88: {  	s2 =	sld [smem:$0x3FD9]  }
0x89: {  	s3 =	sld [smem:$0x3FFE];
	_ =	sdelay $0x1  }
0x8a: {  	s1 =	srdreg.scid  }
0x8b: {  	s0 =	sand.u32 $0x1, s1  }
0x8c: {  	s17 =	sshll.u32 s0, $0xA;
	s2 =	sadd.s32 s3, s2  }
0x8d: {  	s2 =	sadd.s32 s2, s17  }
0x8e: {  	[smem:$0x3FC5] =	sst s2  }
0x8f: {  	_ = 	snop  }
0x90: {  	(tm) =	ssettm $0x1  }
0x91: {  	s18 =	sld [smem:$0x3FFB];
	_ =	sdelay $0x3  }
0x92: {  	_ =	strace s18  }
0x93: {  	s2 =	sld [smem:$0x3FFC];
	_ =	sdelay $0x3  }
0x94: {  	_ =	strace s2  }
0x95: {  	s2 =	sld [smem:$0x3FFD];
	_ =	sdelay $0x3  }
0x96: {  	_ =	strace s2  }
0x97: {  	_ =	strace $0x8FFFFFFF  }
0x98: {  	s19 =	sld [smem:$0x3FDB];
	_ =	sdelay $0x1  }
0x99: {  	s20 =	simm.s32 $_scs_section_size  }
0x9a: {  	s4 =	simm.s32 $_size__tile_overlayer_lowered;
	s5 =	simm.s32 $_tile_overlayer_lowered  }
0x9b: {  	s6 =	simm.s32 $0x1BFF;
	s21 =	sshll.u32 s5, $0x1;
	s3 =	sadd.s32 s20, s19  }
0x9c: {  	s22 =	simm.s32 $0x0;
	s4 =	sshll.u32 s4, $0x1;
	s5 =	sadd.s32 s21, s3  }
0x9d: {  	[timem:s22], [sflag:s6] =	dma.local [hbm:s5], s4  }
0x9e: {  	_ =	swait.ge [sflag:s6], s4  }
0x9f: {  	s4 =	ssub.s32 $0x0, s4;
	[sflag:s6] =	ssyncset.done $0x0  }
0xa0: {  	[sflag:s6] =	ssyncadd.s32 s4;
	_ =	sdelay $0x1  }
0xa1: {  	s23 =	simm.s32 $0x1B8B  }
0xa2: {  	_ =	swait.ge [sflag:s23], $0x1  }
0xa3: {  	[sflag:s23] =	ssyncset.done $0x0  }
0xa4: {  	[sflag:s23] =	ssyncadd.s32 $0xFFFFFFFF  }
0xa5: {  	s4 =	sld [smem:$0x0]  }
0xa6: {  	s5 =	sand.u32 $0xFFFFFFFE, s1  }
0xa7: {  	p0 =	sne.s32 s1, s5  }
0xa8: {  	s5 =	sshll.u32 @p0 s5, $0xE  }
0xa9: {  	s5 =	sadd.s32 @p0 $0x11B8D, s5;
	s6 =	sshll.u32 @p0 s4, $0x11  }
0xaa: {  	s5 =	sor.u32 @p0 s6, s5  }
0xab: {  	[sflag:s5] =	ssyncadd.remote.s32 @p0 $0x1;
	_ =	sdelay $0x1  }
0xac: {  	s5 =	simm.s32 @p0 $0x1B8D  }
0xad: {  	_ =	swait.eq @p0 [sflag:s5], $0x1  }
0xae: {  	[sflag:s5] =	ssyncadd.s32 @p0 $0xFFFFFFFF  }
0xaf: {  	s6 =	sshll.u32 @!p0 s1, $0xE  }
0xb0: {  	s6 =	sor.u32 @!p0 $0x4000, s6;
	s5 =	simm.s32 @!p0 $0x1B8D  }
0xb1: {  	s4 =	sshll.u32 @!p0 s4, $0x11;
	s6 =	sadd.s32 @!p0 $0x11B8D, s6;
	_ =	swait.eq @!p0 [sflag:s5], $0x1  }
0xb2: {  	s4 =	sor.u32 @!p0 s4, s6;
	[sflag:s5] =	ssyncadd.s32 @!p0 $0xFFFFFFFF  }
0xb3: {  	s25 =	simm.s32 $0x1B8E;
	s24 =	sld [smem:$0x3FFE];
	[sflag:s4] =	ssyncadd.remote.s32 @!p0 $0x1  }
0xb4: {  	s26 =	simm.s32 $execute0_lowered;
	[smem:$0x3FD2] =	sst s25  }
0xb5: {  	s5 =	sshll.u32 s26, $0x1;
	_ =	strace $0x80000058;
	[dreg:$0x1] =	wrdreg $0xFFFFFFFF  }
0xb6: {  	s28 =	simm.s32 $_size_execute0_lowered;
	s3 =	sadd.s32 s3, s5;
	[dreg:$0x0] =	wrdreg $0x0  }
0xb7: {  	s5 =	sshll.u32 s28, $0x1;
	[dreg:$0x2] =	wrdreg s3  }
0xb8: {  	[dreg:$0x3] =	wrdreg s5  }
0xb9: {  	[dreg:$0x4] =	wrdreg $0xC0  }
0xba: {  	_ =	task [dreg:s22], $0x5FFFF  }
0xbb: {  	[dreg:$0x1] =	wrdreg $0xFFFFFFFF  }
0xbc: {  	[dreg:$0x0] =	wrdreg $0x60  }
0xbd: {  	[dreg:$0x2] =	wrdreg s24  }
0xbe: {  	[dreg:$0x3] =	wrdreg $0xA  }
0xbf: {  	_ =	task.clear_ibuf [dreg:s22], $0x4FFFF;
	_ =	strace $0x90000058  }
0xc0: {  	s29 =	simm.s32 $0xA;
	_ =	strace $0x8000005A  }
0xc1: {  	_ =	swait.ge [sflag:s29], $0x1  }
0xc2: {  	[sflag:s29] =	ssyncadd.s32 $0xFFFFFFFF  }
0xc3: {  	_ =	strace $0x9000005A  }
0xc4: {  	_ =	sfence  }
0xc5: {  	s30 =	sld [smem:$0x0];
	_ =	sdelay $0x2  }
0xc6: {  	s31 =	sshll.u32 s1, $0xD;
	s1 =	sshrl.u32 s1, $0x2  }
0xc7: {  	s4 =	sand.u32 $0x4000, s31;
	s1 =	sadd.s32 s1, s30  }
0xc8: {  	s0 =	sor.u32 s4, s0;
	s1 =	sshll.u32 s1, $0x11  }
0xc9: {  	s0 =	sor.u32 s1, s0  }
0xca: {  	s0 =	sadd.s32 $0x8F2B, s0  }
0xcb: {  	[sflag:s0] =	ssyncadd.remote.s32 $0x1  }
0xcc: {  	_ =	sfence.sel $0xFFFF  }
0xcd: {  	[dreg:$0x0] =	wrdreg $0xFFFFFFFF;
	(pc) =	sbr.abs _section_cstart, $3  }
0xce: {  	[dreg:$0x1] =	wrdreg $0xFFFFFFFF  }
0xcf: {  	_ =	task.clear_ibuf [dreg:s22], $0x2FFFF;
	_ =	strace $0x9FFFFFFF  }
0xd0: {  	(tm) =	ssettm $0x7FFFFFFF  }
0xd1: {  	_ =	shalt  }
tec
execute0_lowered:
.L_overlay_start_1:
0x0: {  	(tag) =	ssettag $0x1  }
0x1: {  	s0 =	srdreg.scid;
	s5 =	rddreg [dreg:$0x0]  }
0x2: {  	s1 =	stileid.u32;
	s6 =	simm.s32 $0x1;
	s9 =	simm.s32 $0x1  }
0x3: {  	s10 =	simm.s32 $0x3;
	s13 =	simm.s32 $0x0;
	s2 =	sshll.u32 s0, $0xE  }
0x4: {  	s12 =	simm.s32 $0x0;
	s3 =	sshll.u32 s1, $0xF;
	s2 =	sand.u32 $0x4000, s2  }
0x5: {  	s0 =	rddreg [dreg:$0x1];
	_ =	strace $0x80000059;
	s2 =	sor.u32 s3, s2  }
0x6: {  	s4 =	sadd.s32 $0x80200, s5;
	[sflag:s6] =	ssyncpa.u1 $0x0;
	s8 =	ssub.s32 $0x100000, s2  }
.Ltmp0:
0x7: {  	s3 =	sadd.s32 $0x100600, s5;
	s7 =	sand.u32 $0x7C000, s8;
	(pc) =	sbr.rel .LBB2_1-.Ltmp0, $4  }
0x8: {  	s5 =	sadd.s32 $0x120600, s5;
	s11 =	smov.u32 s2;
	p0 =	sne.s32 s7, $0x0  }
0x9: {  	s8 =	sshrl.u32 s8, $0x13;
	s7 =	simm.s32 $0x2;
	s9 =	simm.s32 @!p0 $0x0  }
0xa: {  	[sflag:s7] =	ssyncpa.u1 $0x0;
	p0 =	por $0x0, $0x0;
	s8 =	sadd.s32 s9, s8  }
0xb: {  	vm0 =	vmmov $0xffff;
	[sflag:s10] =	ssyncpa.u1 $0x0;
	s10 =	simm.s32 $0x0;
	s9 =	sadd.s32 $0x1, s8  }
.LBB2_4:
0xc: {  	v3 =	vshrl.u32 v0, $0x2;
	v4 =	vshrl.u32 v0, $0xB;
	v1 =	vor.u32 v1, v2  }
0xd: {  	v62 =	vshll.u32 v0, $0x12;
	v60 =	vand.u32 $0x1FF, v3;
	v61 =	vand.u32 $0x1FF, v4  }
0xe: {  	v0 =	vand.u32 $0xC0000, v62;
	v2 =	vsel vm1, $0xFFFFFFFF, v60;
	v3 =	vsel vm1, $0xFFFFFFFF, v61  }
0xf: {  	v0 =	vsel vm1, $0xFFFC0000, v0;
	v63 =	vand.u32 $0x7F, v3;
	v5 =	vshll.u32 v2, $0x9  }
0x10: {  	v3 =	vshll.u32 v3, $0x3;
	v5 =	vand.u32 $0xFFFFF000, v5;
	v0 =	vor.u32 v0, v63  }
0x11: {  	v2 =	vshll.u32 v2, $0x7;
	v3 =	vand.u32 $0xFFFFFC00, v3;
	v0 =	vadd.s32 v5, v0  }
0x12: {  	v2 =	vand.u32 $0x380, v2;
	v0 =	vadd.s32 v3, v0  }
0x13: {  	v0 =	vor.u32 v2, v0;
	_ =	sdelay $0x1  }
0x14: {  	(ifvalue) =	ssetifvalue $0x7FFFFFFF;
	s14 =	sadd.s32 $0x10, s14  }
0x15: {  	[tilespmem:s14], [sflag:$0x1] =	stream.indirect_vreg.gather [hbm4b:s3+s10], $0x1, v1, vm0, $0x4038;
	[tilespmem:$0x10000] =	vst v63  }
0x16: {  	(ifvalue) =	ssetifvalue $0x7FFFFFFF;
	s14 =	sadd.s32 $0x10, s14  }
0x17: {  	[tilespmem:s14], [sflag:$0x1] =	stream.indirect_vreg.gather [hbm4b:s3+s10], $0x1, v0, vm0, $0x4038;
	[tilespmem:$0x10000] =	vst v63  }
0x18: {  	_ =	swait.ge [sflag:s6], $0x4000  }
0x19: {  	s30 =	sshrl.u32 s13, $0x3;
	[sflag:s6] =	ssyncset.done $0x0  }
0x1a: {  	s31 =	sand.u32 $0x7, s13;
	s14 =	sadd.s32 s5, s30;
	[sflag:s6] =	ssyncadd.s32 $0xFFFFC000  }
0x1b: {  	[hbm4b:s14+s31] =	stream.linear.scatter [tilespmem:s15], [sflag:$0x3], $0x4000, $0x38;
	[tilespmem:$0x10000] =	vst v63  }
.LBB2_5:
0x1c: {  	s15 =	sadd.s32 $0x80000, s11  }
0x1d: {  	p2 =	sgt.s32 s15, $0xFFFFF  }
0x1e: {  	s15 =	smov.u32 @p2 s2;
	p2 =	sne.s32 s12, s9  }
.Ltmp1:
0x1f: {  	p1 =	slt.u32 s12, $0x2;
	(pc) =	sbr.rel @!p2 .LBB2_6-.Ltmp1, $4  }
0x20: {  	s14 =	simm.s32 @!p1 $0x3  }
0x21: {  	s16 =	sadd.s32 $0x1, s12;
	_ =	swait.ge @!p1 [sflag:s14], $0x4000  }
0x22: {  	s13 =	smov.u32 s11;
	p0 =	por !p0, !p0;
	[sflag:s14] =	ssyncset.done @!p1 $0x0  }
0x23: {  	s12 =	smov.u32 s16;
	s11 =	smov.u32 s15;
	[sflag:s14] =	ssyncadd.s32 @!p1 $0xFFFFC000  }
.LBB2_1:
0x24: {  	p1 =	sge.u32 s12, s8  }
0x25: {  	s14 =	sxor.u32 @!p1 $0xFFFFFFFF, s12  }
0x26: {  	s31 =	sadd.s32 $0xFFFFFFFF, s12;
	s15 =	sshrl.u32 @!p1 s11, $0x3;
	s14 =	sshll.u32 @!p1 s14, $0xE  }
0x27: {  	s16 =	sand.u32 @!p1 $0x7, s11;
	s15 =	sadd.s32 @!p1 s4, s15;
	s14 =	sand.u32 @!p1 $0x4000, s14  }
0x28: {  	[tilespmem:s14], [sflag:$0x2] =	stream.linear.gather @!p1 [hbm4b:s15+s16], $0x4000, $0x38;
	[tilespmem:$0x10000] =	vst v63  }
0x29: {  	p1 =	sge.u32 s31, s8  }
.Ltmp2:
0x2a: {  	_ = 	snop;
	(pc) =	sbr.rel @p1 .LBB2_5-.Ltmp2, $1  }
0x2b: {  	_ =	sdelay $0x3  }
0x2c: {  	s14 =	simm.s32 $0x1  }
0x2d: {  	_ =	swait.ge [sflag:s7], $0x4000;
	s14 =	simm.s32 @!p0 $0x0  }
0x2e: {  	[sflag:s7] =	ssyncset.done $0x0;
	s14 =	sshll.u32 s14, $0xE  }
0x2f: {  	[sflag:s7] =	ssyncadd.s32 $0xFFFFC000;
	(ifvalue) =	ssetifvalue $0x7FFFFFFF;
	v0 =	vld.msk [tilespmem:s14+$0x0 ss:$0x1], $0xffff;
	_ =	sdelay $0x4  }
0x30: {  	s15 =	sadd.s32 $0x10, s14;
	vm1 =	veq.s32 v0, $0x80000000;
	v1 =	vshrl.u32 v0, $0x2;
	v2 =	vshrl.u32 v0, $0xB  }
0x31: {  	v3 =	vld.msk [tilespmem:s15+$0x0 ss:$0x1], $0xffff;
	v0 =	vshll.u32 v0, $0x12;
	v1 =	vand.u32 $0x1FF, v1;
	v2 =	vand.u32 $0x1FF, v2  }
0x32: {  	v0 =	vand.u32 $0xC0000, v0;
	v1 =	vsel vm1, $0xFFFFFFFF, v1;
	v2 =	vsel vm1, $0xFFFFFFFF, v2  }
0x33: {  	v0 =	vsel vm1, $0xFFFC0000, v0;
	v4 =	vand.u32 $0x7F, v2;
	v5 =	vshll.u32 v1, $0x9  }
0x34: {  	v2 =	vshll.u32 v2, $0x3;
	v5 =	vand.u32 $0xFFFFF000, v5;
	v0 =	vor.u32 v0, v4  }
0x35: {  	v1 =	vshll.u32 v1, $0x7;
	v2 =	vand.u32 $0xFFFFFC00, v2;
	v0 =	vadd.s32 v5, v0  }
0x36: {  	v62 =	vshrl.u32 v3, $0xB;
	v1 =	vand.u32 $0x380, v1;
	v0 =	vadd.s32 v2, v0  }
0x37: {  	s17 =	sadd.s32 $0x10, s15;
	vm1 =	veq.s32 v3, $0x80000000;
	v2 =	vshrl.u32 v3, $0x2;
	v1 =	vor.u32 v1, v0  }
0x38: {  	v4 =	vand.u32 $0x1FF, v62;
	v3 =	vshll.u32 v3, $0x12;
	v0 =	vld.msk [tilespmem:s17+$0x0 ss:$0x1], $0xffff;
	v2 =	vand.u32 $0x1FF, v2  }
0x39: {  	v4 =	vsel vm1, $0xFFFFFFFF, v4;
	v3 =	vand.u32 $0xC0000, v3;
	v2 =	vsel vm1, $0xFFFFFFFF, v2  }
0x3a: {  	s31 =	sshll.u32 s12, $0xE;
	v63 =	vand.u32 $0x7F, v4;
	v3 =	vsel vm1, $0xFFFC0000, v3;
	v6 =	vshll.u32 v2, $0x9  }
0x3b: {  	s14 =	sor.u32 $0x8000, s14;
	s15 =	sand.u32 $0x4000, s31;
	v4 =	vshll.u32 v4, $0x3;
	(ifvalue) =	ssetifvalue $0x7FFFFFFF;
	v3 =	vor.u32 v3, v63;
	v6 =	vand.u32 $0xFFFFF000, v6  }
0x3c: {  	v4 =	vand.u32 $0xFFFFFC00, v4;
	[tilespmem:s14], [sflag:$0x1] =	stream.indirect_vreg.gather [hbm4b:s3+s10], $0x1, v1, vm0, $0x4038;
	v1 =	vshll.u32 v2, $0x7;
	v2 =	vadd.s32 v6, v3;
	[tilespmem:$0x10000] =	vst v63  }
0x3d: {  	s16 =	simm.s32 $0x20;
	s15 =	sor.u32 $0x8000, s15;
	s17 =	sadd.s32 $0x10, s17;
	vm1 =	veq.s32 v0, $0x80000000;
	v1 =	vand.u32 $0x380, v1;
	v2 =	vadd.s32 v4, v2  }
.LBB2_3:
0x3e: {  	v3 =	vld.msk [tilespmem:s17+$0x0 ss:$0x1], $0xffff;
	v4 =	vshrl.u32 v0, $0x2;
	v5 =	vshrl.u32 v0, $0xB;
	v1 =	vor.u32 v1, v2;
	s16 =	sadd.s32 $0x10, s16  }
0x3f: {  	v0 =	vshll.u32 v0, $0x12;
	v2 =	vand.u32 $0x1FF, v4;
	v4 =	vand.u32 $0x1FF, v5;
	p1 =	slt.u32 s16, $0x3FF0  }
.Ltmp3:
0x40: {  	v0 =	vand.u32 $0xC0000, v0;
	v2 =	vsel vm1, $0xFFFFFFFF, v2;
	v4 =	vsel vm1, $0xFFFFFFFF, v4;
	(pc) =	sbr.rel @p1 .LBB2_3-.Ltmp3, $4  }
0x41: {  	v0 =	vsel vm1, $0xFFFC0000, v0;
	v5 =	vand.u32 $0x7F, v4;
	v6 =	vshll.u32 v2, $0x9  }
0x42: {  	s14 =	sadd.s32 $0x10, s14;
	v4 =	vshll.u32 v4, $0x3;
	v6 =	vand.u32 $0xFFFFF000, v6;
	v7 =	vor.u32 v0, v5;
	(ifvalue) =	ssetifvalue $0x7FFFFFFF  }
0x43: {  	v2 =	vshll.u32 v2, $0x7;
	v4 =	vand.u32 $0xFFFFFC00, v4;
	v5 =	vadd.s32 v6, v7;
	[tilespmem:s14], [sflag:$0x1] =	stream.indirect_vreg.gather [hbm4b:s3+s10], $0x1, v1, vm0, $0x4038;
	[tilespmem:$0x10000] =	vst v63  }
0x44: {  	s17 =	sadd.s32 $0x10, s17;
	vm1 =	veq.s32 v3, $0x80000000;
	v1 =	vand.u32 $0x380, v2;
	v0 =	vmovc v3;
	v2 =	vadd.s32 v4, v5  }
.Ltmp4:
0x45: {  	_ = 	snop;
	(pc) =	sbr.rel .LBB2_4-.Ltmp4, $1  }
0x46: {  	_ =	sdelay $0x3  }
.LBB2_6:
0x47: {  	_ =	sfence.sel $0x180000  }
0x48: {  	s2 =	simm.s32 $0x2;
	[bflag:$0x0] =	sbarrier.arrive $0xFFFF  }
0x49: {  	s30 =	simm.s32 $0x3;
	[sflag:s2] =	ssyncpa.u1 $0x1  }
0x4a: {  	s31 =	simm.s32 $0x1;
	[sflag:s30] =	ssyncpa.u1 $0x1  }
0x4b: {  	[sflag:s31] =	ssyncpa.u1 $0x1  }
0x4c: {  	p0 =	sne.s32 s1, $0x0;
	_ =	strace $0x90000059  }
0x4d: {  	s0 =	sadd.s32 @!p0 $0x100000, s0;
	[bflag:$0x2] =	sbarrier.arrive $0xFFFF  }
0x4e: {  	[sflag:s0] =	ssyncadd.tile.s32 @!p0 $0x1;
	_ =	shalt  }
.Lfunc_end2:
_tile_overlayer_lowered:
.L_overlay_start_2:
0x4f: {  	(tag) =	ssettag $0x2  }
0x50: {  	s0 =	rddreg [dreg:$0x0];
	s2 =	stileid.u32  }
0x51: {  	s1 =	rddreg [dreg:$0x1];
	p0 =	sne.s32 s2, $0x0  }
0x52: {  	s3 =	rddreg [dreg:$0x2];
	[bflag:$0x3] =	sbarrier.arrive $0xFFFF;
	s2 =	simm.s32 @!p0 $0x1C01  }
0x53: {  	[timem:s3], [sflag:s2] =	dma.local @!p0 [hbm:s0], s1  }
0x54: {  	s0 =	simm.s32 @!p0 $0x1  }
0x55: {  	_ =	swait.ge @!p0 [sflag:s0], s1  }
0x56: {  	s1 =	ssub.s32 @!p0 $0x0, s1;
	[sflag:s0] =	ssyncset.done @!p0 $0x0  }
0x57: {  	[sflag:s0] =	ssyncadd.s32 @!p0 s1  }
0x58: {  	[bflag:$0x3] =	sbarrier.arrive $0xFFFF  }
0x59: {  	_ =	shalt  }

// kernel: gather_offload_async_start
scs
__scs_entry_jumppad:
0x0: {  	(pc) =	sbr.rel $0x88, $3  }
0x1: {  	(tag) =	ssettag $0x0;
	lr =	simm.s32 $0x1  }
0x2: {  	[smem:$0x3F9E] =	sst lr;
	_ =	strace $0xD0000000  }
0x3: {  	_ = 	snop  }
0x4: {  	_ = 	snop  }
0x5: {  	_ = 	snop  }
0x6: {  	_ = 	snop  }
0x7: {  	_ = 	snop  }
__scs_overlays_trampoline_lowered:
0x8: {  	[smem:$0x3FAD] =	sst s0  }
0x9: {  	[smem:$0x3FAE] =	sst s1  }
0xa: {  	[smem:$0x3FAF] =	sst s2  }
0xb: {  	[smem:$0x3FB0] =	sst s3  }
0xc: {  	[smem:$0x3FB1] =	sst s4  }
0xd: {  	[smem:$0x3FB2] =	sst s5  }
0xe: {  	[smem:$0x3FB3] =	sst s6  }
0xf: {  	[smem:$0x3FB4] =	sst s7  }
0x10: {  	[smem:$0x3FB5] =	sst s8  }
0x11: {  	[smem:$0x3FB6] =	sst s9;
	s0 =	simm.s32 @!p0 $0x0  }
0x12: {  	s1 =	sld [smem:$0x3F9C];
	s0 =	simm.s32 @p0 $0x1  }
0x13: {  	[smem:$0x3FB7] =	sst s0;
	s0 =	simm.s32 @!p1 $0x0  }
0x14: {  	s2 =	sld [smem:$0x3F9B];
	s0 =	simm.s32 @p1 $0x1  }
0x15: {  	[smem:$0x3FB8] =	sst s0;
	s0 =	simm.s32 @!p2 $0x0  }
0x16: {  	s3 =	sld [smem:$0x3FDB];
	s0 =	simm.s32 @p2 $0x1  }
0x17: {  	s4 =	simm.s32 $0x1BF5;
	[smem:$0x3FBA] =	sst s0  }
0x18: {  	s0 =	sld [smem:$0x3F9D];
	_ =	swait.ge [sflag:s4], $0x0  }
0x19: {  	s7 =	sld [smem:$0x3F9E]  }
0x1a: {  	s8 =	sadd.s32 $0xFFFFE003, lr  }
0x1b: {  	s9 =	sadd.s32 $0xFFFFFEF7, lr;
	s5 =	simm.s32 $0xFFFFFFFF;
	p2 =	slt.u32 s8, $0xFFFFF086  }
0x1c: {  	p1 =	slt.u32 s9, $0xF7A;
	s5 =	simm.s32 @!p2 $0x0  }
0x1d: {  	s5 =	simm.s32 @p1 $0x1;
	p0 =	seq.s32 s7, s2  }
0x1e: {  	s7 =	smul.u32 @!p0 $0xF7A, s2;
	p2 =	seq.s32 @!p0 s5, $0x0  }
0x1f: {  	s9 =	smul.u32 $0xF7A, s1;
	s8 =	simm.s32 @!p0 $0x1BF5;
	p2 =	por !p2, p0  }
0x20: {  	[sflag:s8] =	ssyncset.s32 @!p0 $0xFFFFF086;
	s6 =	sadd.s32 @!p0 s3, s7;
	s7 =	simm.s32 @!p0 $0x108  }
0x21: {  	s3 =	sadd.s32 s3, s9;
	s6 =	sadd.s32 @!p0 $0x88, s6;
	s7 =	simm.s32 @p2 $0x1082  }
0x22: {  	[simem:s7], [sflag:s8] =	dma.local @!p0 [hbm:s6], $0xF7A  }
0x23: {  	s9 =	sor.u32 $0xD0000000, s2;
	s6 =	simm.s32 $0x108;
	_ =	swait.ge @!p0 [sflag:s8], $0x0  }
0x24: {  	s3 =	sadd.s32 $0x88, s3;
	s6 =	simm.s32 @!p1 $0x1082;
	[sflag:s4] =	ssyncset.s32 $0xFFFFF086  }
0x25: {  	[simem:s6], [sflag:s4] =	dma.local [hbm:s3], $0xF7A  }
0x26: {  	[smem:$0x3F9E] =	sst s1;
	(tag) =	ssettag s2;
	_ =	strace s9  }
0x27: {  	s1 =	sld [smem:$0x3FAE]  }
0x28: {  	s2 =	sld [smem:$0x3FAF]  }
0x29: {  	s4 =	sld [smem:$0x3FB1]  }
0x2a: {  	p0 =	seq.s32 s5, $0x0;
	s5 =	sld [smem:$0x3FB2]  }
0x2b: {  	s6 =	sld [smem:$0x3FB3]  }
0x2c: {  	s7 =	sld [smem:$0x3FB4]  }
0x2d: {  	s3 =	simm.s32 $0x108;
	s8 =	sld [smem:$0x3FB5]  }
0x2e: {  	s3 =	simm.s32 @!p0 $0x1082;
	s9 =	sld [smem:$0x3FB6]  }
0x2f: {  	lr =	sadd.s32 s0, s3;
	s0 =	sld [smem:$0x3FAD]  }
0x30: {  	s3 =	sld [smem:$0x3FB0]  }
0x31: {  	[smem:$0x3FB9] =	sst s10  }
0x32: {  	s10 =	sld [smem:$0x3FB7];
	_ =	sdelay $0x3  }
0x33: {  	p0 =	seq.s32 s10, $0x1;
	s10 =	sld [smem:$0x3FB9];
	_ =	sdelay $0x3  }
0x34: {  	[smem:$0x3FB9] =	sst s10  }
0x35: {  	s10 =	sld [smem:$0x3FB8];
	_ =	sdelay $0x3  }
0x36: {  	p1 =	seq.s32 s10, $0x1;
	s10 =	sld [smem:$0x3FB9];
	_ =	sdelay $0x3  }
0x37: {  	[smem:$0x3FB9] =	sst s10  }
0x38: {  	s10 =	sld [smem:$0x3FBA]  }
0x39: {  	_ = 	snop;
	(pc) =	sbr.ind lr, $3  }
0x3a: {  	_ = 	snop  }
0x3b: {  	_ = 	snop  }
0x3c: {  	p2 =	seq.s32 s10, $0x1;
	s10 =	sld [smem:$0x3FB9]  }
0x3d: {  	_ =	shalt  }
0x3e: {  	_ =	shalt  }
0x3f: {  	_ =	shalt  }
0x40: {  	_ =	shalt  }
0x41: {  	_ =	shalt  }
0x42: {  	_ =	shalt  }
0x43: {  	_ =	shalt  }
0x44: {  	_ =	shalt  }
0x45: {  	_ =	shalt  }
0x46: {  	_ =	shalt  }
0x47: {  	_ =	shalt  }
0x48: {  	_ =	shalt  }
0x49: {  	_ =	shalt  }
0x4a: {  	_ =	shalt  }
0x4b: {  	_ =	shalt  }
0x4c: {  	_ =	shalt  }
0x4d: {  	_ =	shalt  }
0x4e: {  	_ =	shalt  }
0x4f: {  	_ =	shalt  }
0x50: {  	_ =	shalt  }
0x51: {  	_ =	shalt  }
0x52: {  	_ =	shalt  }
0x53: {  	_ =	shalt  }
0x54: {  	_ =	shalt  }
0x55: {  	_ =	shalt  }
0x56: {  	_ =	shalt  }
0x57: {  	_ =	shalt  }
0x58: {  	_ =	shalt  }
0x59: {  	_ =	shalt  }
0x5a: {  	_ =	shalt  }
0x5b: {  	_ =	shalt  }
0x5c: {  	_ =	shalt  }
0x5d: {  	_ =	shalt  }
0x5e: {  	_ =	shalt  }
0x5f: {  	_ =	shalt  }
0x60: {  	_ =	shalt  }
0x61: {  	_ =	shalt  }
0x62: {  	_ =	shalt  }
0x63: {  	_ =	shalt  }
0x64: {  	_ =	shalt  }
0x65: {  	_ =	shalt  }
0x66: {  	_ =	shalt  }
0x67: {  	_ =	shalt  }
0x68: {  	_ =	shalt  }
0x69: {  	_ =	shalt  }
0x6a: {  	_ =	shalt  }
0x6b: {  	_ =	shalt  }
0x6c: {  	_ =	shalt  }
0x6d: {  	_ =	shalt  }
0x6e: {  	_ =	shalt  }
0x6f: {  	_ =	shalt  }
0x70: {  	_ =	shalt  }
0x71: {  	_ =	shalt  }
0x72: {  	_ =	shalt  }
0x73: {  	_ =	shalt  }
0x74: {  	_ =	shalt  }
0x75: {  	_ =	shalt  }
0x76: {  	_ =	shalt  }
0x77: {  	_ =	shalt  }
0x78: {  	_ =	shalt  }
0x79: {  	_ =	shalt  }
0x7a: {  	_ =	shalt  }
0x7b: {  	_ =	shalt  }
0x7c: {  	_ =	shalt  }
0x7d: {  	_ =	shalt  }
0x7e: {  	_ =	shalt  }
0x7f: {  	_ =	shalt  }
0x80: {  	_ =	shalt  }
0x81: {  	_ =	shalt  }
0x82: {  	_ =	shalt  }
0x83: {  	_ =	shalt  }
0x84: {  	_ =	shalt  }
0x85: {  	_ =	shalt  }
0x86: {  	_ =	shalt  }
0x87: {  	_ =	shalt  }
.Lfunc_end0:
.L_simem_size_0:
called_computation_lowered:
.L_overlay_start_0:
0x88: {  	s2 =	sld [smem:$0x3FD9]  }
0x89: {  	s3 =	sld [smem:$0x3FFE];
	_ =	sdelay $0x1  }
0x8a: {  	s1 =	srdreg.scid  }
0x8b: {  	s0 =	sand.u32 $0x1, s1  }
0x8c: {  	s17 =	sshll.u32 s0, $0xA;
	s2 =	sadd.s32 s3, s2  }
0x8d: {  	s2 =	sadd.s32 s2, s17  }
0x8e: {  	[smem:$0x3FC5] =	sst s2  }
0x8f: {  	_ = 	snop  }
0x90: {  	s18 =	sld [smem:$0x3FC8];
	(tm) =	ssettm $0x1  }
0x91: {  	s19 =	sld [smem:$0x3FFB];
	_ =	sdelay $0x3  }
0x92: {  	_ =	strace s19  }
0x93: {  	s2 =	sld [smem:$0x3FFC];
	_ =	sdelay $0x3  }
0x94: {  	_ =	strace s2  }
0x95: {  	s2 =	sld [smem:$0x3FFD];
	_ =	sdelay $0x3  }
0x96: {  	_ =	strace s2  }
0x97: {  	_ =	strace $0x8FFFFFFF  }
0x98: {  	s20 =	sld [smem:$0x3FDB];
	_ =	sdelay $0x1  }
0x99: {  	s4 =	simm.s32 $_scs_section_size  }
0x9a: {  	s5 =	simm.s32 $_size__tile_overlayer_lowered;
	s6 =	simm.s32 $_tile_overlayer_lowered  }
0x9b: {  	s7 =	simm.s32 $0x1BFF;
	s21 =	sshll.u32 s6, $0x1;
	s4 =	sadd.s32 s4, s20  }
0x9c: {  	s22 =	simm.s32 $0x0;
	s5 =	sshll.u32 s5, $0x1;
	s6 =	sadd.s32 s21, s4  }
0x9d: {  	[timem:s22], [sflag:s7] =	dma.local [hbm:s6], s5  }
0x9e: {  	_ =	swait.ge [sflag:s7], s5  }
0x9f: {  	s5 =	ssub.s32 $0x0, s5;
	[sflag:s7] =	ssyncset.done $0x0  }
0xa0: {  	[sflag:s7] =	ssyncadd.s32 s5;
	_ =	sdelay $0x1  }
0xa1: {  	s23 =	simm.s32 $0x1B8B  }
0xa2: {  	_ =	swait.ge [sflag:s23], $0x1  }
0xa3: {  	[sflag:s23] =	ssyncset.done $0x0  }
0xa4: {  	[sflag:s23] =	ssyncadd.s32 $0xFFFFFFFF  }
0xa5: {  	s5 =	sld [smem:$0x0]  }
0xa6: {  	s6 =	sand.u32 $0xFFFFFFFE, s1  }
0xa7: {  	p0 =	sne.s32 s1, s6  }
0xa8: {  	s6 =	sshll.u32 @p0 s6, $0xE  }
0xa9: {  	s6 =	sadd.s32 @p0 $0x11B8D, s6;
	s7 =	sshll.u32 @p0 s5, $0x11  }
0xaa: {  	s6 =	sor.u32 @p0 s7, s6  }
0xab: {  	[sflag:s6] =	ssyncadd.remote.s32 @p0 $0x1;
	_ =	sdelay $0x1  }
0xac: {  	s6 =	simm.s32 @p0 $0x1B8D  }
0xad: {  	_ =	swait.eq @p0 [sflag:s6], $0x1  }
0xae: {  	[sflag:s6] =	ssyncadd.s32 @p0 $0xFFFFFFFF  }
0xaf: {  	s7 =	sshll.u32 @!p0 s1, $0xE  }
0xb0: {  	s7 =	sor.u32 @!p0 $0x4000, s7;
	s6 =	simm.s32 @!p0 $0x1B8D  }
0xb1: {  	s5 =	sshll.u32 @!p0 s5, $0x11;
	s7 =	sadd.s32 @!p0 $0x11B8D, s7;
	_ =	swait.eq @!p0 [sflag:s6], $0x1  }
0xb2: {  	s5 =	sor.u32 @!p0 s5, s7;
	[sflag:s6] =	ssyncadd.s32 @!p0 $0xFFFFFFFF  }
0xb3: {  	s25 =	simm.s32 $0x1B8E;
	s24 =	sld [smem:$0x3FFE];
	[sflag:s5] =	ssyncadd.remote.s32 @!p0 $0x1  }
0xb4: {  	s26 =	simm.s32 $execute0_lowered;
	[smem:$0x3FD2] =	sst s25  }
0xb5: {  	s6 =	sshll.u32 s26, $0x1;
	_ =	strace $0x8000004F;
	[dreg:$0x1] =	wrdreg $0xFFFFFFFF  }
0xb6: {  	s28 =	simm.s32 $_size_execute0_lowered;
	s4 =	sadd.s32 s4, s6;
	[dreg:$0x0] =	wrdreg $0x0  }
0xb7: {  	s6 =	sshll.u32 s28, $0x1;
	[dreg:$0x2] =	wrdreg s4  }
0xb8: {  	[dreg:$0x3] =	wrdreg s6  }
0xb9: {  	[dreg:$0x4] =	wrdreg $0xC0  }
0xba: {  	_ =	task [dreg:s22], $0x5FFFF  }
0xbb: {  	[dreg:$0x1] =	wrdreg $0xFFFFFFFF  }
0xbc: {  	[dreg:$0x0] =	wrdreg $0x60  }
0xbd: {  	[dreg:$0x2] =	wrdreg s18  }
0xbe: {  	[dreg:$0x3] =	wrdreg s24  }
0xbf: {  	[dreg:$0x4] =	wrdreg $0x9  }
0xc0: {  	_ =	task.clear_ibuf [dreg:s22], $0x5FFFF;
	_ =	strace $0x9000004F  }
0xc1: {  	s29 =	simm.s32 $0x9;
	_ =	strace $0x80000051  }
0xc2: {  	_ =	swait.ge [sflag:s29], $0x1  }
0xc3: {  	[sflag:s29] =	ssyncadd.s32 $0xFFFFFFFF  }
0xc4: {  	_ =	strace $0x90000051  }
0xc5: {  	_ =	sfence  }
0xc6: {  	s30 =	sld [smem:$0x0];
	_ =	sdelay $0x2  }
0xc7: {  	s31 =	sshll.u32 s1, $0xD;
	s1 =	sshrl.u32 s1, $0x2  }
0xc8: {  	s4 =	sand.u32 $0x4000, s31;
	s1 =	sadd.s32 s1, s30  }
0xc9: {  	s0 =	sor.u32 s4, s0;
	s1 =	sshll.u32 s1, $0x11  }
0xca: {  	s0 =	sor.u32 s1, s0  }
0xcb: {  	s0 =	sadd.s32 $0x8F2B, s0  }
0xcc: {  	[sflag:s0] =	ssyncadd.remote.s32 $0x1  }
0xcd: {  	_ =	sfence.sel $0xFFFF  }
0xce: {  	[dreg:$0x0] =	wrdreg $0xFFFFFFFF;
	(pc) =	sbr.abs _section_cstart, $3  }
0xcf: {  	[dreg:$0x1] =	wrdreg $0xFFFFFFFF  }
0xd0: {  	_ =	task.clear_ibuf [dreg:s22], $0x2FFFF;
	_ =	strace $0x9FFFFFFF  }
0xd1: {  	(tm) =	ssettm $0x7FFFFFFF  }
tec
execute0_lowered:
.L_overlay_start_1:
0x0: {  	(tag) =	ssettag $0x1  }
0x1: {  	s1 =	srdreg.scid;
	s2 =	rddreg [dreg:$0x0]  }
0x2: {  	s0 =	stileid.u32;
	s5 =	rddreg [dreg:$0x1];
	s6 =	simm.s32 $0x1  }
0x3: {  	s9 =	simm.s32 $0x1;
	s10 =	simm.s32 $0x3;
	s1 =	sshll.u32 s1, $0xE  }
0x4: {  	s13 =	simm.s32 $0x0;
	s3 =	sshll.u32 s0, $0xF;
	s4 =	sand.u32 $0x4000, s1  }
0x5: {  	s12 =	simm.s32 $0x0;
	s1 =	rddreg [dreg:$0x2];
	s3 =	sor.u32 s3, s4  }
0x6: {  	_ =	strace $0x80000050;
	s4 =	sadd.s32 $0xA0200, s5;
	s8 =	ssub.s32 $0x100000, s3  }
.Ltmp0:
0x7: {  	s5 =	sadd.s32 $0x120200, s5;
	s7 =	sand.u32 $0x7C000, s8;
	(pc) =	sbr.rel .LBB2_1-.Ltmp0, $4  }
0x8: {  	[sflag:s6] =	ssyncpa.u1 $0x0;
	s11 =	smov.u32 s3;
	p0 =	sne.s32 s7, $0x0  }
0x9: {  	s8 =	sshrl.u32 s8, $0x13;
	s7 =	simm.s32 $0x2;
	s9 =	simm.s32 @!p0 $0x0  }
0xa: {  	[sflag:s7] =	ssyncpa.u1 $0x0;
	p0 =	por $0x0, $0x0;
	s8 =	sadd.s32 s9, s8  }
0xb: {  	vm0 =	vmmov $0xffff;
	[sflag:s10] =	ssyncpa.u1 $0x0;
	s10 =	simm.s32 $0x0;
	s9 =	sadd.s32 $0x1, s8  }
.LBB2_4:
0xc: {  	v3 =	vshrl.u32 v0, $0x2;
	v4 =	vshrl.u32 v0, $0xB;
	v1 =	vor.u32 v1, v2  }
0xd: {  	v62 =	vshll.u32 v0, $0x12;
	v60 =	vand.u32 $0x1FF, v3;
	v61 =	vand.u32 $0x1FF, v4  }
0xe: {  	v0 =	vand.u32 $0xC0000, v62;
	v2 =	vsel vm1, $0xFFFFFFFF, v60;
	v3 =	vsel vm1, $0xFFFFFFFF, v61  }
0xf: {  	v0 =	vsel vm1, $0xFFFC0000, v0;
	v63 =	vand.u32 $0x7F, v3;
	v5 =	vshll.u32 v2, $0x9  }
0x10: {  	v3 =	vshll.u32 v3, $0x3;
	v5 =	vand.u32 $0xFFFFF000, v5;
	v0 =	vor.u32 v0, v63  }
0x11: {  	v2 =	vshll.u32 v2, $0x7;
	v3 =	vand.u32 $0xFFFFFC00, v3;
	v0 =	vadd.s32 v5, v0  }
0x12: {  	v2 =	vand.u32 $0x380, v2;
	v0 =	vadd.s32 v3, v0  }
0x13: {  	v0 =	vor.u32 v2, v0;
	_ =	sdelay $0x1  }
0x14: {  	(ifvalue) =	ssetifvalue $0x7FFFFFFF;
	s14 =	sadd.s32 $0x10, s14  }
0x15: {  	[tilespmem:s14], [sflag:$0x1] =	stream.indirect_vreg.gather [hbm4b:s2+s10], $0x1, v1, vm0, $0x4038;
	[tilespmem:$0x10000] =	vst v63  }
0x16: {  	(ifvalue) =	ssetifvalue $0x7FFFFFFF;
	s14 =	sadd.s32 $0x10, s14  }
0x17: {  	[tilespmem:s14], [sflag:$0x1] =	stream.indirect_vreg.gather [hbm4b:s2+s10], $0x1, v0, vm0, $0x4038;
	[tilespmem:$0x10000] =	vst v63  }
0x18: {  	_ =	swait.ge [sflag:s6], $0x4000  }
0x19: {  	s30 =	sshrl.u32 s13, $0x3;
	[sflag:s6] =	ssyncset.done $0x0  }
0x1a: {  	s31 =	sand.u32 $0x7, s13;
	s14 =	sadd.s32 s5, s30;
	[sflag:s6] =	ssyncadd.s32 $0xFFFFC000  }
0x1b: {  	[hbm4b:s14+s31] =	stream.linear.scatter [tilespmem:s15], [sflag:$0x3], $0x4000, $0x38;
	[tilespmem:$0x10000] =	vst v63  }
.LBB2_5:
0x1c: {  	s15 =	sadd.s32 $0x80000, s11  }
0x1d: {  	p2 =	sgt.s32 s15, $0xFFFFF  }
0x1e: {  	s15 =	smov.u32 @p2 s3;
	p2 =	sne.s32 s12, s9  }
.Ltmp1:
0x1f: {  	p1 =	slt.u32 s12, $0x2;
	(pc) =	sbr.rel @!p2 .LBB2_6-.Ltmp1, $4  }
0x20: {  	s14 =	simm.s32 @!p1 $0x3  }
0x21: {  	s16 =	sadd.s32 $0x1, s12;
	_ =	swait.ge @!p1 [sflag:s14], $0x4000  }
0x22: {  	s13 =	smov.u32 s11;
	p0 =	por !p0, !p0;
	[sflag:s14] =	ssyncset.done @!p1 $0x0  }
0x23: {  	s12 =	smov.u32 s16;
	s11 =	smov.u32 s15;
	[sflag:s14] =	ssyncadd.s32 @!p1 $0xFFFFC000  }
.LBB2_1:
0x24: {  	p1 =	sge.u32 s12, s8  }
0x25: {  	s14 =	sxor.u32 @!p1 $0xFFFFFFFF, s12  }
0x26: {  	s31 =	sadd.s32 $0xFFFFFFFF, s12;
	s15 =	sshrl.u32 @!p1 s11, $0x3;
	s14 =	sshll.u32 @!p1 s14, $0xE  }
0x27: {  	s16 =	sand.u32 @!p1 $0x7, s11;
	s15 =	sadd.s32 @!p1 s4, s15;
	s14 =	sand.u32 @!p1 $0x4000, s14  }
0x28: {  	[tilespmem:s14], [sflag:$0x2] =	stream.linear.gather @!p1 [hbm4b:s15+s16], $0x4000, $0x38;
	[tilespmem:$0x10000] =	vst v63  }
0x29: {  	p1 =	sge.u32 s31, s8  }
.Ltmp2:
0x2a: {  	_ = 	snop;
	(pc) =	sbr.rel @p1 .LBB2_5-.Ltmp2, $1  }
0x2b: {  	_ =	sdelay $0x3  }
0x2c: {  	s14 =	simm.s32 $0x1  }
0x2d: {  	_ =	swait.ge [sflag:s7], $0x4000;
	s14 =	simm.s32 @!p0 $0x0  }
0x2e: {  	[sflag:s7] =	ssyncset.done $0x0;
	s14 =	sshll.u32 s14, $0xE  }
0x2f: {  	[sflag:s7] =	ssyncadd.s32 $0xFFFFC000;
	(ifvalue) =	ssetifvalue $0x7FFFFFFF;
	v0 =	vld.msk [tilespmem:s14+$0x0 ss:$0x1], $0xffff;
	_ =	sdelay $0x4  }
0x30: {  	s15 =	sadd.s32 $0x10, s14;
	vm1 =	veq.s32 v0, $0x80000000;
	v1 =	vshrl.u32 v0, $0x2;
	v2 =	vshrl.u32 v0, $0xB  }
0x31: {  	v3 =	vld.msk [tilespmem:s15+$0x0 ss:$0x1], $0xffff;
	v0 =	vshll.u32 v0, $0x12;
	v1 =	vand.u32 $0x1FF, v1;
	v2 =	vand.u32 $0x1FF, v2  }
0x32: {  	v0 =	vand.u32 $0xC0000, v0;
	v1 =	vsel vm1, $0xFFFFFFFF, v1;
	v2 =	vsel vm1, $0xFFFFFFFF, v2  }
0x33: {  	v0 =	vsel vm1, $0xFFFC0000, v0;
	v4 =	vand.u32 $0x7F, v2;
	v5 =	vshll.u32 v1, $0x9  }
0x34: {  	v2 =	vshll.u32 v2, $0x3;
	v5 =	vand.u32 $0xFFFFF000, v5;
	v0 =	vor.u32 v0, v4  }
0x35: {  	v1 =	vshll.u32 v1, $0x7;
	v2 =	vand.u32 $0xFFFFFC00, v2;
	v0 =	vadd.s32 v5, v0  }
0x36: {  	v62 =	vshrl.u32 v3, $0xB;
	v1 =	vand.u32 $0x380, v1;
	v0 =	vadd.s32 v2, v0  }
0x37: {  	s17 =	sadd.s32 $0x10, s15;
	vm1 =	veq.s32 v3, $0x80000000;
	v2 =	vshrl.u32 v3, $0x2;
	v1 =	vor.u32 v1, v0  }
0x38: {  	v4 =	vand.u32 $0x1FF, v62;
	v3 =	vshll.u32 v3, $0x12;
	v0 =	vld.msk [tilespmem:s17+$0x0 ss:$0x1], $0xffff;
	v2 =	vand.u32 $0x1FF, v2  }
0x39: {  	v4 =	vsel vm1, $0xFFFFFFFF, v4;
	v3 =	vand.u32 $0xC0000, v3;
	v2 =	vsel vm1, $0xFFFFFFFF, v2  }
0x3a: {  	s31 =	sshll.u32 s12, $0xE;
	v63 =	vand.u32 $0x7F, v4;
	v3 =	vsel vm1, $0xFFFC0000, v3;
	v6 =	vshll.u32 v2, $0x9  }
0x3b: {  	s14 =	sor.u32 $0x8000, s14;
	s15 =	sand.u32 $0x4000, s31;
	v4 =	vshll.u32 v4, $0x3;
	(ifvalue) =	ssetifvalue $0x7FFFFFFF;
	v3 =	vor.u32 v3, v63;
	v6 =	vand.u32 $0xFFFFF000, v6  }
0x3c: {  	v4 =	vand.u32 $0xFFFFFC00, v4;
	[tilespmem:s14], [sflag:$0x1] =	stream.indirect_vreg.gather [hbm4b:s2+s10], $0x1, v1, vm0, $0x4038;
	v1 =	vshll.u32 v2, $0x7;
	v2 =	vadd.s32 v6, v3;
	[tilespmem:$0x10000] =	vst v63  }
0x3d: {  	s16 =	simm.s32 $0x20;
	s15 =	sor.u32 $0x8000, s15;
	s17 =	sadd.s32 $0x10, s17;
	vm1 =	veq.s32 v0, $0x80000000;
	v1 =	vand.u32 $0x380, v1;
	v2 =	vadd.s32 v4, v2  }
.LBB2_3:
0x3e: {  	v3 =	vld.msk [tilespmem:s17+$0x0 ss:$0x1], $0xffff;
	v4 =	vshrl.u32 v0, $0x2;
	v5 =	vshrl.u32 v0, $0xB;
	v1 =	vor.u32 v1, v2;
	s16 =	sadd.s32 $0x10, s16  }
0x3f: {  	v0 =	vshll.u32 v0, $0x12;
	v2 =	vand.u32 $0x1FF, v4;
	v4 =	vand.u32 $0x1FF, v5;
	p1 =	slt.u32 s16, $0x3FF0  }
.Ltmp3:
0x40: {  	v0 =	vand.u32 $0xC0000, v0;
	v2 =	vsel vm1, $0xFFFFFFFF, v2;
	v4 =	vsel vm1, $0xFFFFFFFF, v4;
	(pc) =	sbr.rel @p1 .LBB2_3-.Ltmp3, $4  }
0x41: {  	v0 =	vsel vm1, $0xFFFC0000, v0;
	v5 =	vand.u32 $0x7F, v4;
	v6 =	vshll.u32 v2, $0x9  }
0x42: {  	s14 =	sadd.s32 $0x10, s14;
	v4 =	vshll.u32 v4, $0x3;
	v6 =	vand.u32 $0xFFFFF000, v6;
	v7 =	vor.u32 v0, v5;
	(ifvalue) =	ssetifvalue $0x7FFFFFFF  }
0x43: {  	v2 =	vshll.u32 v2, $0x7;
	v4 =	vand.u32 $0xFFFFFC00, v4;
	v5 =	vadd.s32 v6, v7;
	[tilespmem:s14], [sflag:$0x1] =	stream.indirect_vreg.gather [hbm4b:s2+s10], $0x1, v1, vm0, $0x4038;
	[tilespmem:$0x10000] =	vst v63  }
0x44: {  	s17 =	sadd.s32 $0x10, s17;
	vm1 =	veq.s32 v3, $0x80000000;
	v1 =	vand.u32 $0x380, v2;
	v0 =	vmovc v3;
	v2 =	vadd.s32 v4, v5  }
.Ltmp4:
0x45: {  	_ = 	snop;
	(pc) =	sbr.rel .LBB2_4-.Ltmp4, $1  }
0x46: {  	_ =	sdelay $0x3  }
.LBB2_6:
0x47: {  	_ =	sfence.sel $0x180000  }
0x48: {  	s2 =	simm.s32 $0x2;
	[bflag:$0x0] =	sbarrier.arrive $0xFFFF  }
0x49: {  	s30 =	simm.s32 $0x3;
	[sflag:s2] =	ssyncpa.u1 $0x1  }
0x4a: {  	s31 =	simm.s32 $0x1;
	[sflag:s30] =	ssyncpa.u1 $0x1  }
0x4b: {  	[sflag:s31] =	ssyncpa.u1 $0x1  }
0x4c: {  	p0 =	sne.s32 s0, $0x0;
	_ =	strace $0x90000050  }
0x4d: {  	s0 =	sadd.s32 @!p0 $0x100000, s1;
	[bflag:$0x2] =	sbarrier.arrive $0xFFFF  }
0x4e: {  	[sflag:s0] =	ssyncadd.tile.s32 @!p0 $0x1;
	_ =	shalt  }
.Lfunc_end2:
_tile_overlayer_lowered:
.L_overlay_start_2:
0x4f: {  	(tag) =	ssettag $0x2  }
0x50: {  	s0 =	rddreg [dreg:$0x0];
	s2 =	stileid.u32  }
0x51: {  	s1 =	rddreg [dreg:$0x1];
	p0 =	sne.s32 s2, $0x0  }
0x52: {  	s3 =	rddreg [dreg:$0x2];
	[bflag:$0x3] =	sbarrier.arrive $0xFFFF;
	s2 =	simm.s32 @!p0 $0x1C01  }
0x53: {  	[timem:s3], [sflag:s2] =	dma.local @!p0 [hbm:s0], s1  }
0x54: {  	s0 =	simm.s32 @!p0 $0x1  }
0x55: {  	_ =	swait.ge @!p0 [sflag:s0], s1  }
0x56: {  	s1 =	ssub.s32 @!p0 $0x0, s1;
	[sflag:s0] =	ssyncset.done @!p0 $0x0  }
0x57: {  	[sflag:s0] =	ssyncadd.s32 @!p0 s1  }
0x58: {  	[bflag:$0x3] =	sbarrier.arrive $0xFFFF  }
0x59: {  	_ =	shalt  }

</sc_bundles>
